<compile_context>
chip_gen: v7x
topology: tpu7x:2x2x1
jax: 0.10.2.dev20260603
libtpu: 0.0.44.dev20260713+nightly
codegen_flags: <defaults>
</compile_context>

<pallas_src>
import functools

import jax
import jax.numpy as jnp
from jax import lax
from jax.experimental import pallas as pl
from jax.experimental.pallas import tpu as pltpu
from jax.experimental.pallas import tpu_sc as plsc

N = 10000
E = 320000
HALF = E // 2
H = 128
R = 200
NC, NS = 2, 16
EPT = HALF // NS
K = 80
NCHUNK = EPT // K
WT = 10
WR = N // WT
SR = 80
NJ = N // SR
RP = 208
DW = 128

_mesh = plsc.VectorSubcoreMesh(
    core_axis_name="c", subcore_axis_name="s", num_cores=NC, num_subcores=NS)


def _rsqrt16(v):
    i = lax.bitcast_convert_type(v, jnp.int32)
    i = jnp.int32(0x5F3759DF) - lax.shift_right_logical(i, 1)
    y = lax.bitcast_convert_type(i, jnp.float32)
    vh = v * 0.5
    y = y * (1.5 - vh * y * y)
    y = y * (1.5 - vh * y * y)
    y = y * (1.5 - vh * y * y)
    return jnp.where(v > 0.0, y, 0.0)


@functools.partial(
    pl.kernel,
    out_type=[
        jax.ShapeDtypeStruct((NC, N, DW), jnp.float32),
        jax.ShapeDtypeStruct((NC * N, H), jnp.float32),
    ],
    mesh=_mesh,
    scratch_types=[
        pltpu.VMEM_SHARED((N, DW), jnp.float32),
        pltpu.VMEM((EPT,), jnp.int32),
        pltpu.VMEM((K,), jnp.int32),
        pltpu.VMEM((K,), jnp.int32),
        pltpu.VMEM((K, DW), jnp.float32),
        pltpu.VMEM((SR, H), jnp.float32),
        pltpu.VMEM((SR, DW), jnp.float32),
        pltpu.SemaphoreType.DMA,
        pltpu.SemaphoreType.DMA,
    ],
)
def _deg_kernel(row_hbm, x_hbm, ones_hbm, zeros_hbm,
                deg_hbm, xcat_hbm,
                deg_sh, row_flat, row_v0, row_v1, ones_v, xb, db,
                semA, semB):
    c = lax.axis_index("c")
    s = lax.axis_index("s")

    @pl.when(s < WT)
    def _():
        pltpu.sync_copy(zeros_hbm, deg_sh.at[pl.ds(s * WR, WR)])

    pltpu.sync_copy(ones_hbm, ones_v)
    pltpu.sync_copy(row_hbm.at[pl.ds(c * HALF + s * EPT, EPT)], row_flat)
    plsc.subcore_barrier()

    def fill(dst, i):
        for j in range(K // 16):
            dst[pl.ds(j * 16, 16)] = row_flat[pl.ds(i * K + j * 16, 16)]

    def start(buf, sem):
        pltpu.async_copy(ones_v, deg_sh.at[buf], sem, add=True)

    def drain(buf, sem):
        pltpu.make_async_copy(ones_v, deg_sh.at[buf], sem).wait()

    fill(row_v0, 0)
    start(row_v0, semA)

    def chunk(i, carry):
        @pl.when(i % 2 == 0)
        def _():
            @pl.when(i + 1 < NCHUNK)
            def _():
                fill(row_v1, i + 1)
                start(row_v1, semB)
            drain(row_v0, semA)

        @pl.when(i % 2 == 1)
        def _():
            @pl.when(i + 1 < NCHUNK)
            def _():
                fill(row_v0, i + 1)
                start(row_v0, semA)
            drain(row_v1, semB)

        return carry

    lax.fori_loop(0, NCHUNK, chunk, 0)
    plsc.subcore_barrier()

    def scale_chunk(it, carry):
        j = it * NS + s

        @pl.when(j < NJ)
        def _():
            r0 = j * SR
            pltpu.sync_copy(x_hbm.at[pl.ds(r0, SR)], xb)
            pltpu.sync_copy(deg_sh.at[pl.ds(r0, SR)], db)

            def srow(r, carry2):
                d = _rsqrt16(db[r, pl.ds(0, 16)])
                for jj in range(H // 16):
                    sl = pl.ds(jj * 16, 16)
                    xb[r, sl] = xb[r, sl] * d
                return carry2

            lax.fori_loop(0, SR, srow, 0)
            pltpu.sync_copy(xb, xcat_hbm.at[pl.ds(c * N + r0, SR)])
            pltpu.sync_copy(db, deg_hbm.at[c, pl.ds(r0, SR)])

        return carry

    lax.fori_loop(0, (NJ + NS - 1) // NS, scale_chunk, 0)


@functools.partial(
    pl.kernel,
    out_type=jax.ShapeDtypeStruct((NC, N, H), jnp.float32),
    mesh=_mesh,
    scratch_types=[
        pltpu.VMEM_SHARED((N, H), jnp.float32),
        pltpu.VMEM((3 * K,), jnp.int32),
        pltpu.VMEM((3 * K,), jnp.int32),
        pltpu.VMEM((K,), jnp.int32),
        pltpu.VMEM((K,), jnp.int32),
        pltpu.VMEM((K, H), jnp.float32),
        pltpu.VMEM((K, H), jnp.float32),
        pltpu.VMEM((K, H), jnp.float32),
        pltpu.VMEM((K, H), jnp.float32),
        pltpu.SemaphoreType.DMA,
        pltpu.SemaphoreType.DMA,
        pltpu.SemaphoreType.DMA,
        pltpu.SemaphoreType.DMA,
        pltpu.SemaphoreType.DMA,
        pltpu.SemaphoreType.DMA,
    ],
)
def _agg_kernel(edata_hbm, xcat_hbm, rel_hbm, zeros_hbm,
                out_hbm, agg_sh, eb0, eb1, rv0, rv1,
                xr0, rr0, xr1, rr1, semg0, semg1, semi0, semi1,
                semsc0, semsc1):
    c = lax.axis_index("c")
    s = lax.axis_index("s")

    @pl.when(s < WT)
    def _():
        pltpu.sync_copy(zeros_hbm, agg_sh.at[pl.ds(s * WR, WR)])

    gbase = (c * HALF + s * EPT) // K
    off = c * N
    sets = ((eb0, rv0, xr0, rr0, semg0, semi0, semsc0),
            (eb1, rv1, xr1, rr1, semg1, semi1, semsc1))

    def unpack_idx(st):
        for j in range(K // 16):
            sl = pl.ds(j * 16, 16)
            st[0][sl] = st[0][sl] + off
            st[1][pl.ds(j * 16, 16)] = st[0][pl.ds(K + j * 16, 16)]

    def load_idx_sync(i, st):
        pltpu.sync_copy(edata_hbm.at[pl.ds((gbase + i) * 3 * K, 3 * K)],
                        st[0])
        unpack_idx(st)

    def load_idx_async(i, st):
        pltpu.async_copy(edata_hbm.at[pl.ds((gbase + i) * 3 * K, 3 * K)],
                         st[0], st[5])

    def wait_idx(i, st):
        pltpu.make_async_copy(
            edata_hbm.at[pl.ds((gbase + i) * 3 * K, 3 * K)],
            st[0], st[5]).wait()
        unpack_idx(st)

    def start_gather(st):
        pltpu.async_copy(xcat_hbm.at[st[0].at[pl.ds(0, K)]], st[2], st[4])
        pltpu.async_copy(rel_hbm.at[st[0].at[pl.ds(2 * K, K)]], st[3], st[4])

    def wait_gather(st):
        pltpu.make_async_copy(
            xcat_hbm.at[st[0].at[pl.ds(0, K)]], st[2], st[4]).wait()
        pltpu.make_async_copy(
            rel_hbm.at[st[0].at[pl.ds(2 * K, K)]], st[3], st[4]).wait()

    def start_scatter(st):
        pltpu.async_copy(st[2], agg_sh.at[st[1]], st[6], add=True)

    def drain_scatter(st):
        pltpu.make_async_copy(st[2], agg_sh.at[st[1]], st[6]).wait()

    def step(i, cur, nxt):
        wait_gather(cur)

        @pl.when(i + 1 < NCHUNK)
        def _():
            @pl.when(i >= 1)
            def _():
                drain_scatter(nxt)
                wait_idx(i + 1, nxt)
            start_gather(nxt)

        xr, rr = cur[2], cur[3]

        def mul_rows(q, carry):
            for u in range(4):
                r = q * 4 + u
                for j in range(H // 16):
                    sl = pl.ds(j * 16, 16)
                    xr[r, sl] = xr[r, sl] * rr[r, sl]
            return carry

        lax.fori_loop(0, K // 4, mul_rows, 0)
        start_scatter(cur)

        @pl.when(i + 2 < NCHUNK)
        def _():
            load_idx_async(i + 2, cur)

    load_idx_sync(0, sets[0])
    load_idx_sync(1, sets[1])
    plsc.subcore_barrier()
    start_gather(sets[0])

    def chunk(i, carry):
        @pl.when(i % 2 == 0)
        def _():
            step(i, sets[0], sets[1])

        @pl.when(i % 2 == 1)
        def _():
            step(i, sets[1], sets[0])

        return carry

    lax.fori_loop(0, NCHUNK, chunk, 0)
    drain_scatter(sets[(NCHUNK - 2) % 2])
    drain_scatter(sets[(NCHUNK - 1) % 2])
    plsc.subcore_barrier()

    @pl.when(s < WT)
    def _():
        pltpu.sync_copy(agg_sh.at[pl.ds(s * WR, WR)],
                        out_hbm.at[c, pl.ds(s * WR, WR)])


_B = 1000
_NB = N // _B


def _dense_body(agg_ref, deg_ref, x_ref, lrel_ref, w_in_ref, w_out_ref,
                w_loop_ref, relcat_ref, w_rel_ref, gamma_ref, beta_ref,
                out_ref, relout_ref, y_scr, acc_ref):
    p = pl.program_id(0)
    i = pl.program_id(1)

    @pl.when(p == 0)
    def _():
        d = deg_ref[...][:, :, 0:1]
        di = jnp.where(d > 0, lax.rsqrt(d), 0.0)
        a_in = agg_ref[0] * di[0]
        a_out = agg_ref[1] * di[1]
        xl = x_ref[...] * lrel_ref[...]
        y = (jnp.dot(a_in, w_in_ref[...], preferred_element_type=jnp.float32)
             + jnp.dot(a_out, w_out_ref[...],
                       preferred_element_type=jnp.float32)
             + jnp.dot(xl, w_loop_ref[...],
                       preferred_element_type=jnp.float32)) * (1.0 / 3.0)
        y_scr[pl.ds(i * _B, _B), :] = y

        @pl.when(i == 0)
        def _():
            acc_ref[...] = jnp.zeros_like(acc_ref)
            relout_ref[...] = jnp.dot(relcat_ref[...], w_rel_ref[...],
                                      preferred_element_type=jnp.float32)

        acc_ref[0, :] += jnp.sum(y, axis=0)
        acc_ref[1, :] += jnp.sum(y * y, axis=0)

    @pl.when(p == 1)
    def _():
        mean = acc_ref[0:1, :] * (1.0 / N)
        var = acc_ref[1:2, :] * (1.0 / N) - mean * mean
        inv = lax.rsqrt(var + 1e-5)
        y = y_scr[pl.ds(i * _B, _B), :]
        out_ref[...] = gamma_ref[...] * ((y - mean) * inv) + beta_ref[...]


def _dense_call(agg, deg, x, lrel, w_in, w_out, w_loop, relcat_p, w_rel,
                gamma, beta):
    full = lambda shape: pl.BlockSpec(
        shape, lambda p, i: tuple(0 for _ in shape))
    return pl.pallas_call(
        _dense_body,
        grid=(2, _NB),
        in_specs=[
            pl.BlockSpec((NC, _B, H), lambda p, i: (0, i * (1 - p), 0)),
            pl.BlockSpec((NC, _B, DW), lambda p, i: (0, i * (1 - p), 0)),
            pl.BlockSpec((_B, H), lambda p, i: (i * (1 - p), 0)),
            full((1, H)),
            full((H, H)),
            full((H, H)),
            full((H, H)),
            full(relcat_p.shape),
            full((H, H)),
            full((1, H)),
            full((1, H)),
        ],
        out_specs=[
            pl.BlockSpec((_B, H), lambda p, i: (i, 0)),
            full(relcat_p.shape),
        ],
        out_shape=[
            jax.ShapeDtypeStruct((N, H), jnp.float32),
            jax.ShapeDtypeStruct(relcat_p.shape, jnp.float32),
        ],
        scratch_shapes=[
            pltpu.VMEM((N, H), jnp.float32),
            pltpu.VMEM((2, H), jnp.float32),
        ],
    )(agg, deg, x, lrel, w_in, w_out, w_loop, relcat_p, w_rel, gamma, beta)


def kernel(x, edge_index, edge_type, rel_embed, w_loop, w_in, w_out, w_rel,
           loop_rel, bn_gamma, bn_beta):
    ei = edge_index.astype(jnp.int32)
    et = edge_type.astype(jnp.int32)
    row_arr = ei[0]
    col_arr = ei[1]
    ones8 = jnp.ones((K, DW), jnp.float32)
    zeros8 = jnp.zeros((WR, DW), jnp.float32)
    deg, xcat = _deg_kernel(row_arr, x, ones8, zeros8)
    zerosH = jnp.zeros((WR, H), jnp.float32)
    edata = jnp.stack([col_arr.reshape(E // K, K),
                       row_arr.reshape(E // K, K),
                       et.reshape(E // K, K)], axis=1).reshape(-1)
    agg = _agg_kernel(edata, xcat, rel_embed, zerosH)
    relcat = jnp.concatenate([rel_embed, loop_rel], axis=0)
    relcat_p = jnp.pad(relcat, ((0, 7), (0, 0)))
    out, relout = _dense_call(agg, deg, x, loop_rel, w_in, w_out, w_loop,
                              relcat_p, w_rel, bn_gamma.reshape(1, H),
                              bn_beta.reshape(1, H))
    return out, relout[:R]

# --- scband reference (transcript-rebuilt; emitter-appended) ---
"""Pipeline reference for scband-comp-gcnconv-24489903522003 (READ-ONLY COPY).

The authoritative reference and input builder live on the scoring server;
editing this copy changes nothing except your own understanding.
"""

import jax, jax.numpy as jnp
import numpy as np

N_NODES = 10000
N_EDGES = 320000  # must be even: first half 'in' edges, second half 'out' edges
HIDDEN = 128
N_REL = 200


def _xavier_normal(key, shape):
    fan_in, fan_out = shape[0], shape[1]
    std = float(np.sqrt(2.0 / (fan_in + fan_out)))
    return jax.random.normal(key, shape, dtype=jnp.float32) * std


def setup_inputs(seed: int = 0) -> dict:
    key = jax.random.key(seed)
    ks = jax.random.split(key, 10)
    x = jax.random.normal(ks[0], (N_NODES, HIDDEN), dtype=jnp.float32)
    # int64 per spec; jax on CPU w/o x64 silently uses int32, which is fine for indexing
    edge_index = jax.random.randint(ks[1], (2, N_EDGES), 0, N_NODES, dtype=jnp.int32)
    edge_type = jax.random.randint(ks[2], (N_EDGES,), 0, N_REL, dtype=jnp.int32)
    rel_embed = jax.random.normal(ks[3], (N_REL, HIDDEN), dtype=jnp.float32)
    w_loop = _xavier_normal(ks[4], (HIDDEN, HIDDEN))
    w_in = _xavier_normal(ks[5], (HIDDEN, HIDDEN))
    w_out = _xavier_normal(ks[6], (HIDDEN, HIDDEN))
    w_rel = _xavier_normal(ks[7], (HIDDEN, HIDDEN))
    loop_rel = _xavier_normal(ks[8], (1, HIDDEN))
    bn_gamma = jnp.ones((HIDDEN,), dtype=jnp.float32)
    bn_beta = jnp.zeros((HIDDEN,), dtype=jnp.float32)
    return {"x": x, "edge_index": edge_index, "edge_type": edge_type,
            "rel_embed": rel_embed, "w_loop": w_loop, "w_in": w_in,
            "w_out": w_out, "w_rel": w_rel, "loop_rel": loop_rel,
            "bn_gamma": bn_gamma, "bn_beta": bn_beta}


def reference(x, edge_index, edge_type, rel_embed, w_loop, w_in, w_out,
              w_rel, loop_rel, bn_gamma, bn_beta):
    # CompGCNConv forward (opn='mult', dropout=0, bias=False, act=identity,
    # BatchNorm1d in training mode -> batch statistics, biased variance)
    rel = jnp.concatenate([rel_embed, loop_rel], axis=0)  # [N_REL+1, H]
    num_edges = edge_index.shape[1] // 2
    num_ent = x.shape[0]
    in_index = edge_index[:, :num_edges]
    out_index = edge_index[:, num_edges:]
    in_type = edge_type[:num_edges]
    out_type = edge_type[num_edges:]

    def compute_norm(ei):
        row, col = ei[0], ei[1]
        ew = jnp.ones((ei.shape[1],), dtype=jnp.float32)
        deg = jax.ops.segment_sum(ew, row, num_segments=num_ent)
        deg_inv = jnp.where(deg > 0, deg ** (-0.5), 0.0)
        return deg_inv[row] * ew * deg_inv[col]

    def propagate(ei, etype, norm, w):
        # message: x_j = x[edge_index[1]]; rel_transform (mult); mm; norm
        x_j = jnp.take(x, ei[1], axis=0)                 # gather [E, H]
        rel_e = jnp.take(rel, etype, axis=0)             # gather [E, H]
        msg = (x_j * rel_e) @ w                          # [E, H]
        if norm is not None:
            msg = msg * norm[:, None]
        # scatter-add to edge_index[0] with dim_size=num_ent
        return jax.ops.segment_sum(msg, ei[0], num_segments=num_ent)

    in_norm = compute_norm(in_index)
    out_norm = compute_norm(out_index)
    in_res = propagate(in_index, in_type, in_norm, w_in)
    out_res = propagate(out_index, out_type, out_norm, w_out)
    # loop: edge_index = (arange, arange), edge_type = last rel, norm=None
    loop_res = (x * rel[-1][None, :]) @ w_loop

    out = in_res * (1.0 / 3.0) + out_res * (1.0 / 3.0) + loop_res * (1.0 / 3.0)
    # BatchNorm1d (training): biased var, eps=1e-5
    mean = jnp.mean(out, axis=0)
    var = jnp.mean((out - mean[None, :]) ** 2, axis=0)
    out = bn_gamma * (out - mean[None, :]) / jnp.sqrt(var + 1e-5) + bn_beta
    rel_out = (rel @ w_rel)[:-1]
    return out, rel_out


if False:  # reference __main__ guard neutralized (emitter)
    inp = setup_inputs()
    o = reference(**inp)
    print(o[0].shape, o[1].shape)

if __name__ == "__main__":
    import jax
    _d = setup_inputs()
    print(jax.jit(kernel)(*tuple(_d.values())))

</pallas_src>

<mosaic_0001>
#map = affine_map<(d0, d1) -> (0)>
#map1 = affine_map<(d0, d1) -> (0, 0)>
#map2 = affine_map<(d0, d1) -> (0, 0, 0)>
module attributes {stable_mosaic.version = 14 : i64} {
  func.func @_agg_kernel(%arg0: i32, %arg1: i32, %arg2: memref<960000xi32, #tpu.memory_space<hbm>>, %arg3: memref<20000x128xf32, #tpu.memory_space<hbm>>, %arg4: memref<200x128xf32, #tpu.memory_space<hbm>>, %arg5: memref<1000x128xf32, #tpu.memory_space<hbm>>, %arg6: memref<2x10000x128xf32, #tpu.memory_space<hbm>>, %arg7: memref<10000x128xf32, #tpu.memory_space<vmem_shared>>, %arg8: memref<240xi32, #tpu.memory_space<vmem>>, %arg9: memref<240xi32, #tpu.memory_space<vmem>>, %arg10: memref<80xi32, #tpu.memory_space<vmem>>, %arg11: memref<80xi32, #tpu.memory_space<vmem>>, %arg12: memref<80x128xf32, #tpu.memory_space<vmem>>, %arg13: memref<80x128xf32, #tpu.memory_space<vmem>>, %arg14: memref<80x128xf32, #tpu.memory_space<vmem>>, %arg15: memref<80x128xf32, #tpu.memory_space<vmem>>, %arg16: memref<!tpu.dma_semaphore, #tpu.memory_space<semaphore_mem>>, %arg17: memref<!tpu.dma_semaphore, #tpu.memory_space<semaphore_mem>>, %arg18: memref<!tpu.dma_semaphore, #tpu.memory_space<semaphore_mem>>, %arg19: memref<!tpu.dma_semaphore, #tpu.memory_space<semaphore_mem>>, %arg20: memref<!tpu.dma_semaphore, #tpu.memory_space<semaphore_mem>>, %arg21: memref<!tpu.dma_semaphore, #tpu.memory_space<semaphore_mem>>) attributes {dimension_semantics = [#tpu.dimension_semantics<core_parallel>, #tpu.dimension_semantics<subcore_parallel>], iteration_bounds = array<i64: 2, 16>, scalar_prefetch = 0 : i64, scratch_operands = 15 : i64, tpu.core_type = #tpu.core_type<sc_vector_subcore>, window_params = [{transform_indices = #map}, {transform_indices = #map1}, {transform_indices = #map1}, {transform_indices = #map1}, {transform_indices = #map2}]} {
    %lt3A = arith.constant 10 : i32
    %lt3A_0 = arith.cmpi slt, %arg1, %lt3A : i32
    %convert_element_type3A = arith.extui %lt3A_0 : i1 to i32
    %cond3A = arith.constant 0 : i32
    %cond3A_1 = arith.cmpi ne, %convert_element_type3A, %cond3A : i32
    scf.if %cond3A_1 {
      %mul3A_218 = arith.constant 1000 : i32
      %mul3A_219 = arith.muli %arg1, %mul3A_218 : i32
      "tpu.region"() ({
        %run_scoped3A = tpu.sem_alloc : memref<!tpu.dma_semaphore, #tpu.memory_space<semaphore_mem>>
        %dma_start3A_220 = arith.constant 0 : i32
        %dma_start3A_221 = tpu.memref_slice %arg7[%mul3A_219, %dma_start3A_220] : memref<10000x128xf32, #tpu.memory_space<vmem_shared>> -> memref<1000x128xf32, #tpu.memory_space<vmem_shared>>
        tpu.enqueue_dma source(%arg5 : memref<1000x128xf32, #tpu.memory_space<hbm>>) target(%dma_start3A_221 : memref<1000x128xf32, #tpu.memory_space<vmem_shared>>) target_semaphore(%run_scoped3A : memref<!tpu.dma_semaphore, #tpu.memory_space<semaphore_mem>>)
        %dma_wait3A_222 = arith.constant 0 : i32
        %dma_wait3A_223 = tpu.memref_slice %arg7[%mul3A_219, %dma_wait3A_222] : memref<10000x128xf32, #tpu.memory_space<vmem_shared>> -> memref<1000x128xf32, #tpu.memory_space<vmem_shared>>
        tpu.wait_dma2 semaphore(%run_scoped3A : memref<!tpu.dma_semaphore, #tpu.memory_space<semaphore_mem>>) src(%arg5 : memref<1000x128xf32, #tpu.memory_space<hbm>>) dst(%dma_wait3A_223 : memref<1000x128xf32, #tpu.memory_space<vmem_shared>>)
        tpu.yield
      }) : () -> ()
    } else {
    }
    %mul3A = arith.constant 160000 : i32
    %mul3A_2 = arith.muli %arg0, %mul3A : i32
    %mul3A_3 = arith.constant 10000 : i32
    %mul3A_4 = arith.muli %arg1, %mul3A_3 : i32
    %add3A = arith.addi %mul3A_2, %mul3A_4 : i32
    %jit3A = arith.constant 80 : i32
    %div3A = arith.divsi %add3A, %jit3A : i32
    %sign3A = arith.constant 0 : i32
    %sign3A_5 = arith.cmpi sgt, %add3A, %sign3A : i32
    %sign3A_6 = arith.extui %sign3A_5 : i1 to i32
    %sign3A_7 = arith.constant 0 : i32
    %sign3A_8 = arith.cmpi slt, %add3A, %sign3A_7 : i32
    %sign3A_9 = arith.extui %sign3A_8 : i1 to i32
    %sign3A_10 = arith.subi %sign3A_6, %sign3A_9 : i32
    %sign3A_11 = arith.constant 0 : i32
    %sign3A_12 = arith.cmpi sgt, %jit3A, %sign3A_11 : i32
    %sign3A_13 = arith.extui %sign3A_12 : i1 to i32
    %sign3A_14 = arith.constant 0 : i32
    %sign3A_15 = arith.cmpi slt, %jit3A, %sign3A_14 : i32
    %sign3A_16 = arith.extui %sign3A_15 : i1 to i32
    %sign3A_17 = arith.subi %sign3A_13, %sign3A_16 : i32
    %ne3A = arith.cmpi ne, %sign3A_10, %sign3A_17 : i32
    %rem3A = arith.remsi %add3A, %jit3A : i32
    %ne3A_18 = arith.constant 0 : i32
    %ne3A_19 = arith.cmpi ne, %rem3A, %ne3A_18 : i32
    %and3A = arith.andi %ne3A, %ne3A_19 : i1
    %sub3A = arith.constant 1 : i32
    %sub3A_20 = arith.subi %div3A, %sub3A : i32
    %select_n3A = arith.select %and3A, %sub3A_20, %div3A : i32
    %mul3A_21 = arith.constant 10000 : i32
    %mul3A_22 = arith.muli %arg0, %mul3A_21 : i32
    %add3A_23 = arith.constant 0 : i32
    %add3A_24 = arith.addi %select_n3A, %add3A_23 : i32
    %mul3A_25 = arith.constant 3 : i32
    %mul3A_26 = arith.muli %add3A_24, %mul3A_25 : i32
    %mul3A_27 = arith.constant 80 : i32
    %mul3A_28 = arith.muli %mul3A_26, %mul3A_27 : i32
    "tpu.region"() ({
      %run_scoped3A = tpu.sem_alloc : memref<!tpu.dma_semaphore, #tpu.memory_space<semaphore_mem>>
      %dma_start3A_218 = tpu.memref_slice %arg2[%mul3A_28] : memref<960000xi32, #tpu.memory_space<hbm>> -> memref<240xi32, #tpu.memory_space<hbm>>
      %dma_start3A_219 = tpu.memref_slice %arg2[%mul3A_28] : memref<960000xi32, #tpu.memory_space<hbm>> -> memref<240xi32, #tpu.memory_space<hbm>>
      tpu.enqueue_dma source(%dma_start3A_219 : memref<240xi32, #tpu.memory_space<hbm>>) target(%arg8 : memref<240xi32, #tpu.memory_space<vmem>>) target_semaphore(%run_scoped3A : memref<!tpu.dma_semaphore, #tpu.memory_space<semaphore_mem>>)
      %dma_wait3A_220 = tpu.memref_slice %arg2[%mul3A_28] : memref<960000xi32, #tpu.memory_space<hbm>> -> memref<240xi32, #tpu.memory_space<hbm>>
      %dma_wait3A_221 = tpu.memref_slice %arg2[%mul3A_28] : memref<960000xi32, #tpu.memory_space<hbm>> -> memref<240xi32, #tpu.memory_space<hbm>>
      tpu.wait_dma2 semaphore(%run_scoped3A : memref<!tpu.dma_semaphore, #tpu.memory_space<semaphore_mem>>) src(%dma_wait3A_221 : memref<240xi32, #tpu.memory_space<hbm>>) dst(%arg8 : memref<240xi32, #tpu.memory_space<vmem>>)
      tpu.yield
    }) : () -> ()
    %get3A = arith.constant 0 : index
    %get3A_29 = tpu.vector_load %arg8[%get3A] {strides = array<i32>} : memref<240xi32, #tpu.memory_space<vmem>>, vector<16xi32>,
    %get3A_30 = vector.shape_cast %get3A_29 : vector<16xi32> to vector<16xi32>
    %add3A_31 = vector.broadcast %mul3A_22 : i32 to vector<16xi32>
    %add3A_32 = arith.addi %get3A_30, %add3A_31 : vector<16xi32>
    %swap3A = arith.constant 0 : index
    %swap3A_33 = tpu.vector_load %arg8[%swap3A] {strides = array<i32>} : memref<240xi32, #tpu.memory_space<vmem>>, vector<16xi32>,
    %swap3A_34 = vector.shape_cast %swap3A_33 : vector<16xi32> to vector<16xi32>
    %swap3A_35 = vector.shape_cast %add3A_32 : vector<16xi32> to vector<16xi32>
    tpu.vector_store %arg8[%swap3A], %swap3A_35 {strides = array<i32>} : memref<240xi32, #tpu.memory_space<vmem>>, vector<16xi32>,
    %get3A_36 = arith.constant 80 : index
    %get3A_37 = tpu.vector_load %arg8[%get3A_36] {strides = array<i32>} : memref<240xi32, #tpu.memory_space<vmem>>, vector<16xi32>,
    %get3A_38 = vector.shape_cast %get3A_37 : vector<16xi32> to vector<16xi32>
    %swap3A_39 = arith.constant 0 : index
    %swap3A_40 = tpu.vector_load %arg10[%swap3A_39] {strides = array<i32>} : memref<80xi32, #tpu.memory_space<vmem>>, vector<16xi32>,
    %swap3A_41 = vector.shape_cast %swap3A_40 : vector<16xi32> to vector<16xi32>
    %swap3A_42 = vector.shape_cast %get3A_38 : vector<16xi32> to vector<16xi32>
    tpu.vector_store %arg10[%swap3A_39], %swap3A_42 {strides = array<i32>} : memref<80xi32, #tpu.memory_space<vmem>>, vector<16xi32>,
    %get3A_43 = arith.constant 16 : index
    %get3A_44 = tpu.vector_load %arg8[%get3A_43] {strides = array<i32>} : memref<240xi32, #tpu.memory_space<vmem>>, vector<16xi32>,
    %get3A_45 = vector.shape_cast %get3A_44 : vector<16xi32> to vector<16xi32>
    %add3A_46 = vector.broadcast %mul3A_22 : i32 to vector<16xi32>
    %add3A_47 = arith.addi %get3A_45, %add3A_46 : vector<16xi32>
    %swap3A_48 = arith.constant 16 : index
    %swap3A_49 = tpu.vector_load %arg8[%swap3A_48] {strides = array<i32>} : memref<240xi32, #tpu.memory_space<vmem>>, vector<16xi32>,
    %swap3A_50 = vector.shape_cast %swap3A_49 : vector<16xi32> to vector<16xi32>
    %swap3A_51 = vector.shape_cast %add3A_47 : vector<16xi32> to vector<16xi32>
    tpu.vector_store %arg8[%swap3A_48], %swap3A_51 {strides = array<i32>} : memref<240xi32, #tpu.memory_space<vmem>>, vector<16xi32>,
    %get3A_52 = arith.constant 96 : index
    %get3A_53 = tpu.vector_load %arg8[%get3A_52] {strides = array<i32>} : memref<240xi32, #tpu.memory_space<vmem>>, vector<16xi32>,
    %get3A_54 = vector.shape_cast %get3A_53 : vector<16xi32> to vector<16xi32>
    %swap3A_55 = arith.constant 16 : index
    %swap3A_56 = tpu.vector_load %arg10[%swap3A_55] {strides = array<i32>} : memref<80xi32, #tpu.memory_space<vmem>>, vector<16xi32>,
    %swap3A_57 = vector.shape_cast %swap3A_56 : vector<16xi32> to vector<16xi32>
    %swap3A_58 = vector.shape_cast %get3A_54 : vector<16xi32> to vector<16xi32>
    tpu.vector_store %arg10[%swap3A_55], %swap3A_58 {strides = array<i32>} : memref<80xi32, #tpu.memory_space<vmem>>, vector<16xi32>,
    %get3A_59 = arith.constant 32 : index
    %get3A_60 = tpu.vector_load %arg8[%get3A_59] {strides = array<i32>} : memref<240xi32, #tpu.memory_space<vmem>>, vector<16xi32>,
    %get3A_61 = vector.shape_cast %get3A_60 : vector<16xi32> to vector<16xi32>
    %add3A_62 = vector.broadcast %mul3A_22 : i32 to vector<16xi32>
    %add3A_63 = arith.addi %get3A_61, %add3A_62 : vector<16xi32>
    %swap3A_64 = arith.constant 32 : index
    %swap3A_65 = tpu.vector_load %arg8[%swap3A_64] {strides = array<i32>} : memref<240xi32, #tpu.memory_space<vmem>>, vector<16xi32>,
    %swap3A_66 = vector.shape_cast %swap3A_65 : vector<16xi32> to vector<16xi32>
    %swap3A_67 = vector.shape_cast %add3A_63 : vector<16xi32> to vector<16xi32>
    tpu.vector_store %arg8[%swap3A_64], %swap3A_67 {strides = array<i32>} : memref<240xi32, #tpu.memory_space<vmem>>, vector<16xi32>,
    %get3A_68 = arith.constant 112 : index
    %get3A_69 = tpu.vector_load %arg8[%get3A_68] {strides = array<i32>} : memref<240xi32, #tpu.memory_space<vmem>>, vector<16xi32>,
    %get3A_70 = vector.shape_cast %get3A_69 : vector<16xi32> to vector<16xi32>
    %swap3A_71 = arith.constant 32 : index
    %swap3A_72 = tpu.vector_load %arg10[%swap3A_71] {strides = array<i32>} : memref<80xi32, #tpu.memory_space<vmem>>, vector<16xi32>,
    %swap3A_73 = vector.shape_cast %swap3A_72 : vector<16xi32> to vector<16xi32>
    %swap3A_74 = vector.shape_cast %get3A_70 : vector<16xi32> to vector<16xi32>
    tpu.vector_store %arg10[%swap3A_71], %swap3A_74 {strides = array<i32>} : memref<80xi32, #tpu.memory_space<vmem>>, vector<16xi32>,
    %get3A_75 = arith.constant 48 : index
    %get3A_76 = tpu.vector_load %arg8[%get3A_75] {strides = array<i32>} : memref<240xi32, #tpu.memory_space<vmem>>, vector<16xi32>,
    %get3A_77 = vector.shape_cast %get3A_76 : vector<16xi32> to vector<16xi32>
    %add3A_78 = vector.broadcast %mul3A_22 : i32 to vector<16xi32>
    %add3A_79 = arith.addi %get3A_77, %add3A_78 : vector<16xi32>
    %swap3A_80 = arith.constant 48 : index
    %swap3A_81 = tpu.vector_load %arg8[%swap3A_80] {strides = array<i32>} : memref<240xi32, #tpu.memory_space<vmem>>, vector<16xi32>,
    %swap3A_82 = vector.shape_cast %swap3A_81 : vector<16xi32> to vector<16xi32>
    %swap3A_83 = vector.shape_cast %add3A_79 : vector<16xi32> to vector<16xi32>
    tpu.vector_store %arg8[%swap3A_80], %swap3A_83 {strides = array<i32>} : memref<240xi32, #tpu.memory_space<vmem>>, vector<16xi32>,
    %get3A_84 = arith.constant 128 : index
    %get3A_85 = tpu.vector_load %arg8[%get3A_84] {strides = array<i32>} : memref<240xi32, #tpu.memory_space<vmem>>, vector<16xi32>,
    %get3A_86 = vector.shape_cast %get3A_85 : vector<16xi32> to vector<16xi32>
    %swap3A_87 = arith.constant 48 : index
    %swap3A_88 = tpu.vector_load %arg10[%swap3A_87] {strides = array<i32>} : memref<80xi32, #tpu.memory_space<vmem>>, vector<16xi32>,
    %swap3A_89 = vector.shape_cast %swap3A_88 : vector<16xi32> to vector<16xi32>
    %swap3A_90 = vector.shape_cast %get3A_86 : vector<16xi32> to vector<16xi32>
    tpu.vector_store %arg10[%swap3A_87], %swap3A_90 {strides = array<i32>} : memref<80xi32, #tpu.memory_space<vmem>>, vector<16xi32>,
    %get3A_91 = arith.constant 64 : index
    %get3A_92 = tpu.vector_load %arg8[%get3A_91] {strides = array<i32>} : memref<240xi32, #tpu.memory_space<vmem>>, vector<16xi32>,
    %get3A_93 = vector.shape_cast %get3A_92 : vector<16xi32> to vector<16xi32>
    %add3A_94 = vector.broadcast %mul3A_22 : i32 to vector<16xi32>
    %add3A_95 = arith.addi %get3A_93, %add3A_94 : vector<16xi32>
    %swap3A_96 = arith.constant 64 : index
    %swap3A_97 = tpu.vector_load %arg8[%swap3A_96] {strides = array<i32>} : memref<240xi32, #tpu.memory_space<vmem>>, vector<16xi32>,
    %swap3A_98 = vector.shape_cast %swap3A_97 : vector<16xi32> to vector<16xi32>
    %swap3A_99 = vector.shape_cast %add3A_95 : vector<16xi32> to vector<16xi32>
    tpu.vector_store %arg8[%swap3A_96], %swap3A_99 {strides = array<i32>} : memref<240xi32, #tpu.memory_space<vmem>>, vector<16xi32>,
    %get3A_100 = arith.constant 144 : index
    %get3A_101 = tpu.vector_load %arg8[%get3A_100] {strides = array<i32>} : memref<240xi32, #tpu.memory_space<vmem>>, vector<16xi32>,
    %get3A_102 = vector.shape_cast %get3A_101 : vector<16xi32> to vector<16xi32>
    %swap3A_103 = arith.constant 64 : index
    %swap3A_104 = tpu.vector_load %arg10[%swap3A_103] {strides = array<i32>} : memref<80xi32, #tpu.memory_space<vmem>>, vector<16xi32>,
    %swap3A_105 = vector.shape_cast %swap3A_104 : vector<16xi32> to vector<16xi32>
    %swap3A_106 = vector.shape_cast %get3A_102 : vector<16xi32> to vector<16xi32>
    tpu.vector_store %arg10[%swap3A_103], %swap3A_106 {strides = array<i32>} : memref<80xi32, #tpu.memory_space<vmem>>, vector<16xi32>,
    %add3A_107 = arith.constant 1 : i32
    %add3A_108 = arith.addi %select_n3A, %add3A_107 : i32
    %mul3A_109 = arith.constant 3 : i32
    %mul3A_110 = arith.muli %add3A_108, %mul3A_109 : i32
    %mul3A_111 = arith.constant 80 : i32
    %mul3A_112 = arith.muli %mul3A_110, %mul3A_111 : i32
    "tpu.region"() ({
      %run_scoped3A = tpu.sem_alloc : memref<!tpu.dma_semaphore, #tpu.memory_space<semaphore_mem>>
      %dma_start3A_218 = tpu.memref_slice %arg2[%mul3A_112] : memref<960000xi32, #tpu.memory_space<hbm>> -> memref<240xi32, #tpu.memory_space<hbm>>
      %dma_start3A_219 = tpu.memref_slice %arg2[%mul3A_112] : memref<960000xi32, #tpu.memory_space<hbm>> -> memref<240xi32, #tpu.memory_space<hbm>>
      tpu.enqueue_dma source(%dma_start3A_219 : memref<240xi32, #tpu.memory_space<hbm>>) target(%arg9 : memref<240xi32, #tpu.memory_space<vmem>>) target_semaphore(%run_scoped3A : memref<!tpu.dma_semaphore, #tpu.memory_space<semaphore_mem>>)
      %dma_wait3A_220 = tpu.memref_slice %arg2[%mul3A_112] : memref<960000xi32, #tpu.memory_space<hbm>> -> memref<240xi32, #tpu.memory_space<hbm>>
      %dma_wait3A_221 = tpu.memref_slice %arg2[%mul3A_112] : memref<960000xi32, #tpu.memory_space<hbm>> -> memref<240xi32, #tpu.memory_space<hbm>>
      tpu.wait_dma2 semaphore(%run_scoped3A : memref<!tpu.dma_semaphore, #tpu.memory_space<semaphore_mem>>) src(%dma_wait3A_221 : memref<240xi32, #tpu.memory_space<hbm>>) dst(%arg9 : memref<240xi32, #tpu.memory_space<vmem>>)
      tpu.yield
    }) : () -> ()
    %get3A_113 = arith.constant 0 : index
    %get3A_114 = tpu.vector_load %arg9[%get3A_113] {strides = array<i32>} : memref<240xi32, #tpu.memory_space<vmem>>, vector<16xi32>,
    %get3A_115 = vector.shape_cast %get3A_114 : vector<16xi32> to vector<16xi32>
    %add3A_116 = vector.broadcast %mul3A_22 : i32 to vector<16xi32>
    %add3A_117 = arith.addi %get3A_115, %add3A_116 : vector<16xi32>
    %swap3A_118 = arith.constant 0 : index
    %swap3A_119 = tpu.vector_load %arg9[%swap3A_118] {strides = array<i32>} : memref<240xi32, #tpu.memory_space<vmem>>, vector<16xi32>,
    %swap3A_120 = vector.shape_cast %swap3A_119 : vector<16xi32> to vector<16xi32>
    %swap3A_121 = vector.shape_cast %add3A_117 : vector<16xi32> to vector<16xi32>
    tpu.vector_store %arg9[%swap3A_118], %swap3A_121 {strides = array<i32>} : memref<240xi32, #tpu.memory_space<vmem>>, vector<16xi32>,
    %get3A_122 = arith.constant 80 : index
    %get3A_123 = tpu.vector_load %arg9[%get3A_122] {strides = array<i32>} : memref<240xi32, #tpu.memory_space<vmem>>, vector<16xi32>,
    %get3A_124 = vector.shape_cast %get3A_123 : vector<16xi32> to vector<16xi32>
    %swap3A_125 = arith.constant 0 : index
    %swap3A_126 = tpu.vector_load %arg11[%swap3A_125] {strides = array<i32>} : memref<80xi32, #tpu.memory_space<vmem>>, vector<16xi32>,
    %swap3A_127 = vector.shape_cast %swap3A_126 : vector<16xi32> to vector<16xi32>
    %swap3A_128 = vector.shape_cast %get3A_124 : vector<16xi32> to vector<16xi32>
    tpu.vector_store %arg11[%swap3A_125], %swap3A_128 {strides = array<i32>} : memref<80xi32, #tpu.memory_space<vmem>>, vector<16xi32>,
    %get3A_129 = arith.constant 16 : index
    %get3A_130 = tpu.vector_load %arg9[%get3A_129] {strides = array<i32>} : memref<240xi32, #tpu.memory_space<vmem>>, vector<16xi32>,
    %get3A_131 = vector.shape_cast %get3A_130 : vector<16xi32> to vector<16xi32>
    %add3A_132 = vector.broadcast %mul3A_22 : i32 to vector<16xi32>
    %add3A_133 = arith.addi %get3A_131, %add3A_132 : vector<16xi32>
    %swap3A_134 = arith.constant 16 : index
    %swap3A_135 = tpu.vector_load %arg9[%swap3A_134] {strides = array<i32>} : memref<240xi32, #tpu.memory_space<vmem>>, vector<16xi32>,
    %swap3A_136 = vector.shape_cast %swap3A_135 : vector<16xi32> to vector<16xi32>
    %swap3A_137 = vector.shape_cast %add3A_133 : vector<16xi32> to vector<16xi32>
    tpu.vector_store %arg9[%swap3A_134], %swap3A_137 {strides = array<i32>} : memref<240xi32, #tpu.memory_space<vmem>>, vector<16xi32>,
    %get3A_138 = arith.constant 96 : index
    %get3A_139 = tpu.vector_load %arg9[%get3A_138] {strides = array<i32>} : memref<240xi32, #tpu.memory_space<vmem>>, vector<16xi32>,
    %get3A_140 = vector.shape_cast %get3A_139 : vector<16xi32> to vector<16xi32>
    %swap3A_141 = arith.constant 16 : index
    %swap3A_142 = tpu.vector_load %arg11[%swap3A_141] {strides = array<i32>} : memref<80xi32, #tpu.memory_space<vmem>>, vector<16xi32>,
    %swap3A_143 = vector.shape_cast %swap3A_142 : vector<16xi32> to vector<16xi32>
    %swap3A_144 = vector.shape_cast %get3A_140 : vector<16xi32> to vector<16xi32>
    tpu.vector_store %arg11[%swap3A_141], %swap3A_144 {strides = array<i32>} : memref<80xi32, #tpu.memory_space<vmem>>, vector<16xi32>,
    %get3A_145 = arith.constant 32 : index
    %get3A_146 = tpu.vector_load %arg9[%get3A_145] {strides = array<i32>} : memref<240xi32, #tpu.memory_space<vmem>>, vector<16xi32>,
    %get3A_147 = vector.shape_cast %get3A_146 : vector<16xi32> to vector<16xi32>
    %add3A_148 = vector.broadcast %mul3A_22 : i32 to vector<16xi32>
    %add3A_149 = arith.addi %get3A_147, %add3A_148 : vector<16xi32>
    %swap3A_150 = arith.constant 32 : index
    %swap3A_151 = tpu.vector_load %arg9[%swap3A_150] {strides = array<i32>} : memref<240xi32, #tpu.memory_space<vmem>>, vector<16xi32>,
    %swap3A_152 = vector.shape_cast %swap3A_151 : vector<16xi32> to vector<16xi32>
    %swap3A_153 = vector.shape_cast %add3A_149 : vector<16xi32> to vector<16xi32>
    tpu.vector_store %arg9[%swap3A_150], %swap3A_153 {strides = array<i32>} : memref<240xi32, #tpu.memory_space<vmem>>, vector<16xi32>,
    %get3A_154 = arith.constant 112 : index
    %get3A_155 = tpu.vector_load %arg9[%get3A_154] {strides = array<i32>} : memref<240xi32, #tpu.memory_space<vmem>>, vector<16xi32>,
    %get3A_156 = vector.shape_cast %get3A_155 : vector<16xi32> to vector<16xi32>
    %swap3A_157 = arith.constant 32 : index
    %swap3A_158 = tpu.vector_load %arg11[%swap3A_157] {strides = array<i32>} : memref<80xi32, #tpu.memory_space<vmem>>, vector<16xi32>,
    %swap3A_159 = vector.shape_cast %swap3A_158 : vector<16xi32> to vector<16xi32>
    %swap3A_160 = vector.shape_cast %get3A_156 : vector<16xi32> to vector<16xi32>
    tpu.vector_store %arg11[%swap3A_157], %swap3A_160 {strides = array<i32>} : memref<80xi32, #tpu.memory_space<vmem>>, vector<16xi32>,
    %get3A_161 = arith.constant 48 : index
    %get3A_162 = tpu.vector_load %arg9[%get3A_161] {strides = array<i32>} : memref<240xi32, #tpu.memory_space<vmem>>, vector<16xi32>,
    %get3A_163 = vector.shape_cast %get3A_162 : vector<16xi32> to vector<16xi32>
    %add3A_164 = vector.broadcast %mul3A_22 : i32 to vector<16xi32>
    %add3A_165 = arith.addi %get3A_163, %add3A_164 : vector<16xi32>
    %swap3A_166 = arith.constant 48 : index
    %swap3A_167 = tpu.vector_load %arg9[%swap3A_166] {strides = array<i32>} : memref<240xi32, #tpu.memory_space<vmem>>, vector<16xi32>,
    %swap3A_168 = vector.shape_cast %swap3A_167 : vector<16xi32> to vector<16xi32>
    %swap3A_169 = vector.shape_cast %add3A_165 : vector<16xi32> to vector<16xi32>
    tpu.vector_store %arg9[%swap3A_166], %swap3A_169 {strides = array<i32>} : memref<240xi32, #tpu.memory_space<vmem>>, vector<16xi32>,
    %get3A_170 = arith.constant 128 : index
    %get3A_171 = tpu.vector_load %arg9[%get3A_170] {strides = array<i32>} : memref<240xi32, #tpu.memory_space<vmem>>, vector<16xi32>,
    %get3A_172 = vector.shape_cast %get3A_171 : vector<16xi32> to vector<16xi32>
    %swap3A_173 = arith.constant 48 : index
    %swap3A_174 = tpu.vector_load %arg11[%swap3A_173] {strides = array<i32>} : memref<80xi32, #tpu.memory_space<vmem>>, vector<16xi32>,
    %swap3A_175 = vector.shape_cast %swap3A_174 : vector<16xi32> to vector<16xi32>
    %swap3A_176 = vector.shape_cast %get3A_172 : vector<16xi32> to vector<16xi32>
    tpu.vector_store %arg11[%swap3A_173], %swap3A_176 {strides = array<i32>} : memref<80xi32, #tpu.memory_space<vmem>>, vector<16xi32>,
    %get3A_177 = arith.constant 64 : index
    %get3A_178 = tpu.vector_load %arg9[%get3A_177] {strides = array<i32>} : memref<240xi32, #tpu.memory_space<vmem>>, vector<16xi32>,
    %get3A_179 = vector.shape_cast %get3A_178 : vector<16xi32> to vector<16xi32>
    %add3A_180 = vector.broadcast %mul3A_22 : i32 to vector<16xi32>
    %add3A_181 = arith.addi %get3A_179, %add3A_180 : vector<16xi32>
    %swap3A_182 = arith.constant 64 : index
    %swap3A_183 = tpu.vector_load %arg9[%swap3A_182] {strides = array<i32>} : memref<240xi32, #tpu.memory_space<vmem>>, vector<16xi32>,
    %swap3A_184 = vector.shape_cast %swap3A_183 : vector<16xi32> to vector<16xi32>
    %swap3A_185 = vector.shape_cast %add3A_181 : vector<16xi32> to vector<16xi32>
    tpu.vector_store %arg9[%swap3A_182], %swap3A_185 {strides = array<i32>} : memref<240xi32, #tpu.memory_space<vmem>>, vector<16xi32>,
    %get3A_186 = arith.constant 144 : index
    %get3A_187 = tpu.vector_load %arg9[%get3A_186] {strides = array<i32>} : memref<240xi32, #tpu.memory_space<vmem>>, vector<16xi32>,
    %get3A_188 = vector.shape_cast %get3A_187 : vector<16xi32> to vector<16xi32>
    %swap3A_189 = arith.constant 64 : index
    %swap3A_190 = tpu.vector_load %arg11[%swap3A_189] {strides = array<i32>} : memref<80xi32, #tpu.memory_space<vmem>>, vector<16xi32>,
    %swap3A_191 = vector.shape_cast %swap3A_190 : vector<16xi32> to vector<16xi32>
    %swap3A_192 = vector.shape_cast %get3A_188 : vector<16xi32> to vector<16xi32>
    tpu.vector_store %arg11[%swap3A_189], %swap3A_192 {strides = array<i32>} : memref<80xi32, #tpu.memory_space<vmem>>, vector<16xi32>,
    %barrier3A = arith.constant 0 : index
    tpu.barrier barrier_id(%barrier3A)
    %dma_start3A = arith.constant 0 : i32
    %dma_start3A_193 = tpu.memref_slice %arg8[%dma_start3A] : memref<240xi32, #tpu.memory_space<vmem>> -> memref<80xi32, #tpu.memory_space<vmem>>
    %dma_start3A_194 = arith.constant 0 : i32
    %dma_start3A_195 = arith.constant 0 : i32
    %dma_start3A_196 = tpu.memref_slice %arg3[%dma_start3A_194, %dma_start3A_195] : memref<20000x128xf32, #tpu.memory_space<hbm>> -> memref<20000x128xf32, #tpu.memory_space<hbm>>
    tpu.enqueue_indirect_dma source(%dma_start3A_196 : memref<20000x128xf32, #tpu.memory_space<hbm>>) target(%arg12 : memref<80x128xf32, #tpu.memory_space<vmem>>) offsets(%dma_start3A_193 : memref<80xi32, #tpu.memory_space<vmem>>) semaphore(%arg16 : memref<!tpu.dma_semaphore, #tpu.memory_space<semaphore_mem>>)
    %dma_start3A_197 = arith.constant 160 : i32
    %dma_start3A_198 = tpu.memref_slice %arg8[%dma_start3A_197] : memref<240xi32, #tpu.memory_space<vmem>> -> memref<80xi32, #tpu.memory_space<vmem>>
    %dma_start3A_199 = arith.constant 0 : i32
    %dma_start3A_200 = arith.constant 0 : i32
    %dma_start3A_201 = tpu.memref_slice %arg4[%dma_start3A_199, %dma_start3A_200] : memref<200x128xf32, #tpu.memory_space<hbm>> -> memref<200x128xf32, #tpu.memory_space<hbm>>
    tpu.enqueue_indirect_dma source(%dma_start3A_201 : memref<200x128xf32, #tpu.memory_space<hbm>>) target(%arg13 : memref<80x128xf32, #tpu.memory_space<vmem>>) offsets(%dma_start3A_198 : memref<80xi32, #tpu.memory_space<vmem>>) semaphore(%arg16 : memref<!tpu.dma_semaphore, #tpu.memory_space<semaphore_mem>>)
    %scan3A = arith.constant 0 : i32
    %scan3A_202 = arith.constant 0 : i32
    %scan3A_203 = arith.constant 125 : i32
    %scan3A_204 = arith.addi %scan3A_202, %scan3A_203 : i32
    %scan3A_205 = arith.constant 1 : i32
    scf.for %scan3A_218 = %scan3A_202 to %scan3A_204 step %scan3A_205  : i32 {
      %jit3A_219 = arith.constant 2 : i32
      %eq3A = arith.constant 0 : i32
      %eq3A_220 = arith.cmpi eq, %jit3A_219, %eq3A : i32
      %jit3A_221 = arith.constant 1 : i32
      %select_n3A_222 = arith.select %eq3A_220, %jit3A_221, %jit3A_219 : i32
      %rem3A_223 = arith.remsi %scan3A_218, %select_n3A_222 : i32
      %ne3A_224 = arith.constant 0 : i32
      %ne3A_225 = arith.cmpi ne, %rem3A_223, %ne3A_224 : i32
      %lt3A_226 = arith.constant 0 : i32
      %lt3A_227 = arith.cmpi slt, %rem3A_223, %lt3A_226 : i32
      %lt3A_228 = arith.constant 0 : i32
      %lt3A_229 = arith.cmpi slt, %select_n3A_222, %lt3A_228 : i32
      %ne3A_230 = arith.xori %lt3A_227, %lt3A_229 : i1
      %and3A_231 = arith.andi %ne3A_230, %ne3A_225 : i1
      %add3A_232 = arith.addi %rem3A_223, %select_n3A_222 : i32
      %select_n3A_233 = arith.select %and3A_231, %add3A_232, %rem3A_223 : i32
      %eq3A_234 = arith.constant 0 : i32
      %eq3A_235 = arith.cmpi eq, %select_n3A_233, %eq3A_234 : i32
      %convert_element_type3A_236 = arith.extui %eq3A_235 : i1 to i32
      %cond3A_237 = arith.constant 0 : i32
      %cond3A_238 = arith.cmpi ne, %convert_element_type3A_236, %cond3A_237 : i32
      scf.if %cond3A_238 {
        %dma_wait3A_260 = arith.constant 0 : i32
        %dma_wait3A_261 = tpu.memref_slice %arg8[%dma_wait3A_260] : memref<240xi32, #tpu.memory_space<vmem>> -> memref<80xi32, #tpu.memory_space<vmem>>
        %dma_wait3A_262 = arith.constant 0 : i32
        %dma_wait3A_263 = arith.constant 0 : i32
        %dma_wait3A_264 = tpu.memref_slice %arg3[%dma_wait3A_262, %dma_wait3A_263] : memref<20000x128xf32, #tpu.memory_space<hbm>> -> memref<20000x128xf32, #tpu.memory_space<hbm>>
        tpu.wait_indirect_dma semaphore(%arg16 : memref<!tpu.dma_semaphore, #tpu.memory_space<semaphore_mem>>) src(%dma_wait3A_264 : memref<20000x128xf32, #tpu.memory_space<hbm>>) dst(%arg12 : memref<80x128xf32, #tpu.memory_space<vmem>>)
        %dma_wait3A_265 = arith.constant 160 : i32
        %dma_wait3A_266 = tpu.memref_slice %arg8[%dma_wait3A_265] : memref<240xi32, #tpu.memory_space<vmem>> -> memref<80xi32, #tpu.memory_space<vmem>>
        %dma_wait3A_267 = arith.constant 0 : i32
        %dma_wait3A_268 = arith.constant 0 : i32
        %dma_wait3A_269 = tpu.memref_slice %arg4[%dma_wait3A_267, %dma_wait3A_268] : memref<200x128xf32, #tpu.memory_space<hbm>> -> memref<200x128xf32, #tpu.memory_space<hbm>>
        tpu.wait_indirect_dma semaphore(%arg16 : memref<!tpu.dma_semaphore, #tpu.memory_space<semaphore_mem>>) src(%dma_wait3A_269 : memref<200x128xf32, #tpu.memory_space<hbm>>) dst(%arg13 : memref<80x128xf32, #tpu.memory_space<vmem>>)
        %add3A_270 = arith.constant 1 : i32
        %add3A_271 = arith.addi %scan3A_218, %add3A_270 : i32
        %lt3A_272 = arith.constant 125 : i32
        %lt3A_273 = arith.cmpi slt, %add3A_271, %lt3A_272 : i32
        %convert_element_type3A_274 = arith.extui %lt3A_273 : i1 to i32
        %cond3A_275 = arith.constant 0 : i32
        %cond3A_276 = arith.cmpi ne, %convert_element_type3A_274, %cond3A_275 : i32
        scf.if %cond3A_276 {
          %ge3A = arith.constant 1 : i32
          %ge3A_293 = arith.cmpi sge, %scan3A_218, %ge3A : i32
          %convert_element_type3A_294 = arith.extui %ge3A_293 : i1 to i32
          %cond3A_295 = arith.constant 0 : i32
          %cond3A_296 = arith.cmpi ne, %convert_element_type3A_294, %cond3A_295 : i32
          scf.if %cond3A_296 {
            %dma_wait3A_307 = arith.constant 0 : i32
            %dma_wait3A_308 = arith.constant 0 : i32
            %dma_wait3A_309 = tpu.memref_slice %arg7[%dma_wait3A_307, %dma_wait3A_308] : memref<10000x128xf32, #tpu.memory_space<vmem_shared>> -> memref<10000x128xf32, #tpu.memory_space<vmem_shared>>
            tpu.wait_indirect_dma semaphore(%arg21 : memref<!tpu.dma_semaphore, #tpu.memory_space<semaphore_mem>>) src(%arg14 : memref<80x128xf32, #tpu.memory_space<vmem>>) dst(%dma_wait3A_309 : memref<10000x128xf32, #tpu.memory_space<vmem_shared>>)
            %add3A_310 = arith.constant 1 : i32
            %add3A_311 = arith.addi %scan3A_218, %add3A_310 : i32
            %add3A_312 = arith.addi %select_n3A, %add3A_311 : i32
            %mul3A_313 = arith.constant 3 : i32
            %mul3A_314 = arith.muli %add3A_312, %mul3A_313 : i32
            %mul3A_315 = arith.constant 80 : i32
            %mul3A_316 = arith.muli %mul3A_314, %mul3A_315 : i32
            %dma_wait3A_317 = tpu.memref_slice %arg2[%mul3A_316] : memref<960000xi32, #tpu.memory_space<hbm>> -> memref<240xi32, #tpu.memory_space<hbm>>
            %dma_wait3A_318 = tpu.memref_slice %arg2[%mul3A_316] : memref<960000xi32, #tpu.memory_space<hbm>> -> memref<240xi32, #tpu.memory_space<hbm>>
            tpu.wait_dma2 semaphore(%arg19 : memref<!tpu.dma_semaphore, #tpu.memory_space<semaphore_mem>>) src(%dma_wait3A_318 : memref<240xi32, #tpu.memory_space<hbm>>) dst(%arg9 : memref<240xi32, #tpu.memory_space<vmem>>)
            %get3A_319 = arith.constant 0 : index
            %get3A_320 = tpu.vector_load %arg9[%get3A_319] {strides = array<i32>} : memref<240xi32, #tpu.memory_space<vmem>>, vector<16xi32>,
            %get3A_321 = vector.shape_cast %get3A_320 : vector<16xi32> to vector<16xi32>
            %add3A_322 = vector.broadcast %mul3A_22 : i32 to vector<16xi32>
            %add3A_323 = arith.addi %get3A_321, %add3A_322 : vector<16xi32>
            %swap3A_324 = arith.constant 0 : index
            %swap3A_325 = tpu.vector_load %arg9[%swap3A_324] {strides = array<i32>} : memref<240xi32, #tpu.memory_space<vmem>>, vector<16xi32>,
            %swap3A_326 = vector.shape_cast %swap3A_325 : vector<16xi32> to vector<16xi32>
            %swap3A_327 = vector.shape_cast %add3A_323 : vector<16xi32> to vector<16xi32>
            tpu.vector_store %arg9[%swap3A_324], %swap3A_327 {strides = array<i32>} : memref<240xi32, #tpu.memory_space<vmem>>, vector<16xi32>,
            %get3A_328 = arith.constant 80 : index
            %get3A_329 = tpu.vector_load %arg9[%get3A_328] {strides = array<i32>} : memref<240xi32, #tpu.memory_space<vmem>>, vector<16xi32>,
            %get3A_330 = vector.shape_cast %get3A_329 : vector<16xi32> to vector<16xi32>
            %swap3A_331 = arith.constant 0 : index
            %swap3A_332 = tpu.vector_load %arg11[%swap3A_331] {strides = array<i32>} : memref<80xi32, #tpu.memory_space<vmem>>, vector<16xi32>,
            %swap3A_333 = vector.shape_cast %swap3A_332 : vector<16xi32> to vector<16xi32>
            %swap3A_334 = vector.shape_cast %get3A_330 : vector<16xi32> to vector<16xi32>
            tpu.vector_store %arg11[%swap3A_331], %swap3A_334 {strides = array<i32>} : memref<80xi32, #tpu.memory_space<vmem>>, vector<16xi32>,
            %get3A_335 = arith.constant 16 : index
            %get3A_336 = tpu.vector_load %arg9[%get3A_335] {strides = array<i32>} : memref<240xi32, #tpu.memory_space<vmem>>, vector<16xi32>,
            %get3A_337 = vector.shape_cast %get3A_336 : vector<16xi32> to vector<16xi32>
            %add3A_338 = vector.broadcast %mul3A_22 : i32 to vector<16xi32>
            %add3A_339 = arith.addi %get3A_337, %add3A_338 : vector<16xi32>
            %swap3A_340 = arith.constant 16 : index
            %swap3A_341 = tpu.vector_load %arg9[%swap3A_340] {strides = array<i32>} : memref<240xi32, #tpu.memory_space<vmem>>, vector<16xi32>,
            %swap3A_342 = vector.shape_cast %swap3A_341 : vector<16xi32> to vector<16xi32>
            %swap3A_343 = vector.shape_cast %add3A_339 : vector<16xi32> to vector<16xi32>
            tpu.vector_store %arg9[%swap3A_340], %swap3A_343 {strides = array<i32>} : memref<240xi32, #tpu.memory_space<vmem>>, vector<16xi32>,
            %get3A_344 = arith.constant 96 : index
            %get3A_345 = tpu.vector_load %arg9[%get3A_344] {strides = array<i32>} : memref<240xi32, #tpu.memory_space<vmem>>, vector<16xi32>,
            %get3A_346 = vector.shape_cast %get3A_345 : vector<16xi32> to vector<16xi32>
            %swap3A_347 = arith.constant 16 : index
            %swap3A_348 = tpu.vector_load %arg11[%swap3A_347] {strides = array<i32>} : memref<80xi32, #tpu.memory_space<vmem>>, vector<16xi32>,
            %swap3A_349 = vector.shape_cast %swap3A_348 : vector<16xi32> to vector<16xi32>
            %swap3A_350 = vector.shape_cast %get3A_346 : vector<16xi32> to vector<16xi32>
            tpu.vector_store %arg11[%swap3A_347], %swap3A_350 {strides = array<i32>} : memref<80xi32, #tpu.memory_space<vmem>>, vector<16xi32>,
            %get3A_351 = arith.constant 32 : index
            %get3A_352 = tpu.vector_load %arg9[%get3A_351] {strides = array<i32>} : memref<240xi32, #tpu.memory_space<vmem>>, vector<16xi32>,
            %get3A_353 = vector.shape_cast %get3A_352 : vector<16xi32> to vector<16xi32>
            %add3A_354 = vector.broadcast %mul3A_22 : i32 to vector<16xi32>
            %add3A_355 = arith.addi %get3A_353, %add3A_354 : vector<16xi32>
            %swap3A_356 = arith.constant 32 : index
            %swap3A_357 = tpu.vector_load %arg9[%swap3A_356] {strides = array<i32>} : memref<240xi32, #tpu.memory_space<vmem>>, vector<16xi32>,
            %swap3A_358 = vector.shape_cast %swap3A_357 : vector<16xi32> to vector<16xi32>
            %swap3A_359 = vector.shape_cast %add3A_355 : vector<16xi32> to vector<16xi32>
            tpu.vector_store %arg9[%swap3A_356], %swap3A_359 {strides = array<i32>} : memref<240xi32, #tpu.memory_space<vmem>>, vector<16xi32>,
            %get3A_360 = arith.constant 112 : index
            %get3A_361 = tpu.vector_load %arg9[%get3A_360] {strides = array<i32>} : memref<240xi32, #tpu.memory_space<vmem>>, vector<16xi32>,
            %get3A_362 = vector.shape_cast %get3A_361 : vector<16xi32> to vector<16xi32>
            %swap3A_363 = arith.constant 32 : index
            %swap3A_364 = tpu.vector_load %arg11[%swap3A_363] {strides = array<i32>} : memref<80xi32, #tpu.memory_space<vmem>>, vector<16xi32>,
            %swap3A_365 = vector.shape_cast %swap3A_364 : vector<16xi32> to vector<16xi32>
            %swap3A_366 = vector.shape_cast %get3A_362 : vector<16xi32> to vector<16xi32>
            tpu.vector_store %arg11[%swap3A_363], %swap3A_366 {strides = array<i32>} : memref<80xi32, #tpu.memory_space<vmem>>, vector<16xi32>,
            %get3A_367 = arith.constant 48 : index
            %get3A_368 = tpu.vector_load %arg9[%get3A_367] {strides = array<i32>} : memref<240xi32, #tpu.memory_space<vmem>>, vector<16xi32>,
            %get3A_369 = vector.shape_cast %get3A_368 : vector<16xi32> to vector<16xi32>
            %add3A_370 = vector.broadcast %mul3A_22 : i32 to vector<16xi32>
            %add3A_371 = arith.addi %get3A_369, %add3A_370 : vector<16xi32>
            %swap3A_372 = arith.constant 48 : index
            %swap3A_373 = tpu.vector_load %arg9[%swap3A_372] {strides = array<i32>} : memref<240xi32, #tpu.memory_space<vmem>>, vector<16xi32>,
            %swap3A_374 = vector.shape_cast %swap3A_373 : vector<16xi32> to vector<16xi32>
            %swap3A_375 = vector.shape_cast %add3A_371 : vector<16xi32> to vector<16xi32>
            tpu.vector_store %arg9[%swap3A_372], %swap3A_375 {strides = array<i32>} : memref<240xi32, #tpu.memory_space<vmem>>, vector<16xi32>,
            %get3A_376 = arith.constant 128 : index
            %get3A_377 = tpu.vector_load %arg9[%get3A_376] {strides = array<i32>} : memref<240xi32, #tpu.memory_space<vmem>>, vector<16xi32>,
            %get3A_378 = vector.shape_cast %get3A_377 : vector<16xi32> to vector<16xi32>
            %swap3A_379 = arith.constant 48 : index
            %swap3A_380 = tpu.vector_load %arg11[%swap3A_379] {strides = array<i32>} : memref<80xi32, #tpu.memory_space<vmem>>, vector<16xi32>,
            %swap3A_381 = vector.shape_cast %swap3A_380 : vector<16xi32> to vector<16xi32>
            %swap3A_382 = vector.shape_cast %get3A_378 : vector<16xi32> to vector<16xi32>
            tpu.vector_store %arg11[%swap3A_379], %swap3A_382 {strides = array<i32>} : memref<80xi32, #tpu.memory_space<vmem>>, vector<16xi32>,
            %get3A_383 = arith.constant 64 : index
            %get3A_384 = tpu.vector_load %arg9[%get3A_383] {strides = array<i32>} : memref<240xi32, #tpu.memory_space<vmem>>, vector<16xi32>,
            %get3A_385 = vector.shape_cast %get3A_384 : vector<16xi32> to vector<16xi32>
            %add3A_386 = vector.broadcast %mul3A_22 : i32 to vector<16xi32>
            %add3A_387 = arith.addi %get3A_385, %add3A_386 : vector<16xi32>
            %swap3A_388 = arith.constant 64 : index
            %swap3A_389 = tpu.vector_load %arg9[%swap3A_388] {strides = array<i32>} : memref<240xi32, #tpu.memory_space<vmem>>, vector<16xi32>,
            %swap3A_390 = vector.shape_cast %swap3A_389 : vector<16xi32> to vector<16xi32>
            %swap3A_391 = vector.shape_cast %add3A_387 : vector<16xi32> to vector<16xi32>
            tpu.vector_store %arg9[%swap3A_388], %swap3A_391 {strides = array<i32>} : memref<240xi32, #tpu.memory_space<vmem>>, vector<16xi32>,
            %get3A_392 = arith.constant 144 : index
            %get3A_393 = tpu.vector_load %arg9[%get3A_392] {strides = array<i32>} : memref<240xi32, #tpu.memory_space<vmem>>, vector<16xi32>,
            %get3A_394 = vector.shape_cast %get3A_393 : vector<16xi32> to vector<16xi32>
            %swap3A_395 = arith.constant 64 : index
            %swap3A_396 = tpu.vector_load %arg11[%swap3A_395] {strides = array<i32>} : memref<80xi32, #tpu.memory_space<vmem>>, vector<16xi32>,
            %swap3A_397 = vector.shape_cast %swap3A_396 : vector<16xi32> to vector<16xi32>
            %swap3A_398 = vector.shape_cast %get3A_394 : vector<16xi32> to vector<16xi32>
            tpu.vector_store %arg11[%swap3A_395], %swap3A_398 {strides = array<i32>} : memref<80xi32, #tpu.memory_space<vmem>>, vector<16xi32>,
          } else {
          }
          %dma_start3A_297 = arith.constant 0 : i32
          %dma_start3A_298 = tpu.memref_slice %arg9[%dma_start3A_297] : memref<240xi32, #tpu.memory_space<vmem>> -> memref<80xi32, #tpu.memory_space<vmem>>
          %dma_start3A_299 = arith.constant 0 : i32
          %dma_start3A_300 = arith.constant 0 : i32
          %dma_start3A_301 = tpu.memref_slice %arg3[%dma_start3A_299, %dma_start3A_300] : memref<20000x128xf32, #tpu.memory_space<hbm>> -> memref<20000x128xf32, #tpu.memory_space<hbm>>
          tpu.enqueue_indirect_dma source(%dma_start3A_301 : memref<20000x128xf32, #tpu.memory_space<hbm>>) target(%arg14 : memref<80x128xf32, #tpu.memory_space<vmem>>) offsets(%dma_start3A_298 : memref<80xi32, #tpu.memory_space<vmem>>) semaphore(%arg17 : memref<!tpu.dma_semaphore, #tpu.memory_space<semaphore_mem>>)
          %dma_start3A_302 = arith.constant 160 : i32
          %dma_start3A_303 = tpu.memref_slice %arg9[%dma_start3A_302] : memref<240xi32, #tpu.memory_space<vmem>> -> memref<80xi32, #tpu.memory_space<vmem>>
          %dma_start3A_304 = arith.constant 0 : i32
          %dma_start3A_305 = arith.constant 0 : i32
          %dma_start3A_306 = tpu.memref_slice %arg4[%dma_start3A_304, %dma_start3A_305] : memref<200x128xf32, #tpu.memory_space<hbm>> -> memref<200x128xf32, #tpu.memory_space<hbm>>
          tpu.enqueue_indirect_dma source(%dma_start3A_306 : memref<200x128xf32, #tpu.memory_space<hbm>>) target(%arg15 : memref<80x128xf32, #tpu.memory_space<vmem>>) offsets(%dma_start3A_303 : memref<80xi32, #tpu.memory_space<vmem>>) semaphore(%arg17 : memref<!tpu.dma_semaphore, #tpu.memory_space<semaphore_mem>>)
        } else {
        }
        %scan3A_277 = arith.constant 0 : i32
        %scan3A_278 = arith.constant 0 : i32
        %scan3A_279 = arith.constant 20 : i32
        %scan3A_280 = arith.addi %scan3A_278, %scan3A_279 : i32
        %scan3A_281 = arith.constant 1 : i32
        scf.for %scan3A_293 = %scan3A_278 to %scan3A_280 step %scan3A_281  : i32 {
          %mul3A_294 = arith.constant 4 : i32
          %mul3A_295 = arith.muli %scan3A_293, %mul3A_294 : i32
          %add3A_296 = arith.constant 0 : i32
          %add3A_297 = arith.addi %mul3A_295, %add3A_296 : i32
          %get3A_298 = arith.index_cast %add3A_297 : i32 to index
          %get3A_299 = arith.constant 0 : index
          %get3A_300 = tpu.vector_load %arg12[%get3A_298, %get3A_299] {strides = array<i32>} : memref<80x128xf32, #tpu.memory_space<vmem>>, vector<1x16xf32>,
          %get3A_301 = vector.shape_cast %get3A_300 : vector<1x16xf32> to vector<16xf32>
          %get3A_302 = arith.index_cast %add3A_297 : i32 to index
          %get3A_303 = arith.constant 0 : index
          %get3A_304 = tpu.vector_load %arg13[%get3A_302, %get3A_303] {strides = array<i32>} : memref<80x128xf32, #tpu.memory_space<vmem>>, vector<1x16xf32>,
          %get3A_305 = vector.shape_cast %get3A_304 : vector<1x16xf32> to vector<16xf32>
          %mul3A_306 = arith.mulf %get3A_301, %get3A_305 : vector<16xf32>
          %swap3A_307 = arith.index_cast %add3A_297 : i32 to index
          %swap3A_308 = arith.constant 0 : index
          %swap3A_309 = tpu.vector_load %arg12[%swap3A_307, %swap3A_308] {strides = array<i32>} : memref<80x128xf32, #tpu.memory_space<vmem>>, vector<1x16xf32>,
          %swap3A_310 = vector.shape_cast %swap3A_309 : vector<1x16xf32> to vector<16xf32>
          %swap3A_311 = vector.shape_cast %mul3A_306 : vector<16xf32> to vector<1x16xf32>
          tpu.vector_store %arg12[%swap3A_307, %swap3A_308], %swap3A_311 {strides = array<i32>} : memref<80x128xf32, #tpu.memory_space<vmem>>, vector<1x16xf32>,
          %get3A_312 = arith.index_cast %add3A_297 : i32 to index
          %get3A_313 = arith.constant 16 : index
          %get3A_314 = tpu.vector_load %arg12[%get3A_312, %get3A_313] {strides = array<i32>} : memref<80x128xf32, #tpu.memory_space<vmem>>, vector<1x16xf32>,
          %get3A_315 = vector.shape_cast %get3A_314 : vector<1x16xf32> to vector<16xf32>
          %get3A_316 = arith.index_cast %add3A_297 : i32 to index
          %get3A_317 = arith.constant 16 : index
          %get3A_318 = tpu.vector_load %arg13[%get3A_316, %get3A_317] {strides = array<i32>} : memref<80x128xf32, #tpu.memory_space<vmem>>, vector<1x16xf32>,
          %get3A_319 = vector.shape_cast %get3A_318 : vector<1x16xf32> to vector<16xf32>
          %mul3A_320 = arith.mulf %get3A_315, %get3A_319 : vector<16xf32>
          %swap3A_321 = arith.index_cast %add3A_297 : i32 to index
          %swap3A_322 = arith.constant 16 : index
          %swap3A_323 = tpu.vector_load %arg12[%swap3A_321, %swap3A_322] {strides = array<i32>} : memref<80x128xf32, #tpu.memory_space<vmem>>, vector<1x16xf32>,
          %swap3A_324 = vector.shape_cast %swap3A_323 : vector<1x16xf32> to vector<16xf32>
          %swap3A_325 = vector.shape_cast %mul3A_320 : vector<16xf32> to vector<1x16xf32>
          tpu.vector_store %arg12[%swap3A_321, %swap3A_322], %swap3A_325 {strides = array<i32>} : memref<80x128xf32, #tpu.memory_space<vmem>>, vector<1x16xf32>,
          %get3A_326 = arith.index_cast %add3A_297 : i32 to index
          %get3A_327 = arith.constant 32 : index
          %get3A_328 = tpu.vector_load %arg12[%get3A_326, %get3A_327] {strides = array<i32>} : memref<80x128xf32, #tpu.memory_space<vmem>>, vector<1x16xf32>,
          %get3A_329 = vector.shape_cast %get3A_328 : vector<1x16xf32> to vector<16xf32>
          %get3A_330 = arith.index_cast %add3A_297 : i32 to index
          %get3A_331 = arith.constant 32 : index
          %get3A_332 = tpu.vector_load %arg13[%get3A_330, %get3A_331] {strides = array<i32>} : memref<80x128xf32, #tpu.memory_space<vmem>>, vector<1x16xf32>,
          %get3A_333 = vector.shape_cast %get3A_332 : vector<1x16xf32> to vector<16xf32>
          %mul3A_334 = arith.mulf %get3A_329, %get3A_333 : vector<16xf32>
          %swap3A_335 = arith.index_cast %add3A_297 : i32 to index
          %swap3A_336 = arith.constant 32 : index
          %swap3A_337 = tpu.vector_load %arg12[%swap3A_335, %swap3A_336] {strides = array<i32>} : memref<80x128xf32, #tpu.memory_space<vmem>>, vector<1x16xf32>,
          %swap3A_338 = vector.shape_cast %swap3A_337 : vector<1x16xf32> to vector<16xf32>
          %swap3A_339 = vector.shape_cast %mul3A_334 : vector<16xf32> to vector<1x16xf32>
          tpu.vector_store %arg12[%swap3A_335, %swap3A_336], %swap3A_339 {strides = array<i32>} : memref<80x128xf32, #tpu.memory_space<vmem>>, vector<1x16xf32>,
          %get3A_340 = arith.index_cast %add3A_297 : i32 to index
          %get3A_341 = arith.constant 48 : index
          %get3A_342 = tpu.vector_load %arg12[%get3A_340, %get3A_341] {strides = array<i32>} : memref<80x128xf32, #tpu.memory_space<vmem>>, vector<1x16xf32>,
          %get3A_343 = vector.shape_cast %get3A_342 : vector<1x16xf32> to vector<16xf32>
          %get3A_344 = arith.index_cast %add3A_297 : i32 to index
          %get3A_345 = arith.constant 48 : index
          %get3A_346 = tpu.vector_load %arg13[%get3A_344, %get3A_345] {strides = array<i32>} : memref<80x128xf32, #tpu.memory_space<vmem>>, vector<1x16xf32>,
          %get3A_347 = vector.shape_cast %get3A_346 : vector<1x16xf32> to vector<16xf32>
          %mul3A_348 = arith.mulf %get3A_343, %get3A_347 : vector<16xf32>
          %swap3A_349 = arith.index_cast %add3A_297 : i32 to index
          %swap3A_350 = arith.constant 48 : index
          %swap3A_351 = tpu.vector_load %arg12[%swap3A_349, %swap3A_350] {strides = array<i32>} : memref<80x128xf32, #tpu.memory_space<vmem>>, vector<1x16xf32>,
          %swap3A_352 = vector.shape_cast %swap3A_351 : vector<1x16xf32> to vector<16xf32>
          %swap3A_353 = vector.shape_cast %mul3A_348 : vector<16xf32> to vector<1x16xf32>
          tpu.vector_store %arg12[%swap3A_349, %swap3A_350], %swap3A_353 {strides = array<i32>} : memref<80x128xf32, #tpu.memory_space<vmem>>, vector<1x16xf32>,
          %get3A_354 = arith.index_cast %add3A_297 : i32 to index
          %get3A_355 = arith.constant 64 : index
          %get3A_356 = tpu.vector_load %arg12[%get3A_354, %get3A_355] {strides = array<i32>} : memref<80x128xf32, #tpu.memory_space<vmem>>, vector<1x16xf32>,
          %get3A_357 = vector.shape_cast %get3A_356 : vector<1x16xf32> to vector<16xf32>
          %get3A_358 = arith.index_cast %add3A_297 : i32 to index
          %get3A_359 = arith.constant 64 : index
          %get3A_360 = tpu.vector_load %arg13[%get3A_358, %get3A_359] {strides = array<i32>} : memref<80x128xf32, #tpu.memory_space<vmem>>, vector<1x16xf32>,
          %get3A_361 = vector.shape_cast %get3A_360 : vector<1x16xf32> to vector<16xf32>
          %mul3A_362 = arith.mulf %get3A_357, %get3A_361 : vector<16xf32>
          %swap3A_363 = arith.index_cast %add3A_297 : i32 to index
          %swap3A_364 = arith.constant 64 : index
          %swap3A_365 = tpu.vector_load %arg12[%swap3A_363, %swap3A_364] {strides = array<i32>} : memref<80x128xf32, #tpu.memory_space<vmem>>, vector<1x16xf32>,
          %swap3A_366 = vector.shape_cast %swap3A_365 : vector<1x16xf32> to vector<16xf32>
          %swap3A_367 = vector.shape_cast %mul3A_362 : vector<16xf32> to vector<1x16xf32>
          tpu.vector_store %arg12[%swap3A_363, %swap3A_364], %swap3A_367 {strides = array<i32>} : memref<80x128xf32, #tpu.memory_space<vmem>>, vector<1x16xf32>,
          %get3A_368 = arith.index_cast %add3A_297 : i32 to index
          %get3A_369 = arith.constant 80 : index
          %get3A_370 = tpu.vector_load %arg12[%get3A_368, %get3A_369] {strides = array<i32>} : memref<80x128xf32, #tpu.memory_space<vmem>>, vector<1x16xf32>,
          %get3A_371 = vector.shape_cast %get3A_370 : vector<1x16xf32> to vector<16xf32>
          %get3A_372 = arith.index_cast %add3A_297 : i32 to index
          %get3A_373 = arith.constant 80 : index
          %get3A_374 = tpu.vector_load %arg13[%get3A_372, %get3A_373] {strides = array<i32>} : memref<80x128xf32, #tpu.memory_space<vmem>>, vector<1x16xf32>,
          %get3A_375 = vector.shape_cast %get3A_374 : vector<1x16xf32> to vector<16xf32>
          %mul3A_376 = arith.mulf %get3A_371, %get3A_375 : vector<16xf32>
          %swap3A_377 = arith.index_cast %add3A_297 : i32 to index
          %swap3A_378 = arith.constant 80 : index
          %swap3A_379 = tpu.vector_load %arg12[%swap3A_377, %swap3A_378] {strides = array<i32>} : memref<80x128xf32, #tpu.memory_space<vmem>>, vector<1x16xf32>,
          %swap3A_380 = vector.shape_cast %swap3A_379 : vector<1x16xf32> to vector<16xf32>
          %swap3A_381 = vector.shape_cast %mul3A_376 : vector<16xf32> to vector<1x16xf32>
          tpu.vector_store %arg12[%swap3A_377, %swap3A_378], %swap3A_381 {strides = array<i32>} : memref<80x128xf32, #tpu.memory_space<vmem>>, vector<1x16xf32>,
          %get3A_382 = arith.index_cast %add3A_297 : i32 to index
          %get3A_383 = arith.constant 96 : index
          %get3A_384 = tpu.vector_load %arg12[%get3A_382, %get3A_383] {strides = array<i32>} : memref<80x128xf32, #tpu.memory_space<vmem>>, vector<1x16xf32>,
          %get3A_385 = vector.shape_cast %get3A_384 : vector<1x16xf32> to vector<16xf32>
          %get3A_386 = arith.index_cast %add3A_297 : i32 to index
          %get3A_387 = arith.constant 96 : index
          %get3A_388 = tpu.vector_load %arg13[%get3A_386, %get3A_387] {strides = array<i32>} : memref<80x128xf32, #tpu.memory_space<vmem>>, vector<1x16xf32>,
          %get3A_389 = vector.shape_cast %get3A_388 : vector<1x16xf32> to vector<16xf32>
          %mul3A_390 = arith.mulf %get3A_385, %get3A_389 : vector<16xf32>
          %swap3A_391 = arith.index_cast %add3A_297 : i32 to index
          %swap3A_392 = arith.constant 96 : index
          %swap3A_393 = tpu.vector_load %arg12[%swap3A_391, %swap3A_392] {strides = array<i32>} : memref<80x128xf32, #tpu.memory_space<vmem>>, vector<1x16xf32>,
          %swap3A_394 = vector.shape_cast %swap3A_393 : vector<1x16xf32> to vector<16xf32>
          %swap3A_395 = vector.shape_cast %mul3A_390 : vector<16xf32> to vector<1x16xf32>
          tpu.vector_store %arg12[%swap3A_391, %swap3A_392], %swap3A_395 {strides = array<i32>} : memref<80x128xf32, #tpu.memory_space<vmem>>, vector<1x16xf32>,
          %get3A_396 = arith.index_cast %add3A_297 : i32 to index
          %get3A_397 = arith.constant 112 : index
          %get3A_398 = tpu.vector_load %arg12[%get3A_396, %get3A_397] {strides = array<i32>} : memref<80x128xf32, #tpu.memory_space<vmem>>, vector<1x16xf32>,
          %get3A_399 = vector.shape_cast %get3A_398 : vector<1x16xf32> to vector<16xf32>
          %get3A_400 = arith.index_cast %add3A_297 : i32 to index
          %get3A_401 = arith.constant 112 : index
          %get3A_402 = tpu.vector_load %arg13[%get3A_400, %get3A_401] {strides = array<i32>} : memref<80x128xf32, #tpu.memory_space<vmem>>, vector<1x16xf32>,
          %get3A_403 = vector.shape_cast %get3A_402 : vector<1x16xf32> to vector<16xf32>
          %mul3A_404 = arith.mulf %get3A_399, %get3A_403 : vector<16xf32>
          %swap3A_405 = arith.index_cast %add3A_297 : i32 to index
          %swap3A_406 = arith.constant 112 : index
          %swap3A_407 = tpu.vector_load %arg12[%swap3A_405, %swap3A_406] {strides = array<i32>} : memref<80x128xf32, #tpu.memory_space<vmem>>, vector<1x16xf32>,
          %swap3A_408 = vector.shape_cast %swap3A_407 : vector<1x16xf32> to vector<16xf32>
          %swap3A_409 = vector.shape_cast %mul3A_404 : vector<16xf32> to vector<1x16xf32>
          tpu.vector_store %arg12[%swap3A_405, %swap3A_406], %swap3A_409 {strides = array<i32>} : memref<80x128xf32, #tpu.memory_space<vmem>>, vector<1x16xf32>,
          %mul3A_410 = arith.constant 4 : i32
          %mul3A_411 = arith.muli %scan3A_293, %mul3A_410 : i32
          %add3A_412 = arith.constant 1 : i32
          %add3A_413 = arith.addi %mul3A_411, %add3A_412 : i32
          %get3A_414 = arith.index_cast %add3A_413 : i32 to index
          %get3A_415 = arith.constant 0 : index
          %get3A_416 = tpu.vector_load %arg12[%get3A_414, %get3A_415] {strides = array<i32>} : memref<80x128xf32, #tpu.memory_space<vmem>>, vector<1x16xf32>,
          %get3A_417 = vector.shape_cast %get3A_416 : vector<1x16xf32> to vector<16xf32>
          %get3A_418 = arith.index_cast %add3A_413 : i32 to index
          %get3A_419 = arith.constant 0 : index
          %get3A_420 = tpu.vector_load %arg13[%get3A_418, %get3A_419] {strides = array<i32>} : memref<80x128xf32, #tpu.memory_space<vmem>>, vector<1x16xf32>,
          %get3A_421 = vector.shape_cast %get3A_420 : vector<1x16xf32> to vector<16xf32>
          %mul3A_422 = arith.mulf %get3A_417, %get3A_421 : vector<16xf32>
          %swap3A_423 = arith.index_cast %add3A_413 : i32 to index
          %swap3A_424 = arith.constant 0 : index
          %swap3A_425 = tpu.vector_load %arg12[%swap3A_423, %swap3A_424] {strides = array<i32>} : memref<80x128xf32, #tpu.memory_space<vmem>>, vector<1x16xf32>,
          %swap3A_426 = vector.shape_cast %swap3A_425 : vector<1x16xf32> to vector<16xf32>
          %swap3A_427 = vector.shape_cast %mul3A_422 : vector<16xf32> to vector<1x16xf32>
          tpu.vector_store %arg12[%swap3A_423, %swap3A_424], %swap3A_427 {strides = array<i32>} : memref<80x128xf32, #tpu.memory_space<vmem>>, vector<1x16xf32>,
          %get3A_428 = arith.index_cast %add3A_413 : i32 to index
          %get3A_429 = arith.constant 16 : index
          %get3A_430 = tpu.vector_load %arg12[%get3A_428, %get3A_429] {strides = array<i32>} : memref<80x128xf32, #tpu.memory_space<vmem>>, vector<1x16xf32>,
          %get3A_431 = vector.shape_cast %get3A_430 : vector<1x16xf32> to vector<16xf32>
          %get3A_432 = arith.index_cast %add3A_413 : i32 to index
          %get3A_433 = arith.constant 16 : index
          %get3A_434 = tpu.vector_load %arg13[%get3A_432, %get3A_433] {strides = array<i32>} : memref<80x128xf32, #tpu.memory_space<vmem>>, vector<1x16xf32>,
          %get3A_435 = vector.shape_cast %get3A_434 : vector<1x16xf32> to vector<16xf32>
          %mul3A_436 = arith.mulf %get3A_431, %get3A_435 : vector<16xf32>
          %swap3A_437 = arith.index_cast %add3A_413 : i32 to index
          %swap3A_438 = arith.constant 16 : index
          %swap3A_439 = tpu.vector_load %arg12[%swap3A_437, %swap3A_438] {strides = array<i32>} : memref<80x128xf32, #tpu.memory_space<vmem>>, vector<1x16xf32>,
          %swap3A_440 = vector.shape_cast %swap3A_439 : vector<1x16xf32> to vector<16xf32>
          %swap3A_441 = vector.shape_cast %mul3A_436 : vector<16xf32> to vector<1x16xf32>
          tpu.vector_store %arg12[%swap3A_437, %swap3A_438], %swap3A_441 {strides = array<i32>} : memref<80x128xf32, #tpu.memory_space<vmem>>, vector<1x16xf32>,
          %get3A_442 = arith.index_cast %add3A_413 : i32 to index
          %get3A_443 = arith.constant 32 : index
          %get3A_444 = tpu.vector_load %arg12[%get3A_442, %get3A_443] {strides = array<i32>} : memref<80x128xf32, #tpu.memory_space<vmem>>, vector<1x16xf32>,
          %get3A_445 = vector.shape_cast %get3A_444 : vector<1x16xf32> to vector<16xf32>
          %get3A_446 = arith.index_cast %add3A_413 : i32 to index
          %get3A_447 = arith.constant 32 : index
          %get3A_448 = tpu.vector_load %arg13[%get3A_446, %get3A_447] {strides = array<i32>} : memref<80x128xf32, #tpu.memory_space<vmem>>, vector<1x16xf32>,
          %get3A_449 = vector.shape_cast %get3A_448 : vector<1x16xf32> to vector<16xf32>
          %mul3A_450 = arith.mulf %get3A_445, %get3A_449 : vector<16xf32>
          %swap3A_451 = arith.index_cast %add3A_413 : i32 to index
          %swap3A_452 = arith.constant 32 : index
          %swap3A_453 = tpu.vector_load %arg12[%swap3A_451, %swap3A_452] {strides = array<i32>} : memref<80x128xf32, #tpu.memory_space<vmem>>, vector<1x16xf32>,
          %swap3A_454 = vector.shape_cast %swap3A_453 : vector<1x16xf32> to vector<16xf32>
          %swap3A_455 = vector.shape_cast %mul3A_450 : vector<16xf32> to vector<1x16xf32>
          tpu.vector_store %arg12[%swap3A_451, %swap3A_452], %swap3A_455 {strides = array<i32>} : memref<80x128xf32, #tpu.memory_space<vmem>>, vector<1x16xf32>,
          %get3A_456 = arith.index_cast %add3A_413 : i32 to index
          %get3A_457 = arith.constant 48 : index
          %get3A_458 = tpu.vector_load %arg12[%get3A_456, %get3A_457] {strides = array<i32>} : memref<80x128xf32, #tpu.memory_space<vmem>>, vector<1x16xf32>,
          %get3A_459 = vector.shape_cast %get3A_458 : vector<1x16xf32> to vector<16xf32>
          %get3A_460 = arith.index_cast %add3A_413 : i32 to index
          %get3A_461 = arith.constant 48 : index
          %get3A_462 = tpu.vector_load %arg13[%get3A_460, %get3A_461] {strides = array<i32>} : memref<80x128xf32, #tpu.memory_space<vmem>>, vector<1x16xf32>,
          %get3A_463 = vector.shape_cast %get3A_462 : vector<1x16xf32> to vector<16xf32>
          %mul3A_464 = arith.mulf %get3A_459, %get3A_463 : vector<16xf32>
          %swap3A_465 = arith.index_cast %add3A_413 : i32 to index
          %swap3A_466 = arith.constant 48 : index
          %swap3A_467 = tpu.vector_load %arg12[%swap3A_465, %swap3A_466] {strides = array<i32>} : memref<80x128xf32, #tpu.memory_space<vmem>>, vector<1x16xf32>,
          %swap3A_468 = vector.shape_cast %swap3A_467 : vector<1x16xf32> to vector<16xf32>
          %swap3A_469 = vector.shape_cast %mul3A_464 : vector<16xf32> to vector<1x16xf32>
          tpu.vector_store %arg12[%swap3A_465, %swap3A_466], %swap3A_469 {strides = array<i32>} : memref<80x128xf32, #tpu.memory_space<vmem>>, vector<1x16xf32>,
          %get3A_470 = arith.index_cast %add3A_413 : i32 to index
          %get3A_471 = arith.constant 64 : index
          %get3A_472 = tpu.vector_load %arg12[%get3A_470, %get3A_471] {strides = array<i32>} : memref<80x128xf32, #tpu.memory_space<vmem>>, vector<1x16xf32>,
          %get3A_473 = vector.shape_cast %get3A_472 : vector<1x16xf32> to vector<16xf32>
          %get3A_474 = arith.index_cast %add3A_413 : i32 to index
          %get3A_475 = arith.constant 64 : index
          %get3A_476 = tpu.vector_load %arg13[%get3A_474, %get3A_475] {strides = array<i32>} : memref<80x128xf32, #tpu.memory_space<vmem>>, vector<1x16xf32>,
          %get3A_477 = vector.shape_cast %get3A_476 : vector<1x16xf32> to vector<16xf32>
          %mul3A_478 = arith.mulf %get3A_473, %get3A_477 : vector<16xf32>
          %swap3A_479 = arith.index_cast %add3A_413 : i32 to index
          %swap3A_480 = arith.constant 64 : index
          %swap3A_481 = tpu.vector_load %arg12[%swap3A_479, %swap3A_480] {strides = array<i32>} : memref<80x128xf32, #tpu.memory_space<vmem>>, vector<1x16xf32>,
          %swap3A_482 = vector.shape_cast %swap3A_481 : vector<1x16xf32> to vector<16xf32>
          %swap3A_483 = vector.shape_cast %mul3A_478 : vector<16xf32> to vector<1x16xf32>
          tpu.vector_store %arg12[%swap3A_479, %swap3A_480], %swap3A_483 {strides = array<i32>} : memref<80x128xf32, #tpu.memory_space<vmem>>, vector<1x16xf32>,
          %get3A_484 = arith.index_cast %add3A_413 : i32 to index
          %get3A_485 = arith.constant 80 : index
          %get3A_486 = tpu.vector_load %arg12[%get3A_484, %get3A_485] {strides = array<i32>} : memref<80x128xf32, #tpu.memory_space<vmem>>, vector<1x16xf32>,
          %get3A_487 = vector.shape_cast %get3A_486 : vector<1x16xf32> to vector<16xf32>
          %get3A_488 = arith.index_cast %add3A_413 : i32 to index
          %get3A_489 = arith.constant 80 : index
          %get3A_490 = tpu.vector_load %arg13[%get3A_488, %get3A_489] {strides = array<i32>} : memref<80x128xf32, #tpu.memory_space<vmem>>, vector<1x16xf32>,
          %get3A_491 = vector.shape_cast %get3A_490 : vector<1x16xf32> to vector<16xf32>
          %mul3A_492 = arith.mulf %get3A_487, %get3A_491 : vector<16xf32>
          %swap3A_493 = arith.index_cast %add3A_413 : i32 to index
          %swap3A_494 = arith.constant 80 : index
          %swap3A_495 = tpu.vector_load %arg12[%swap3A_493, %swap3A_494] {strides = array<i32>} : memref<80x128xf32, #tpu.memory_space<vmem>>, vector<1x16xf32>,
          %swap3A_496 = vector.shape_cast %swap3A_495 : vector<1x16xf32> to vector<16xf32>
          %swap3A_497 = vector.shape_cast %mul3A_492 : vector<16xf32> to vector<1x16xf32>
          tpu.vector_store %arg12[%swap3A_493, %swap3A_494], %swap3A_497 {strides = array<i32>} : memref<80x128xf32, #tpu.memory_space<vmem>>, vector<1x16xf32>,
          %get3A_498 = arith.index_cast %add3A_413 : i32 to index
          %get3A_499 = arith.constant 96 : index
          %get3A_500 = tpu.vector_load %arg12[%get3A_498, %get3A_499] {strides = array<i32>} : memref<80x128xf32, #tpu.memory_space<vmem>>, vector<1x16xf32>,
          %get3A_501 = vector.shape_cast %get3A_500 : vector<1x16xf32> to vector<16xf32>
          %get3A_502 = arith.index_cast %add3A_413 : i32 to index
          %get3A_503 = arith.constant 96 : index
          %get3A_504 = tpu.vector_load %arg13[%get3A_502, %get3A_503] {strides = array<i32>} : memref<80x128xf32, #tpu.memory_space<vmem>>, vector<1x16xf32>,
          %get3A_505 = vector.shape_cast %get3A_504 : vector<1x16xf32> to vector<16xf32>
          %mul3A_506 = arith.mulf %get3A_501, %get3A_505 : vector<16xf32>
          %swap3A_507 = arith.index_cast %add3A_413 : i32 to index
          %swap3A_508 = arith.constant 96 : index
          %swap3A_509 = tpu.vector_load %arg12[%swap3A_507, %swap3A_508] {strides = array<i32>} : memref<80x128xf32, #tpu.memory_space<vmem>>, vector<1x16xf32>,
          %swap3A_510 = vector.shape_cast %swap3A_509 : vector<1x16xf32> to vector<16xf32>
          %swap3A_511 = vector.shape_cast %mul3A_506 : vector<16xf32> to vector<1x16xf32>
          tpu.vector_store %arg12[%swap3A_507, %swap3A_508], %swap3A_511 {strides = array<i32>} : memref<80x128xf32, #tpu.memory_space<vmem>>, vector<1x16xf32>,
          %get3A_512 = arith.index_cast %add3A_413 : i32 to index
          %get3A_513 = arith.constant 112 : index
          %get3A_514 = tpu.vector_load %arg12[%get3A_512, %get3A_513] {strides = array<i32>} : memref<80x128xf32, #tpu.memory_space<vmem>>, vector<1x16xf32>,
          %get3A_515 = vector.shape_cast %get3A_514 : vector<1x16xf32> to vector<16xf32>
          %get3A_516 = arith.index_cast %add3A_413 : i32 to index
          %get3A_517 = arith.constant 112 : index
          %get3A_518 = tpu.vector_load %arg13[%get3A_516, %get3A_517] {strides = array<i32>} : memref<80x128xf32, #tpu.memory_space<vmem>>, vector<1x16xf32>,
          %get3A_519 = vector.shape_cast %get3A_518 : vector<1x16xf32> to vector<16xf32>
          %mul3A_520 = arith.mulf %get3A_515, %get3A_519 : vector<16xf32>
          %swap3A_521 = arith.index_cast %add3A_413 : i32 to index
          %swap3A_522 = arith.constant 112 : index
          %swap3A_523 = tpu.vector_load %arg12[%swap3A_521, %swap3A_522] {strides = array<i32>} : memref<80x128xf32, #tpu.memory_space<vmem>>, vector<1x16xf32>,
          %swap3A_524 = vector.shape_cast %swap3A_523 : vector<1x16xf32> to vector<16xf32>
          %swap3A_525 = vector.shape_cast %mul3A_520 : vector<16xf32> to vector<1x16xf32>
          tpu.vector_store %arg12[%swap3A_521, %swap3A_522], %swap3A_525 {strides = array<i32>} : memref<80x128xf32, #tpu.memory_space<vmem>>, vector<1x16xf32>,
          %mul3A_526 = arith.constant 4 : i32
          %mul3A_527 = arith.muli %scan3A_293, %mul3A_526 : i32
          %add3A_528 = arith.constant 2 : i32
          %add3A_529 = arith.addi %mul3A_527, %add3A_528 : i32
          %get3A_530 = arith.index_cast %add3A_529 : i32 to index
          %get3A_531 = arith.constant 0 : index
          %get3A_532 = tpu.vector_load %arg12[%get3A_530, %get3A_531] {strides = array<i32>} : memref<80x128xf32, #tpu.memory_space<vmem>>, vector<1x16xf32>,
          %get3A_533 = vector.shape_cast %get3A_532 : vector<1x16xf32> to vector<16xf32>
          %get3A_534 = arith.index_cast %add3A_529 : i32 to index
          %get3A_535 = arith.constant 0 : index
          %get3A_536 = tpu.vector_load %arg13[%get3A_534, %get3A_535] {strides = array<i32>} : memref<80x128xf32, #tpu.memory_space<vmem>>, vector<1x16xf32>,
          %get3A_537 = vector.shape_cast %get3A_536 : vector<1x16xf32> to vector<16xf32>
          %mul3A_538 = arith.mulf %get3A_533, %get3A_537 : vector<16xf32>
          %swap3A_539 = arith.index_cast %add3A_529 : i32 to index
          %swap3A_540 = arith.constant 0 : index
          %swap3A_541 = tpu.vector_load %arg12[%swap3A_539, %swap3A_540] {strides = array<i32>} : memref<80x128xf32, #tpu.memory_space<vmem>>, vector<1x16xf32>,
          %swap3A_542 = vector.shape_cast %swap3A_541 : vector<1x16xf32> to vector<16xf32>
          %swap3A_543 = vector.shape_cast %mul3A_538 : vector<16xf32> to vector<1x16xf32>
          tpu.vector_store %arg12[%swap3A_539, %swap3A_540], %swap3A_543 {strides = array<i32>} : memref<80x128xf32, #tpu.memory_space<vmem>>, vector<1x16xf32>,
          %get3A_544 = arith.index_cast %add3A_529 : i32 to index
          %get3A_545 = arith.constant 16 : index
          %get3A_546 = tpu.vector_load %arg12[%get3A_544, %get3A_545] {strides = array<i32>} : memref<80x128xf32, #tpu.memory_space<vmem>>, vector<1x16xf32>,
          %get3A_547 = vector.shape_cast %get3A_546 : vector<1x16xf32> to vector<16xf32>
          %get3A_548 = arith.index_cast %add3A_529 : i32 to index
          %get3A_549 = arith.constant 16 : index
          %get3A_550 = tpu.vector_load %arg13[%get3A_548, %get3A_549] {strides = array<i32>} : memref<80x128xf32, #tpu.memory_space<vmem>>, vector<1x16xf32>,
          %get3A_551 = vector.shape_cast %get3A_550 : vector<1x16xf32> to vector<16xf32>
          %mul3A_552 = arith.mulf %get3A_547, %get3A_551 : vector<16xf32>
          %swap3A_553 = arith.index_cast %add3A_529 : i32 to index
          %swap3A_554 = arith.constant 16 : index
          %swap3A_555 = tpu.vector_load %arg12[%swap3A_553, %swap3A_554] {strides = array<i32>} : memref<80x128xf32, #tpu.memory_space<vmem>>, vector<1x16xf32>,
          %swap3A_556 = vector.shape_cast %swap3A_555 : vector<1x16xf32> to vector<16xf32>
          %swap3A_557 = vector.shape_cast %mul3A_552 : vector<16xf32> to vector<1x16xf32>
          tpu.vector_store %arg12[%swap3A_553, %swap3A_554], %swap3A_557 {strides = array<i32>} : memref<80x128xf32, #tpu.memory_space<vmem>>, vector<1x16xf32>,
          %get3A_558 = arith.index_cast %add3A_529 : i32 to index
          %get3A_559 = arith.constant 32 : index
          %get3A_560 = tpu.vector_load %arg12[%get3A_558, %get3A_559] {strides = array<i32>} : memref<80x128xf32, #tpu.memory_space<vmem>>, vector<1x16xf32>,
          %get3A_561 = vector.shape_cast %get3A_560 : vector<1x16xf32> to vector<16xf32>
          %get3A_562 = arith.index_cast %add3A_529 : i32 to index
          %get3A_563 = arith.constant 32 : index
          %get3A_564 = tpu.vector_load %arg13[%get3A_562, %get3A_563] {strides = array<i32>} : memref<80x128xf32, #tpu.memory_space<vmem>>, vector<1x16xf32>,
          %get3A_565 = vector.shape_cast %get3A_564 : vector<1x16xf32> to vector<16xf32>
          %mul3A_566 = arith.mulf %get3A_561, %get3A_565 : vector<16xf32>
          %swap3A_567 = arith.index_cast %add3A_529 : i32 to index
          %swap3A_568 = arith.constant 32 : index
          %swap3A_569 = tpu.vector_load %arg12[%swap3A_567, %swap3A_568] {strides = array<i32>} : memref<80x128xf32, #tpu.memory_space<vmem>>, vector<1x16xf32>,
          %swap3A_570 = vector.shape_cast %swap3A_569 : vector<1x16xf32> to vector<16xf32>
          %swap3A_571 = vector.shape_cast %mul3A_566 : vector<16xf32> to vector<1x16xf32>
          tpu.vector_store %arg12[%swap3A_567, %swap3A_568], %swap3A_571 {strides = array<i32>} : memref<80x128xf32, #tpu.memory_space<vmem>>, vector<1x16xf32>,
          %get3A_572 = arith.index_cast %add3A_529 : i32 to index
          %get3A_573 = arith.constant 48 : index
          %get3A_574 = tpu.vector_load %arg12[%get3A_572, %get3A_573] {strides = array<i32>} : memref<80x128xf32, #tpu.memory_space<vmem>>, vector<1x16xf32>,
          %get3A_575 = vector.shape_cast %get3A_574 : vector<1x16xf32> to vector<16xf32>
          %get3A_576 = arith.index_cast %add3A_529 : i32 to index
          %get3A_577 = arith.constant 48 : index
          %get3A_578 = tpu.vector_load %arg13[%get3A_576, %get3A_577] {strides = array<i32>} : memref<80x128xf32, #tpu.memory_space<vmem>>, vector<1x16xf32>,
          %get3A_579 = vector.shape_cast %get3A_578 : vector<1x16xf32> to vector<16xf32>
          %mul3A_580 = arith.mulf %get3A_575, %get3A_579 : vector<16xf32>
          %swap3A_581 = arith.index_cast %add3A_529 : i32 to index
          %swap3A_582 = arith.constant 48 : index
          %swap3A_583 = tpu.vector_load %arg12[%swap3A_581, %swap3A_582] {strides = array<i32>} : memref<80x128xf32, #tpu.memory_space<vmem>>, vector<1x16xf32>,
          %swap3A_584 = vector.shape_cast %swap3A_583 : vector<1x16xf32> to vector<16xf32>
          %swap3A_585 = vector.shape_cast %mul3A_580 : vector<16xf32> to vector<1x16xf32>
          tpu.vector_store %arg12[%swap3A_581, %swap3A_582], %swap3A_585 {strides = array<i32>} : memref<80x128xf32, #tpu.memory_space<vmem>>, vector<1x16xf32>,
          %get3A_586 = arith.index_cast %add3A_529 : i32 to index
          %get3A_587 = arith.constant 64 : index
          %get3A_588 = tpu.vector_load %arg12[%get3A_586, %get3A_587] {strides = array<i32>} : memref<80x128xf32, #tpu.memory_space<vmem>>, vector<1x16xf32>,
          %get3A_589 = vector.shape_cast %get3A_588 : vector<1x16xf32> to vector<16xf32>
          %get3A_590 = arith.index_cast %add3A_529 : i32 to index
          %get3A_591 = arith.constant 64 : index
          %get3A_592 = tpu.vector_load %arg13[%get3A_590, %get3A_591] {strides = array<i32>} : memref<80x128xf32, #tpu.memory_space<vmem>>, vector<1x16xf32>,
          %get3A_593 = vector.shape_cast %get3A_592 : vector<1x16xf32> to vector<16xf32>
          %mul3A_594 = arith.mulf %get3A_589, %get3A_593 : vector<16xf32>
          %swap3A_595 = arith.index_cast %add3A_529 : i32 to index
          %swap3A_596 = arith.constant 64 : index
          %swap3A_597 = tpu.vector_load %arg12[%swap3A_595, %swap3A_596] {strides = array<i32>} : memref<80x128xf32, #tpu.memory_space<vmem>>, vector<1x16xf32>,
          %swap3A_598 = vector.shape_cast %swap3A_597 : vector<1x16xf32> to vector<16xf32>
          %swap3A_599 = vector.shape_cast %mul3A_594 : vector<16xf32> to vector<1x16xf32>
          tpu.vector_store %arg12[%swap3A_595, %swap3A_596], %swap3A_599 {strides = array<i32>} : memref<80x128xf32, #tpu.memory_space<vmem>>, vector<1x16xf32>,
          %get3A_600 = arith.index_cast %add3A_529 : i32 to index
          %get3A_601 = arith.constant 80 : index
          %get3A_602 = tpu.vector_load %arg12[%get3A_600, %get3A_601] {strides = array<i32>} : memref<80x128xf32, #tpu.memory_space<vmem>>, vector<1x16xf32>,
          %get3A_603 = vector.shape_cast %get3A_602 : vector<1x16xf32> to vector<16xf32>
          %get3A_604 = arith.index_cast %add3A_529 : i32 to index
          %get3A_605 = arith.constant 80 : index
          %get3A_606 = tpu.vector_load %arg13[%get3A_604, %get3A_605] {strides = array<i32>} : memref<80x128xf32, #tpu.memory_space<vmem>>, vector<1x16xf32>,
          %get3A_607 = vector.shape_cast %get3A_606 : vector<1x16xf32> to vector<16xf32>
          %mul3A_608 = arith.mulf %get3A_603, %get3A_607 : vector<16xf32>
          %swap3A_609 = arith.index_cast %add3A_529 : i32 to index
          %swap3A_610 = arith.constant 80 : index
          %swap3A_611 = tpu.vector_load %arg12[%swap3A_609, %swap3A_610] {strides = array<i32>} : memref<80x128xf32, #tpu.memory_space<vmem>>, vector<1x16xf32>,
          %swap3A_612 = vector.shape_cast %swap3A_611 : vector<1x16xf32> to vector<16xf32>
          %swap3A_613 = vector.shape_cast %mul3A_608 : vector<16xf32> to vector<1x16xf32>
          tpu.vector_store %arg12[%swap3A_609, %swap3A_610], %swap3A_613 {strides = array<i32>} : memref<80x128xf32, #tpu.memory_space<vmem>>, vector<1x16xf32>,
          %get3A_614 = arith.index_cast %add3A_529 : i32 to index
          %get3A_615 = arith.constant 96 : index
          %get3A_616 = tpu.vector_load %arg12[%get3A_614, %get3A_615] {strides = array<i32>} : memref<80x128xf32, #tpu.memory_space<vmem>>, vector<1x16xf32>,
          %get3A_617 = vector.shape_cast %get3A_616 : vector<1x16xf32> to vector<16xf32>
          %get3A_618 = arith.index_cast %add3A_529 : i32 to index
          %get3A_619 = arith.constant 96 : index
          %get3A_620 = tpu.vector_load %arg13[%get3A_618, %get3A_619] {strides = array<i32>} : memref<80x128xf32, #tpu.memory_space<vmem>>, vector<1x16xf32>,
          %get3A_621 = vector.shape_cast %get3A_620 : vector<1x16xf32> to vector<16xf32>
          %mul3A_622 = arith.mulf %get3A_617, %get3A_621 : vector<16xf32>
          %swap3A_623 = arith.index_cast %add3A_529 : i32 to index
          %swap3A_624 = arith.constant 96 : index
          %swap3A_625 = tpu.vector_load %arg12[%swap3A_623, %swap3A_624] {strides = array<i32>} : memref<80x128xf32, #tpu.memory_space<vmem>>, vector<1x16xf32>,
          %swap3A_626 = vector.shape_cast %swap3A_625 : vector<1x16xf32> to vector<16xf32>
          %swap3A_627 = vector.shape_cast %mul3A_622 : vector<16xf32> to vector<1x16xf32>
          tpu.vector_store %arg12[%swap3A_623, %swap3A_624], %swap3A_627 {strides = array<i32>} : memref<80x128xf32, #tpu.memory_space<vmem>>, vector<1x16xf32>,
          %get3A_628 = arith.index_cast %add3A_529 : i32 to index
          %get3A_629 = arith.constant 112 : index
          %get3A_630 = tpu.vector_load %arg12[%get3A_628, %get3A_629] {strides = array<i32>} : memref<80x128xf32, #tpu.memory_space<vmem>>, vector<1x16xf32>,
          %get3A_631 = vector.shape_cast %get3A_630 : vector<1x16xf32> to vector<16xf32>
          %get3A_632 = arith.index_cast %add3A_529 : i32 to index
          %get3A_633 = arith.constant 112 : index
          %get3A_634 = tpu.vector_load %arg13[%get3A_632, %get3A_633] {strides = array<i32>} : memref<80x128xf32, #tpu.memory_space<vmem>>, vector<1x16xf32>,
          %get3A_635 = vector.shape_cast %get3A_634 : vector<1x16xf32> to vector<16xf32>
          %mul3A_636 = arith.mulf %get3A_631, %get3A_635 : vector<16xf32>
          %swap3A_637 = arith.index_cast %add3A_529 : i32 to index
          %swap3A_638 = arith.constant 112 : index
          %swap3A_639 = tpu.vector_load %arg12[%swap3A_637, %swap3A_638] {strides = array<i32>} : memref<80x128xf32, #tpu.memory_space<vmem>>, vector<1x16xf32>,
          %swap3A_640 = vector.shape_cast %swap3A_639 : vector<1x16xf32> to vector<16xf32>
          %swap3A_641 = vector.shape_cast %mul3A_636 : vector<16xf32> to vector<1x16xf32>
          tpu.vector_store %arg12[%swap3A_637, %swap3A_638], %swap3A_641 {strides = array<i32>} : memref<80x128xf32, #tpu.memory_space<vmem>>, vector<1x16xf32>,
          %mul3A_642 = arith.constant 4 : i32
          %mul3A_643 = arith.muli %scan3A_293, %mul3A_642 : i32
          %add3A_644 = arith.constant 3 : i32
          %add3A_645 = arith.addi %mul3A_643, %add3A_644 : i32
          %get3A_646 = arith.index_cast %add3A_645 : i32 to index
          %get3A_647 = arith.constant 0 : index
          %get3A_648 = tpu.vector_load %arg12[%get3A_646, %get3A_647] {strides = array<i32>} : memref<80x128xf32, #tpu.memory_space<vmem>>, vector<1x16xf32>,
          %get3A_649 = vector.shape_cast %get3A_648 : vector<1x16xf32> to vector<16xf32>
          %get3A_650 = arith.index_cast %add3A_645 : i32 to index
          %get3A_651 = arith.constant 0 : index
          %get3A_652 = tpu.vector_load %arg13[%get3A_650, %get3A_651] {strides = array<i32>} : memref<80x128xf32, #tpu.memory_space<vmem>>, vector<1x16xf32>,
          %get3A_653 = vector.shape_cast %get3A_652 : vector<1x16xf32> to vector<16xf32>
          %mul3A_654 = arith.mulf %get3A_649, %get3A_653 : vector<16xf32>
          %swap3A_655 = arith.index_cast %add3A_645 : i32 to index
          %swap3A_656 = arith.constant 0 : index
          %swap3A_657 = tpu.vector_load %arg12[%swap3A_655, %swap3A_656] {strides = array<i32>} : memref<80x128xf32, #tpu.memory_space<vmem>>, vector<1x16xf32>,
          %swap3A_658 = vector.shape_cast %swap3A_657 : vector<1x16xf32> to vector<16xf32>
          %swap3A_659 = vector.shape_cast %mul3A_654 : vector<16xf32> to vector<1x16xf32>
          tpu.vector_store %arg12[%swap3A_655, %swap3A_656], %swap3A_659 {strides = array<i32>} : memref<80x128xf32, #tpu.memory_space<vmem>>, vector<1x16xf32>,
          %get3A_660 = arith.index_cast %add3A_645 : i32 to index
          %get3A_661 = arith.constant 16 : index
          %get3A_662 = tpu.vector_load %arg12[%get3A_660, %get3A_661] {strides = array<i32>} : memref<80x128xf32, #tpu.memory_space<vmem>>, vector<1x16xf32>,
          %get3A_663 = vector.shape_cast %get3A_662 : vector<1x16xf32> to vector<16xf32>
          %get3A_664 = arith.index_cast %add3A_645 : i32 to index
          %get3A_665 = arith.constant 16 : index
          %get3A_666 = tpu.vector_load %arg13[%get3A_664, %get3A_665] {strides = array<i32>} : memref<80x128xf32, #tpu.memory_space<vmem>>, vector<1x16xf32>,
          %get3A_667 = vector.shape_cast %get3A_666 : vector<1x16xf32> to vector<16xf32>
          %mul3A_668 = arith.mulf %get3A_663, %get3A_667 : vector<16xf32>
          %swap3A_669 = arith.index_cast %add3A_645 : i32 to index
          %swap3A_670 = arith.constant 16 : index
          %swap3A_671 = tpu.vector_load %arg12[%swap3A_669, %swap3A_670] {strides = array<i32>} : memref<80x128xf32, #tpu.memory_space<vmem>>, vector<1x16xf32>,
          %swap3A_672 = vector.shape_cast %swap3A_671 : vector<1x16xf32> to vector<16xf32>
          %swap3A_673 = vector.shape_cast %mul3A_668 : vector<16xf32> to vector<1x16xf32>
          tpu.vector_store %arg12[%swap3A_669, %swap3A_670], %swap3A_673 {strides = array<i32>} : memref<80x128xf32, #tpu.memory_space<vmem>>, vector<1x16xf32>,
          %get3A_674 = arith.index_cast %add3A_645 : i32 to index
          %get3A_675 = arith.constant 32 : index
          %get3A_676 = tpu.vector_load %arg12[%get3A_674, %get3A_675] {strides = array<i32>} : memref<80x128xf32, #tpu.memory_space<vmem>>, vector<1x16xf32>,
          %get3A_677 = vector.shape_cast %get3A_676 : vector<1x16xf32> to vector<16xf32>
          %get3A_678 = arith.index_cast %add3A_645 : i32 to index
          %get3A_679 = arith.constant 32 : index
          %get3A_680 = tpu.vector_load %arg13[%get3A_678, %get3A_679] {strides = array<i32>} : memref<80x128xf32, #tpu.memory_space<vmem>>, vector<1x16xf32>,
          %get3A_681 = vector.shape_cast %get3A_680 : vector<1x16xf32> to vector<16xf32>
          %mul3A_682 = arith.mulf %get3A_677, %get3A_681 : vector<16xf32>
          %swap3A_683 = arith.index_cast %add3A_645 : i32 to index
          %swap3A_684 = arith.constant 32 : index
          %swap3A_685 = tpu.vector_load %arg12[%swap3A_683, %swap3A_684] {strides = array<i32>} : memref<80x128xf32, #tpu.memory_space<vmem>>, vector<1x16xf32>,
          %swap3A_686 = vector.shape_cast %swap3A_685 : vector<1x16xf32> to vector<16xf32>
          %swap3A_687 = vector.shape_cast %mul3A_682 : vector<16xf32> to vector<1x16xf32>
          tpu.vector_store %arg12[%swap3A_683, %swap3A_684], %swap3A_687 {strides = array<i32>} : memref<80x128xf32, #tpu.memory_space<vmem>>, vector<1x16xf32>,
          %get3A_688 = arith.index_cast %add3A_645 : i32 to index
          %get3A_689 = arith.constant 48 : index
          %get3A_690 = tpu.vector_load %arg12[%get3A_688, %get3A_689] {strides = array<i32>} : memref<80x128xf32, #tpu.memory_space<vmem>>, vector<1x16xf32>,
          %get3A_691 = vector.shape_cast %get3A_690 : vector<1x16xf32> to vector<16xf32>
          %get3A_692 = arith.index_cast %add3A_645 : i32 to index
          %get3A_693 = arith.constant 48 : index
          %get3A_694 = tpu.vector_load %arg13[%get3A_692, %get3A_693] {strides = array<i32>} : memref<80x128xf32, #tpu.memory_space<vmem>>, vector<1x16xf32>,
          %get3A_695 = vector.shape_cast %get3A_694 : vector<1x16xf32> to vector<16xf32>
          %mul3A_696 = arith.mulf %get3A_691, %get3A_695 : vector<16xf32>
          %swap3A_697 = arith.index_cast %add3A_645 : i32 to index
          %swap3A_698 = arith.constant 48 : index
          %swap3A_699 = tpu.vector_load %arg12[%swap3A_697, %swap3A_698] {strides = array<i32>} : memref<80x128xf32, #tpu.memory_space<vmem>>, vector<1x16xf32>,
          %swap3A_700 = vector.shape_cast %swap3A_699 : vector<1x16xf32> to vector<16xf32>
          %swap3A_701 = vector.shape_cast %mul3A_696 : vector<16xf32> to vector<1x16xf32>
          tpu.vector_store %arg12[%swap3A_697, %swap3A_698], %swap3A_701 {strides = array<i32>} : memref<80x128xf32, #tpu.memory_space<vmem>>, vector<1x16xf32>,
          %get3A_702 = arith.index_cast %add3A_645 : i32 to index
          %get3A_703 = arith.constant 64 : index
          %get3A_704 = tpu.vector_load %arg12[%get3A_702, %get3A_703] {strides = array<i32>} : memref<80x128xf32, #tpu.memory_space<vmem>>, vector<1x16xf32>,
          %get3A_705 = vector.shape_cast %get3A_704 : vector<1x16xf32> to vector<16xf32>
          %get3A_706 = arith.index_cast %add3A_645 : i32 to index
          %get3A_707 = arith.constant 64 : index
          %get3A_708 = tpu.vector_load %arg13[%get3A_706, %get3A_707] {strides = array<i32>} : memref<80x128xf32, #tpu.memory_space<vmem>>, vector<1x16xf32>,
          %get3A_709 = vector.shape_cast %get3A_708 : vector<1x16xf32> to vector<16xf32>
          %mul3A_710 = arith.mulf %get3A_705, %get3A_709 : vector<16xf32>
          %swap3A_711 = arith.index_cast %add3A_645 : i32 to index
          %swap3A_712 = arith.constant 64 : index
          %swap3A_713 = tpu.vector_load %arg12[%swap3A_711, %swap3A_712] {strides = array<i32>} : memref<80x128xf32, #tpu.memory_space<vmem>>, vector<1x16xf32>,
          %swap3A_714 = vector.shape_cast %swap3A_713 : vector<1x16xf32> to vector<16xf32>
          %swap3A_715 = vector.shape_cast %mul3A_710 : vector<16xf32> to vector<1x16xf32>
          tpu.vector_store %arg12[%swap3A_711, %swap3A_712], %swap3A_715 {strides = array<i32>} : memref<80x128xf32, #tpu.memory_space<vmem>>, vector<1x16xf32>,
          %get3A_716 = arith.index_cast %add3A_645 : i32 to index
          %get3A_717 = arith.constant 80 : index
          %get3A_718 = tpu.vector_load %arg12[%get3A_716, %get3A_717] {strides = array<i32>} : memref<80x128xf32, #tpu.memory_space<vmem>>, vector<1x16xf32>,
          %get3A_719 = vector.shape_cast %get3A_718 : vector<1x16xf32> to vector<16xf32>
          %get3A_720 = arith.index_cast %add3A_645 : i32 to index
          %get3A_721 = arith.constant 80 : index
          %get3A_722 = tpu.vector_load %arg13[%get3A_720, %get3A_721] {strides = array<i32>} : memref<80x128xf32, #tpu.memory_space<vmem>>, vector<1x16xf32>,
          %get3A_723 = vector.shape_cast %get3A_722 : vector<1x16xf32> to vector<16xf32>
          %mul3A_724 = arith.mulf %get3A_719, %get3A_723 : vector<16xf32>
          %swap3A_725 = arith.index_cast %add3A_645 : i32 to index
          %swap3A_726 = arith.constant 80 : index
          %swap3A_727 = tpu.vector_load %arg12[%swap3A_725, %swap3A_726] {strides = array<i32>} : memref<80x128xf32, #tpu.memory_space<vmem>>, vector<1x16xf32>,
          %swap3A_728 = vector.shape_cast %swap3A_727 : vector<1x16xf32> to vector<16xf32>
          %swap3A_729 = vector.shape_cast %mul3A_724 : vector<16xf32> to vector<1x16xf32>
          tpu.vector_store %arg12[%swap3A_725, %swap3A_726], %swap3A_729 {strides = array<i32>} : memref<80x128xf32, #tpu.memory_space<vmem>>, vector<1x16xf32>,
          %get3A_730 = arith.index_cast %add3A_645 : i32 to index
          %get3A_731 = arith.constant 96 : index
          %get3A_732 = tpu.vector_load %arg12[%get3A_730, %get3A_731] {strides = array<i32>} : memref<80x128xf32, #tpu.memory_space<vmem>>, vector<1x16xf32>,
          %get3A_733 = vector.shape_cast %get3A_732 : vector<1x16xf32> to vector<16xf32>
          %get3A_734 = arith.index_cast %add3A_645 : i32 to index
          %get3A_735 = arith.constant 96 : index
          %get3A_736 = tpu.vector_load %arg13[%get3A_734, %get3A_735] {strides = array<i32>} : memref<80x128xf32, #tpu.memory_space<vmem>>, vector<1x16xf32>,
          %get3A_737 = vector.shape_cast %get3A_736 : vector<1x16xf32> to vector<16xf32>
          %mul3A_738 = arith.mulf %get3A_733, %get3A_737 : vector<16xf32>
          %swap3A_739 = arith.index_cast %add3A_645 : i32 to index
          %swap3A_740 = arith.constant 96 : index
          %swap3A_741 = tpu.vector_load %arg12[%swap3A_739, %swap3A_740] {strides = array<i32>} : memref<80x128xf32, #tpu.memory_space<vmem>>, vector<1x16xf32>,
          %swap3A_742 = vector.shape_cast %swap3A_741 : vector<1x16xf32> to vector<16xf32>
          %swap3A_743 = vector.shape_cast %mul3A_738 : vector<16xf32> to vector<1x16xf32>
          tpu.vector_store %arg12[%swap3A_739, %swap3A_740], %swap3A_743 {strides = array<i32>} : memref<80x128xf32, #tpu.memory_space<vmem>>, vector<1x16xf32>,
          %get3A_744 = arith.index_cast %add3A_645 : i32 to index
          %get3A_745 = arith.constant 112 : index
          %get3A_746 = tpu.vector_load %arg12[%get3A_744, %get3A_745] {strides = array<i32>} : memref<80x128xf32, #tpu.memory_space<vmem>>, vector<1x16xf32>,
          %get3A_747 = vector.shape_cast %get3A_746 : vector<1x16xf32> to vector<16xf32>
          %get3A_748 = arith.index_cast %add3A_645 : i32 to index
          %get3A_749 = arith.constant 112 : index
          %get3A_750 = tpu.vector_load %arg13[%get3A_748, %get3A_749] {strides = array<i32>} : memref<80x128xf32, #tpu.memory_space<vmem>>, vector<1x16xf32>,
          %get3A_751 = vector.shape_cast %get3A_750 : vector<1x16xf32> to vector<16xf32>
          %mul3A_752 = arith.mulf %get3A_747, %get3A_751 : vector<16xf32>
          %swap3A_753 = arith.index_cast %add3A_645 : i32 to index
          %swap3A_754 = arith.constant 112 : index
          %swap3A_755 = tpu.vector_load %arg12[%swap3A_753, %swap3A_754] {strides = array<i32>} : memref<80x128xf32, #tpu.memory_space<vmem>>, vector<1x16xf32>,
          %swap3A_756 = vector.shape_cast %swap3A_755 : vector<1x16xf32> to vector<16xf32>
          %swap3A_757 = vector.shape_cast %mul3A_752 : vector<16xf32> to vector<1x16xf32>
          tpu.vector_store %arg12[%swap3A_753, %swap3A_754], %swap3A_757 {strides = array<i32>} : memref<80x128xf32, #tpu.memory_space<vmem>>, vector<1x16xf32>,
        }
        %scan3A_282 = arith.constant 20 : i32
        %dma_start3A_283 = arith.constant 0 : i32
        %dma_start3A_284 = arith.constant 0 : i32
        %dma_start3A_285 = tpu.memref_slice %arg7[%dma_start3A_283, %dma_start3A_284] : memref<10000x128xf32, #tpu.memory_space<vmem_shared>> -> memref<10000x128xf32, #tpu.memory_space<vmem_shared>>
        tpu.enqueue_indirect_dma source(%arg12 : memref<80x128xf32, #tpu.memory_space<vmem>>) target(%dma_start3A_285 : memref<10000x128xf32, #tpu.memory_space<vmem_shared>>) offsets(%arg10 : memref<80xi32, #tpu.memory_space<vmem>>) semaphore(%arg20 : memref<!tpu.dma_semaphore, #tpu.memory_space<semaphore_mem>>) {add = true}
        %add3A_286 = arith.constant 2 : i32
        %add3A_287 = arith.addi %scan3A_218, %add3A_286 : i32
        %lt3A_288 = arith.constant 125 : i32
        %lt3A_289 = arith.cmpi slt, %add3A_287, %lt3A_288 : i32
        %convert_element_type3A_290 = arith.extui %lt3A_289 : i1 to i32
        %cond3A_291 = arith.constant 0 : i32
        %cond3A_292 = arith.cmpi ne, %convert_element_type3A_290, %cond3A_291 : i32
        scf.if %cond3A_292 {
          %add3A_293 = arith.constant 2 : i32
          %add3A_294 = arith.addi %scan3A_218, %add3A_293 : i32
          %add3A_295 = arith.addi %select_n3A, %add3A_294 : i32
          %mul3A_296 = arith.constant 3 : i32
          %mul3A_297 = arith.muli %add3A_295, %mul3A_296 : i32
          %mul3A_298 = arith.constant 80 : i32
          %mul3A_299 = arith.muli %mul3A_297, %mul3A_298 : i32
          %dma_start3A_300 = tpu.memref_slice %arg2[%mul3A_299] : memref<960000xi32, #tpu.memory_space<hbm>> -> memref<240xi32, #tpu.memory_space<hbm>>
          %dma_start3A_301 = tpu.memref_slice %arg2[%mul3A_299] : memref<960000xi32, #tpu.memory_space<hbm>> -> memref<240xi32, #tpu.memory_space<hbm>>
          tpu.enqueue_dma source(%dma_start3A_301 : memref<240xi32, #tpu.memory_space<hbm>>) target(%arg8 : memref<240xi32, #tpu.memory_space<vmem>>) target_semaphore(%arg18 : memref<!tpu.dma_semaphore, #tpu.memory_space<semaphore_mem>>)
        } else {
        }
      } else {
      }
      %jit3A_239 = arith.constant 2 : i32
      %eq3A_240 = arith.constant 0 : i32
      %eq3A_241 = arith.cmpi eq, %jit3A_239, %eq3A_240 : i32
      %jit3A_242 = arith.constant 1 : i32
      %select_n3A_243 = arith.select %eq3A_241, %jit3A_242, %jit3A_239 : i32
      %rem3A_244 = arith.remsi %scan3A_218, %select_n3A_243 : i32
      %ne3A_245 = arith.constant 0 : i32
      %ne3A_246 = arith.cmpi ne, %rem3A_244, %ne3A_245 : i32
      %lt3A_247 = arith.constant 0 : i32
      %lt3A_248 = arith.cmpi slt, %rem3A_244, %lt3A_247 : i32
      %lt3A_249 = arith.constant 0 : i32
      %lt3A_250 = arith.cmpi slt, %select_n3A_243, %lt3A_249 : i32
      %ne3A_251 = arith.xori %lt3A_248, %lt3A_250 : i1
      %and3A_252 = arith.andi %ne3A_251, %ne3A_246 : i1
      %add3A_253 = arith.addi %rem3A_244, %select_n3A_243 : i32
      %select_n3A_254 = arith.select %and3A_252, %add3A_253, %rem3A_244 : i32
      %eq3A_255 = arith.constant 1 : i32
      %eq3A_256 = arith.cmpi eq, %select_n3A_254, %eq3A_255 : i32
      %convert_element_type3A_257 = arith.extui %eq3A_256 : i1 to i32
      %cond3A_258 = arith.constant 0 : i32
      %cond3A_259 = arith.cmpi ne, %convert_element_type3A_257, %cond3A_258 : i32
      scf.if %cond3A_259 {
        %dma_wait3A_260 = arith.constant 0 : i32
        %dma_wait3A_261 = tpu.memref_slice %arg9[%dma_wait3A_260] : memref<240xi32, #tpu.memory_space<vmem>> -> memref<80xi32, #tpu.memory_space<vmem>>
        %dma_wait3A_262 = arith.constant 0 : i32
        %dma_wait3A_263 = arith.constant 0 : i32
        %dma_wait3A_264 = tpu.memref_slice %arg3[%dma_wait3A_262, %dma_wait3A_263] : memref<20000x128xf32, #tpu.memory_space<hbm>> -> memref<20000x128xf32, #tpu.memory_space<hbm>>
        tpu.wait_indirect_dma semaphore(%arg17 : memref<!tpu.dma_semaphore, #tpu.memory_space<semaphore_mem>>) src(%dma_wait3A_264 : memref<20000x128xf32, #tpu.memory_space<hbm>>) dst(%arg14 : memref<80x128xf32, #tpu.memory_space<vmem>>)
        %dma_wait3A_265 = arith.constant 160 : i32
        %dma_wait3A_266 = tpu.memref_slice %arg9[%dma_wait3A_265] : memref<240xi32, #tpu.memory_space<vmem>> -> memref<80xi32, #tpu.memory_space<vmem>>
        %dma_wait3A_267 = arith.constant 0 : i32
        %dma_wait3A_268 = arith.constant 0 : i32
        %dma_wait3A_269 = tpu.memref_slice %arg4[%dma_wait3A_267, %dma_wait3A_268] : memref<200x128xf32, #tpu.memory_space<hbm>> -> memref<200x128xf32, #tpu.memory_space<hbm>>
        tpu.wait_indirect_dma semaphore(%arg17 : memref<!tpu.dma_semaphore, #tpu.memory_space<semaphore_mem>>) src(%dma_wait3A_269 : memref<200x128xf32, #tpu.memory_space<hbm>>) dst(%arg15 : memref<80x128xf32, #tpu.memory_space<vmem>>)
        %add3A_270 = arith.constant 1 : i32
        %add3A_271 = arith.addi %scan3A_218, %add3A_270 : i32
        %lt3A_272 = arith.constant 125 : i32
        %lt3A_273 = arith.cmpi slt, %add3A_271, %lt3A_272 : i32
        %convert_element_type3A_274 = arith.extui %lt3A_273 : i1 to i32
        %cond3A_275 = arith.constant 0 : i32
        %cond3A_276 = arith.cmpi ne, %convert_element_type3A_274, %cond3A_275 : i32
        scf.if %cond3A_276 {
          %ge3A = arith.constant 1 : i32
          %ge3A_293 = arith.cmpi sge, %scan3A_218, %ge3A : i32
          %convert_element_type3A_294 = arith.extui %ge3A_293 : i1 to i32
          %cond3A_295 = arith.constant 0 : i32
          %cond3A_296 = arith.cmpi ne, %convert_element_type3A_294, %cond3A_295 : i32
          scf.if %cond3A_296 {
            %dma_wait3A_307 = arith.constant 0 : i32
            %dma_wait3A_308 = arith.constant 0 : i32
            %dma_wait3A_309 = tpu.memref_slice %arg7[%dma_wait3A_307, %dma_wait3A_308] : memref<10000x128xf32, #tpu.memory_space<vmem_shared>> -> memref<10000x128xf32, #tpu.memory_space<vmem_shared>>
            tpu.wait_indirect_dma semaphore(%arg20 : memref<!tpu.dma_semaphore, #tpu.memory_space<semaphore_mem>>) src(%arg12 : memref<80x128xf32, #tpu.memory_space<vmem>>) dst(%dma_wait3A_309 : memref<10000x128xf32, #tpu.memory_space<vmem_shared>>)
            %add3A_310 = arith.constant 1 : i32
            %add3A_311 = arith.addi %scan3A_218, %add3A_310 : i32
            %add3A_312 = arith.addi %select_n3A, %add3A_311 : i32
            %mul3A_313 = arith.constant 3 : i32
            %mul3A_314 = arith.muli %add3A_312, %mul3A_313 : i32
            %mul3A_315 = arith.constant 80 : i32
            %mul3A_316 = arith.muli %mul3A_314, %mul3A_315 : i32
            %dma_wait3A_317 = tpu.memref_slice %arg2[%mul3A_316] : memref<960000xi32, #tpu.memory_space<hbm>> -> memref<240xi32, #tpu.memory_space<hbm>>
            %dma_wait3A_318 = tpu.memref_slice %arg2[%mul3A_316] : memref<960000xi32, #tpu.memory_space<hbm>> -> memref<240xi32, #tpu.memory_space<hbm>>
            tpu.wait_dma2 semaphore(%arg18 : memref<!tpu.dma_semaphore, #tpu.memory_space<semaphore_mem>>) src(%dma_wait3A_318 : memref<240xi32, #tpu.memory_space<hbm>>) dst(%arg8 : memref<240xi32, #tpu.memory_space<vmem>>)
            %get3A_319 = arith.constant 0 : index
            %get3A_320 = tpu.vector_load %arg8[%get3A_319] {strides = array<i32>} : memref<240xi32, #tpu.memory_space<vmem>>, vector<16xi32>,
            %get3A_321 = vector.shape_cast %get3A_320 : vector<16xi32> to vector<16xi32>
            %add3A_322 = vector.broadcast %mul3A_22 : i32 to vector<16xi32>
            %add3A_323 = arith.addi %get3A_321, %add3A_322 : vector<16xi32>
            %swap3A_324 = arith.constant 0 : index
            %swap3A_325 = tpu.vector_load %arg8[%swap3A_324] {strides = array<i32>} : memref<240xi32, #tpu.memory_space<vmem>>, vector<16xi32>,
            %swap3A_326 = vector.shape_cast %swap3A_325 : vector<16xi32> to vector<16xi32>
            %swap3A_327 = vector.shape_cast %add3A_323 : vector<16xi32> to vector<16xi32>
            tpu.vector_store %arg8[%swap3A_324], %swap3A_327 {strides = array<i32>} : memref<240xi32, #tpu.memory_space<vmem>>, vector<16xi32>,
            %get3A_328 = arith.constant 80 : index
            %get3A_329 = tpu.vector_load %arg8[%get3A_328] {strides = array<i32>} : memref<240xi32, #tpu.memory_space<vmem>>, vector<16xi32>,
            %get3A_330 = vector.shape_cast %get3A_329 : vector<16xi32> to vector<16xi32>
            %swap3A_331 = arith.constant 0 : index
            %swap3A_332 = tpu.vector_load %arg10[%swap3A_331] {strides = array<i32>} : memref<80xi32, #tpu.memory_space<vmem>>, vector<16xi32>,
            %swap3A_333 = vector.shape_cast %swap3A_332 : vector<16xi32> to vector<16xi32>
            %swap3A_334 = vector.shape_cast %get3A_330 : vector<16xi32> to vector<16xi32>
            tpu.vector_store %arg10[%swap3A_331], %swap3A_334 {strides = array<i32>} : memref<80xi32, #tpu.memory_space<vmem>>, vector<16xi32>,
            %get3A_335 = arith.constant 16 : index
            %get3A_336 = tpu.vector_load %arg8[%get3A_335] {strides = array<i32>} : memref<240xi32, #tpu.memory_space<vmem>>, vector<16xi32>,
            %get3A_337 = vector.shape_cast %get3A_336 : vector<16xi32> to vector<16xi32>
            %add3A_338 = vector.broadcast %mul3A_22 : i32 to vector<16xi32>
            %add3A_339 = arith.addi %get3A_337, %add3A_338 : vector<16xi32>
            %swap3A_340 = arith.constant 16 : index
            %swap3A_341 = tpu.vector_load %arg8[%swap3A_340] {strides = array<i32>} : memref<240xi32, #tpu.memory_space<vmem>>, vector<16xi32>,
            %swap3A_342 = vector.shape_cast %swap3A_341 : vector<16xi32> to vector<16xi32>
            %swap3A_343 = vector.shape_cast %add3A_339 : vector<16xi32> to vector<16xi32>
            tpu.vector_store %arg8[%swap3A_340], %swap3A_343 {strides = array<i32>} : memref<240xi32, #tpu.memory_space<vmem>>, vector<16xi32>,
            %get3A_344 = arith.constant 96 : index
            %get3A_345 = tpu.vector_load %arg8[%get3A_344] {strides = array<i32>} : memref<240xi32, #tpu.memory_space<vmem>>, vector<16xi32>,
            %get3A_346 = vector.shape_cast %get3A_345 : vector<16xi32> to vector<16xi32>
            %swap3A_347 = arith.constant 16 : index
            %swap3A_348 = tpu.vector_load %arg10[%swap3A_347] {strides = array<i32>} : memref<80xi32, #tpu.memory_space<vmem>>, vector<16xi32>,
            %swap3A_349 = vector.shape_cast %swap3A_348 : vector<16xi32> to vector<16xi32>
            %swap3A_350 = vector.shape_cast %get3A_346 : vector<16xi32> to vector<16xi32>
            tpu.vector_store %arg10[%swap3A_347], %swap3A_350 {strides = array<i32>} : memref<80xi32, #tpu.memory_space<vmem>>, vector<16xi32>,
            %get3A_351 = arith.constant 32 : index
            %get3A_352 = tpu.vector_load %arg8[%get3A_351] {strides = array<i32>} : memref<240xi32, #tpu.memory_space<vmem>>, vector<16xi32>,
            %get3A_353 = vector.shape_cast %get3A_352 : vector<16xi32> to vector<16xi32>
            %add3A_354 = vector.broadcast %mul3A_22 : i32 to vector<16xi32>
            %add3A_355 = arith.addi %get3A_353, %add3A_354 : vector<16xi32>
            %swap3A_356 = arith.constant 32 : index
            %swap3A_357 = tpu.vector_load %arg8[%swap3A_356] {strides = array<i32>} : memref<240xi32, #tpu.memory_space<vmem>>, vector<16xi32>,
            %swap3A_358 = vector.shape_cast %swap3A_357 : vector<16xi32> to vector<16xi32>
            %swap3A_359 = vector.shape_cast %add3A_355 : vector<16xi32> to vector<16xi32>
            tpu.vector_store %arg8[%swap3A_356], %swap3A_359 {strides = array<i32>} : memref<240xi32, #tpu.memory_space<vmem>>, vector<16xi32>,
            %get3A_360 = arith.constant 112 : index
            %get3A_361 = tpu.vector_load %arg8[%get3A_360] {strides = array<i32>} : memref<240xi32, #tpu.memory_space<vmem>>, vector<16xi32>,
            %get3A_362 = vector.shape_cast %get3A_361 : vector<16xi32> to vector<16xi32>
            %swap3A_363 = arith.constant 32 : index
            %swap3A_364 = tpu.vector_load %arg10[%swap3A_363] {strides = array<i32>} : memref<80xi32, #tpu.memory_space<vmem>>, vector<16xi32>,
            %swap3A_365 = vector.shape_cast %swap3A_364 : vector<16xi32> to vector<16xi32>
            %swap3A_366 = vector.shape_cast %get3A_362 : vector<16xi32> to vector<16xi32>
            tpu.vector_store %arg10[%swap3A_363], %swap3A_366 {strides = array<i32>} : memref<80xi32, #tpu.memory_space<vmem>>, vector<16xi32>,
            %get3A_367 = arith.constant 48 : index
            %get3A_368 = tpu.vector_load %arg8[%get3A_367] {strides = array<i32>} : memref<240xi32, #tpu.memory_space<vmem>>, vector<16xi32>,
            %get3A_369 = vector.shape_cast %get3A_368 : vector<16xi32> to vector<16xi32>
            %add3A_370 = vector.broadcast %mul3A_22 : i32 to vector<16xi32>
            %add3A_371 = arith.addi %get3A_369, %add3A_370 : vector<16xi32>
            %swap3A_372 = arith.constant 48 : index
            %swap3A_373 = tpu.vector_load %arg8[%swap3A_372] {strides = array<i32>} : memref<240xi32, #tpu.memory_space<vmem>>, vector<16xi32>,
            %swap3A_374 = vector.shape_cast %swap3A_373 : vector<16xi32> to vector<16xi32>
            %swap3A_375 = vector.shape_cast %add3A_371 : vector<16xi32> to vector<16xi32>
            tpu.vector_store %arg8[%swap3A_372], %swap3A_375 {strides = array<i32>} : memref<240xi32, #tpu.memory_space<vmem>>, vector<16xi32>,
            %get3A_376 = arith.constant 128 : index
            %get3A_377 = tpu.vector_load %arg8[%get3A_376] {strides = array<i32>} : memref<240xi32, #tpu.memory_space<vmem>>, vector<16xi32>,
            %get3A_378 = vector.shape_cast %get3A_377 : vector<16xi32> to vector<16xi32>
            %swap3A_379 = arith.constant 48 : index
            %swap3A_380 = tpu.vector_load %arg10[%swap3A_379] {strides = array<i32>} : memref<80xi32, #tpu.memory_space<vmem>>, vector<16xi32>,
            %swap3A_381 = vector.shape_cast %swap3A_380 : vector<16xi32> to vector<16xi32>
            %swap3A_382 = vector.shape_cast %get3A_378 : vector<16xi32> to vector<16xi32>
            tpu.vector_store %arg10[%swap3A_379], %swap3A_382 {strides = array<i32>} : memref<80xi32, #tpu.memory_space<vmem>>, vector<16xi32>,
            %get3A_383 = arith.constant 64 : index
            %get3A_384 = tpu.vector_load %arg8[%get3A_383] {strides = array<i32>} : memref<240xi32, #tpu.memory_space<vmem>>, vector<16xi32>,
            %get3A_385 = vector.shape_cast %get3A_384 : vector<16xi32> to vector<16xi32>
            %add3A_386 = vector.broadcast %mul3A_22 : i32 to vector<16xi32>
            %add3A_387 = arith.addi %get3A_385, %add3A_386 : vector<16xi32>
            %swap3A_388 = arith.constant 64 : index
            %swap3A_389 = tpu.vector_load %arg8[%swap3A_388] {strides = array<i32>} : memref<240xi32, #tpu.memory_space<vmem>>, vector<16xi32>,
            %swap3A_390 = vector.shape_cast %swap3A_389 : vector<16xi32> to vector<16xi32>
            %swap3A_391 = vector.shape_cast %add3A_387 : vector<16xi32> to vector<16xi32>
            tpu.vector_store %arg8[%swap3A_388], %swap3A_391 {strides = array<i32>} : memref<240xi32, #tpu.memory_space<vmem>>, vector<16xi32>,
            %get3A_392 = arith.constant 144 : index
            %get3A_393 = tpu.vector_load %arg8[%get3A_392] {strides = array<i32>} : memref<240xi32, #tpu.memory_space<vmem>>, vector<16xi32>,
            %get3A_394 = vector.shape_cast %get3A_393 : vector<16xi32> to vector<16xi32>
            %swap3A_395 = arith.constant 64 : index
            %swap3A_396 = tpu.vector_load %arg10[%swap3A_395] {strides = array<i32>} : memref<80xi32, #tpu.memory_space<vmem>>, vector<16xi32>,
            %swap3A_397 = vector.shape_cast %swap3A_396 : vector<16xi32> to vector<16xi32>
            %swap3A_398 = vector.shape_cast %get3A_394 : vector<16xi32> to vector<16xi32>
            tpu.vector_store %arg10[%swap3A_395], %swap3A_398 {strides = array<i32>} : memref<80xi32, #tpu.memory_space<vmem>>, vector<16xi32>,
          } else {
          }
          %dma_start3A_297 = arith.constant 0 : i32
          %dma_start3A_298 = tpu.memref_slice %arg8[%dma_start3A_297] : memref<240xi32, #tpu.memory_space<vmem>> -> memref<80xi32, #tpu.memory_space<vmem>>
          %dma_start3A_299 = arith.constant 0 : i32
          %dma_start3A_300 = arith.constant 0 : i32
          %dma_start3A_301 = tpu.memref_slice %arg3[%dma_start3A_299, %dma_start3A_300] : memref<20000x128xf32, #tpu.memory_space<hbm>> -> memref<20000x128xf32, #tpu.memory_space<hbm>>
          tpu.enqueue_indirect_dma source(%dma_start3A_301 : memref<20000x128xf32, #tpu.memory_space<hbm>>) target(%arg12 : memref<80x128xf32, #tpu.memory_space<vmem>>) offsets(%dma_start3A_298 : memref<80xi32, #tpu.memory_space<vmem>>) semaphore(%arg16 : memref<!tpu.dma_semaphore, #tpu.memory_space<semaphore_mem>>)
          %dma_start3A_302 = arith.constant 160 : i32
          %dma_start3A_303 = tpu.memref_slice %arg8[%dma_start3A_302] : memref<240xi32, #tpu.memory_space<vmem>> -> memref<80xi32, #tpu.memory_space<vmem>>
          %dma_start3A_304 = arith.constant 0 : i32
          %dma_start3A_305 = arith.constant 0 : i32
          %dma_start3A_306 = tpu.memref_slice %arg4[%dma_start3A_304, %dma_start3A_305] : memref<200x128xf32, #tpu.memory_space<hbm>> -> memref<200x128xf32, #tpu.memory_space<hbm>>
          tpu.enqueue_indirect_dma source(%dma_start3A_306 : memref<200x128xf32, #tpu.memory_space<hbm>>) target(%arg13 : memref<80x128xf32, #tpu.memory_space<vmem>>) offsets(%dma_start3A_303 : memref<80xi32, #tpu.memory_space<vmem>>) semaphore(%arg16 : memref<!tpu.dma_semaphore, #tpu.memory_space<semaphore_mem>>)
        } else {
        }
        %scan3A_277 = arith.constant 0 : i32
        %scan3A_278 = arith.constant 0 : i32
        %scan3A_279 = arith.constant 20 : i32
        %scan3A_280 = arith.addi %scan3A_278, %scan3A_279 : i32
        %scan3A_281 = arith.constant 1 : i32
        scf.for %scan3A_293 = %scan3A_278 to %scan3A_280 step %scan3A_281  : i32 {
          %mul3A_294 = arith.constant 4 : i32
          %mul3A_295 = arith.muli %scan3A_293, %mul3A_294 : i32
          %add3A_296 = arith.constant 0 : i32
          %add3A_297 = arith.addi %mul3A_295, %add3A_296 : i32
          %get3A_298 = arith.index_cast %add3A_297 : i32 to index
          %get3A_299 = arith.constant 0 : index
          %get3A_300 = tpu.vector_load %arg14[%get3A_298, %get3A_299] {strides = array<i32>} : memref<80x128xf32, #tpu.memory_space<vmem>>, vector<1x16xf32>,
          %get3A_301 = vector.shape_cast %get3A_300 : vector<1x16xf32> to vector<16xf32>
          %get3A_302 = arith.index_cast %add3A_297 : i32 to index
          %get3A_303 = arith.constant 0 : index
          %get3A_304 = tpu.vector_load %arg15[%get3A_302, %get3A_303] {strides = array<i32>} : memref<80x128xf32, #tpu.memory_space<vmem>>, vector<1x16xf32>,
          %get3A_305 = vector.shape_cast %get3A_304 : vector<1x16xf32> to vector<16xf32>
          %mul3A_306 = arith.mulf %get3A_301, %get3A_305 : vector<16xf32>
          %swap3A_307 = arith.index_cast %add3A_297 : i32 to index
          %swap3A_308 = arith.constant 0 : index
          %swap3A_309 = tpu.vector_load %arg14[%swap3A_307, %swap3A_308] {strides = array<i32>} : memref<80x128xf32, #tpu.memory_space<vmem>>, vector<1x16xf32>,
          %swap3A_310 = vector.shape_cast %swap3A_309 : vector<1x16xf32> to vector<16xf32>
          %swap3A_311 = vector.shape_cast %mul3A_306 : vector<16xf32> to vector<1x16xf32>
          tpu.vector_store %arg14[%swap3A_307, %swap3A_308], %swap3A_311 {strides = array<i32>} : memref<80x128xf32, #tpu.memory_space<vmem>>, vector<1x16xf32>,
          %get3A_312 = arith.index_cast %add3A_297 : i32 to index
          %get3A_313 = arith.constant 16 : index
          %get3A_314 = tpu.vector_load %arg14[%get3A_312, %get3A_313] {strides = array<i32>} : memref<80x128xf32, #tpu.memory_space<vmem>>, vector<1x16xf32>,
          %get3A_315 = vector.shape_cast %get3A_314 : vector<1x16xf32> to vector<16xf32>
          %get3A_316 = arith.index_cast %add3A_297 : i32 to index
          %get3A_317 = arith.constant 16 : index
          %get3A_318 = tpu.vector_load %arg15[%get3A_316, %get3A_317] {strides = array<i32>} : memref<80x128xf32, #tpu.memory_space<vmem>>, vector<1x16xf32>,
          %get3A_319 = vector.shape_cast %get3A_318 : vector<1x16xf32> to vector<16xf32>
          %mul3A_320 = arith.mulf %get3A_315, %get3A_319 : vector<16xf32>
          %swap3A_321 = arith.index_cast %add3A_297 : i32 to index
          %swap3A_322 = arith.constant 16 : index
          %swap3A_323 = tpu.vector_load %arg14[%swap3A_321, %swap3A_322] {strides = array<i32>} : memref<80x128xf32, #tpu.memory_space<vmem>>, vector<1x16xf32>,
          %swap3A_324 = vector.shape_cast %swap3A_323 : vector<1x16xf32> to vector<16xf32>
          %swap3A_325 = vector.shape_cast %mul3A_320 : vector<16xf32> to vector<1x16xf32>
          tpu.vector_store %arg14[%swap3A_321, %swap3A_322], %swap3A_325 {strides = array<i32>} : memref<80x128xf32, #tpu.memory_space<vmem>>, vector<1x16xf32>,
          %get3A_326 = arith.index_cast %add3A_297 : i32 to index
          %get3A_327 = arith.constant 32 : index
          %get3A_328 = tpu.vector_load %arg14[%get3A_326, %get3A_327] {strides = array<i32>} : memref<80x128xf32, #tpu.memory_space<vmem>>, vector<1x16xf32>,
          %get3A_329 = vector.shape_cast %get3A_328 : vector<1x16xf32> to vector<16xf32>
          %get3A_330 = arith.index_cast %add3A_297 : i32 to index
          %get3A_331 = arith.constant 32 : index
          %get3A_332 = tpu.vector_load %arg15[%get3A_330, %get3A_331] {strides = array<i32>} : memref<80x128xf32, #tpu.memory_space<vmem>>, vector<1x16xf32>,
          %get3A_333 = vector.shape_cast %get3A_332 : vector<1x16xf32> to vector<16xf32>
          %mul3A_334 = arith.mulf %get3A_329, %get3A_333 : vector<16xf32>
          %swap3A_335 = arith.index_cast %add3A_297 : i32 to index
          %swap3A_336 = arith.constant 32 : index
          %swap3A_337 = tpu.vector_load %arg14[%swap3A_335, %swap3A_336] {strides = array<i32>} : memref<80x128xf32, #tpu.memory_space<vmem>>, vector<1x16xf32>,
          %swap3A_338 = vector.shape_cast %swap3A_337 : vector<1x16xf32> to vector<16xf32>
          %swap3A_339 = vector.shape_cast %mul3A_334 : vector<16xf32> to vector<1x16xf32>
          tpu.vector_store %arg14[%swap3A_335, %swap3A_336], %swap3A_339 {strides = array<i32>} : memref<80x128xf32, #tpu.memory_space<vmem>>, vector<1x16xf32>,
          %get3A_340 = arith.index_cast %add3A_297 : i32 to index
          %get3A_341 = arith.constant 48 : index
          %get3A_342 = tpu.vector_load %arg14[%get3A_340, %get3A_341] {strides = array<i32>} : memref<80x128xf32, #tpu.memory_space<vmem>>, vector<1x16xf32>,
          %get3A_343 = vector.shape_cast %get3A_342 : vector<1x16xf32> to vector<16xf32>
          %get3A_344 = arith.index_cast %add3A_297 : i32 to index
          %get3A_345 = arith.constant 48 : index
          %get3A_346 = tpu.vector_load %arg15[%get3A_344, %get3A_345] {strides = array<i32>} : memref<80x128xf32, #tpu.memory_space<vmem>>, vector<1x16xf32>,
          %get3A_347 = vector.shape_cast %get3A_346 : vector<1x16xf32> to vector<16xf32>
          %mul3A_348 = arith.mulf %get3A_343, %get3A_347 : vector<16xf32>
          %swap3A_349 = arith.index_cast %add3A_297 : i32 to index
          %swap3A_350 = arith.constant 48 : index
          %swap3A_351 = tpu.vector_load %arg14[%swap3A_349, %swap3A_350] {strides = array<i32>} : memref<80x128xf32, #tpu.memory_space<vmem>>, vector<1x16xf32>,
          %swap3A_352 = vector.shape_cast %swap3A_351 : vector<1x16xf32> to vector<16xf32>
          %swap3A_353 = vector.shape_cast %mul3A_348 : vector<16xf32> to vector<1x16xf32>
          tpu.vector_store %arg14[%swap3A_349, %swap3A_350], %swap3A_353 {strides = array<i32>} : memref<80x128xf32, #tpu.memory_space<vmem>>, vector<1x16xf32>,
          %get3A_354 = arith.index_cast %add3A_297 : i32 to index
          %get3A_355 = arith.constant 64 : index
          %get3A_356 = tpu.vector_load %arg14[%get3A_354, %get3A_355] {strides = array<i32>} : memref<80x128xf32, #tpu.memory_space<vmem>>, vector<1x16xf32>,
          %get3A_357 = vector.shape_cast %get3A_356 : vector<1x16xf32> to vector<16xf32>
          %get3A_358 = arith.index_cast %add3A_297 : i32 to index
          %get3A_359 = arith.constant 64 : index
          %get3A_360 = tpu.vector_load %arg15[%get3A_358, %get3A_359] {strides = array<i32>} : memref<80x128xf32, #tpu.memory_space<vmem>>, vector<1x16xf32>,
          %get3A_361 = vector.shape_cast %get3A_360 : vector<1x16xf32> to vector<16xf32>
          %mul3A_362 = arith.mulf %get3A_357, %get3A_361 : vector<16xf32>
          %swap3A_363 = arith.index_cast %add3A_297 : i32 to index
          %swap3A_364 = arith.constant 64 : index
          %swap3A_365 = tpu.vector_load %arg14[%swap3A_363, %swap3A_364] {strides = array<i32>} : memref<80x128xf32, #tpu.memory_space<vmem>>, vector<1x16xf32>,
          %swap3A_366 = vector.shape_cast %swap3A_365 : vector<1x16xf32> to vector<16xf32>
          %swap3A_367 = vector.shape_cast %mul3A_362 : vector<16xf32> to vector<1x16xf32>
          tpu.vector_store %arg14[%swap3A_363, %swap3A_364], %swap3A_367 {strides = array<i32>} : memref<80x128xf32, #tpu.memory_space<vmem>>, vector<1x16xf32>,
          %get3A_368 = arith.index_cast %add3A_297 : i32 to index
          %get3A_369 = arith.constant 80 : index
          %get3A_370 = tpu.vector_load %arg14[%get3A_368, %get3A_369] {strides = array<i32>} : memref<80x128xf32, #tpu.memory_space<vmem>>, vector<1x16xf32>,
          %get3A_371 = vector.shape_cast %get3A_370 : vector<1x16xf32> to vector<16xf32>
          %get3A_372 = arith.index_cast %add3A_297 : i32 to index
          %get3A_373 = arith.constant 80 : index
          %get3A_374 = tpu.vector_load %arg15[%get3A_372, %get3A_373] {strides = array<i32>} : memref<80x128xf32, #tpu.memory_space<vmem>>, vector<1x16xf32>,
          %get3A_375 = vector.shape_cast %get3A_374 : vector<1x16xf32> to vector<16xf32>
          %mul3A_376 = arith.mulf %get3A_371, %get3A_375 : vector<16xf32>
          %swap3A_377 = arith.index_cast %add3A_297 : i32 to index
          %swap3A_378 = arith.constant 80 : index
          %swap3A_379 = tpu.vector_load %arg14[%swap3A_377, %swap3A_378] {strides = array<i32>} : memref<80x128xf32, #tpu.memory_space<vmem>>, vector<1x16xf32>,
          %swap3A_380 = vector.shape_cast %swap3A_379 : vector<1x16xf32> to vector<16xf32>
          %swap3A_381 = vector.shape_cast %mul3A_376 : vector<16xf32> to vector<1x16xf32>
          tpu.vector_store %arg14[%swap3A_377, %swap3A_378], %swap3A_381 {strides = array<i32>} : memref<80x128xf32, #tpu.memory_space<vmem>>, vector<1x16xf32>,
          %get3A_382 = arith.index_cast %add3A_297 : i32 to index
          %get3A_383 = arith.constant 96 : index
          %get3A_384 = tpu.vector_load %arg14[%get3A_382, %get3A_383] {strides = array<i32>} : memref<80x128xf32, #tpu.memory_space<vmem>>, vector<1x16xf32>,
          %get3A_385 = vector.shape_cast %get3A_384 : vector<1x16xf32> to vector<16xf32>
          %get3A_386 = arith.index_cast %add3A_297 : i32 to index
          %get3A_387 = arith.constant 96 : index
          %get3A_388 = tpu.vector_load %arg15[%get3A_386, %get3A_387] {strides = array<i32>} : memref<80x128xf32, #tpu.memory_space<vmem>>, vector<1x16xf32>,
          %get3A_389 = vector.shape_cast %get3A_388 : vector<1x16xf32> to vector<16xf32>
          %mul3A_390 = arith.mulf %get3A_385, %get3A_389 : vector<16xf32>
          %swap3A_391 = arith.index_cast %add3A_297 : i32 to index
          %swap3A_392 = arith.constant 96 : index
          %swap3A_393 = tpu.vector_load %arg14[%swap3A_391, %swap3A_392] {strides = array<i32>} : memref<80x128xf32, #tpu.memory_space<vmem>>, vector<1x16xf32>,
          %swap3A_394 = vector.shape_cast %swap3A_393 : vector<1x16xf32> to vector<16xf32>
          %swap3A_395 = vector.shape_cast %mul3A_390 : vector<16xf32> to vector<1x16xf32>
          tpu.vector_store %arg14[%swap3A_391, %swap3A_392], %swap3A_395 {strides = array<i32>} : memref<80x128xf32, #tpu.memory_space<vmem>>, vector<1x16xf32>,
          %get3A_396 = arith.index_cast %add3A_297 : i32 to index
          %get3A_397 = arith.constant 112 : index
          %get3A_398 = tpu.vector_load %arg14[%get3A_396, %get3A_397] {strides = array<i32>} : memref<80x128xf32, #tpu.memory_space<vmem>>, vector<1x16xf32>,
          %get3A_399 = vector.shape_cast %get3A_398 : vector<1x16xf32> to vector<16xf32>
          %get3A_400 = arith.index_cast %add3A_297 : i32 to index
          %get3A_401 = arith.constant 112 : index
          %get3A_402 = tpu.vector_load %arg15[%get3A_400, %get3A_401] {strides = array<i32>} : memref<80x128xf32, #tpu.memory_space<vmem>>, vector<1x16xf32>,
          %get3A_403 = vector.shape_cast %get3A_402 : vector<1x16xf32> to vector<16xf32>
          %mul3A_404 = arith.mulf %get3A_399, %get3A_403 : vector<16xf32>
          %swap3A_405 = arith.index_cast %add3A_297 : i32 to index
          %swap3A_406 = arith.constant 112 : index
          %swap3A_407 = tpu.vector_load %arg14[%swap3A_405, %swap3A_406] {strides = array<i32>} : memref<80x128xf32, #tpu.memory_space<vmem>>, vector<1x16xf32>,
          %swap3A_408 = vector.shape_cast %swap3A_407 : vector<1x16xf32> to vector<16xf32>
          %swap3A_409 = vector.shape_cast %mul3A_404 : vector<16xf32> to vector<1x16xf32>
          tpu.vector_store %arg14[%swap3A_405, %swap3A_406], %swap3A_409 {strides = array<i32>} : memref<80x128xf32, #tpu.memory_space<vmem>>, vector<1x16xf32>,
          %mul3A_410 = arith.constant 4 : i32
          %mul3A_411 = arith.muli %scan3A_293, %mul3A_410 : i32
          %add3A_412 = arith.constant 1 : i32
          %add3A_413 = arith.addi %mul3A_411, %add3A_412 : i32
          %get3A_414 = arith.index_cast %add3A_413 : i32 to index
          %get3A_415 = arith.constant 0 : index
          %get3A_416 = tpu.vector_load %arg14[%get3A_414, %get3A_415] {strides = array<i32>} : memref<80x128xf32, #tpu.memory_space<vmem>>, vector<1x16xf32>,
          %get3A_417 = vector.shape_cast %get3A_416 : vector<1x16xf32> to vector<16xf32>
          %get3A_418 = arith.index_cast %add3A_413 : i32 to index
          %get3A_419 = arith.constant 0 : index
          %get3A_420 = tpu.vector_load %arg15[%get3A_418, %get3A_419] {strides = array<i32>} : memref<80x128xf32, #tpu.memory_space<vmem>>, vector<1x16xf32>,
          %get3A_421 = vector.shape_cast %get3A_420 : vector<1x16xf32> to vector<16xf32>
          %mul3A_422 = arith.mulf %get3A_417, %get3A_421 : vector<16xf32>
          %swap3A_423 = arith.index_cast %add3A_413 : i32 to index
          %swap3A_424 = arith.constant 0 : index
          %swap3A_425 = tpu.vector_load %arg14[%swap3A_423, %swap3A_424] {strides = array<i32>} : memref<80x128xf32, #tpu.memory_space<vmem>>, vector<1x16xf32>,
          %swap3A_426 = vector.shape_cast %swap3A_425 : vector<1x16xf32> to vector<16xf32>
          %swap3A_427 = vector.shape_cast %mul3A_422 : vector<16xf32> to vector<1x16xf32>
          tpu.vector_store %arg14[%swap3A_423, %swap3A_424], %swap3A_427 {strides = array<i32>} : memref<80x128xf32, #tpu.memory_space<vmem>>, vector<1x16xf32>,
          %get3A_428 = arith.index_cast %add3A_413 : i32 to index
          %get3A_429 = arith.constant 16 : index
          %get3A_430 = tpu.vector_load %arg14[%get3A_428, %get3A_429] {strides = array<i32>} : memref<80x128xf32, #tpu.memory_space<vmem>>, vector<1x16xf32>,
          %get3A_431 = vector.shape_cast %get3A_430 : vector<1x16xf32> to vector<16xf32>
          %get3A_432 = arith.index_cast %add3A_413 : i32 to index
          %get3A_433 = arith.constant 16 : index
          %get3A_434 = tpu.vector_load %arg15[%get3A_432, %get3A_433] {strides = array<i32>} : memref<80x128xf32, #tpu.memory_space<vmem>>, vector<1x16xf32>,
          %get3A_435 = vector.shape_cast %get3A_434 : vector<1x16xf32> to vector<16xf32>
          %mul3A_436 = arith.mulf %get3A_431, %get3A_435 : vector<16xf32>
          %swap3A_437 = arith.index_cast %add3A_413 : i32 to index
          %swap3A_438 = arith.constant 16 : index
          %swap3A_439 = tpu.vector_load %arg14[%swap3A_437, %swap3A_438] {strides = array<i32>} : memref<80x128xf32, #tpu.memory_space<vmem>>, vector<1x16xf32>,
          %swap3A_440 = vector.shape_cast %swap3A_439 : vector<1x16xf32> to vector<16xf32>
          %swap3A_441 = vector.shape_cast %mul3A_436 : vector<16xf32> to vector<1x16xf32>
          tpu.vector_store %arg14[%swap3A_437, %swap3A_438], %swap3A_441 {strides = array<i32>} : memref<80x128xf32, #tpu.memory_space<vmem>>, vector<1x16xf32>,
          %get3A_442 = arith.index_cast %add3A_413 : i32 to index
          %get3A_443 = arith.constant 32 : index
          %get3A_444 = tpu.vector_load %arg14[%get3A_442, %get3A_443] {strides = array<i32>} : memref<80x128xf32, #tpu.memory_space<vmem>>, vector<1x16xf32>,
          %get3A_445 = vector.shape_cast %get3A_444 : vector<1x16xf32> to vector<16xf32>
          %get3A_446 = arith.index_cast %add3A_413 : i32 to index
          %get3A_447 = arith.constant 32 : index
          %get3A_448 = tpu.vector_load %arg15[%get3A_446, %get3A_447] {strides = array<i32>} : memref<80x128xf32, #tpu.memory_space<vmem>>, vector<1x16xf32>,
          %get3A_449 = vector.shape_cast %get3A_448 : vector<1x16xf32> to vector<16xf32>
          %mul3A_450 = arith.mulf %get3A_445, %get3A_449 : vector<16xf32>
          %swap3A_451 = arith.index_cast %add3A_413 : i32 to index
          %swap3A_452 = arith.constant 32 : index
          %swap3A_453 = tpu.vector_load %arg14[%swap3A_451, %swap3A_452] {strides = array<i32>} : memref<80x128xf32, #tpu.memory_space<vmem>>, vector<1x16xf32>,
          %swap3A_454 = vector.shape_cast %swap3A_453 : vector<1x16xf32> to vector<16xf32>
          %swap3A_455 = vector.shape_cast %mul3A_450 : vector<16xf32> to vector<1x16xf32>
          tpu.vector_store %arg14[%swap3A_451, %swap3A_452], %swap3A_455 {strides = array<i32>} : memref<80x128xf32, #tpu.memory_space<vmem>>, vector<1x16xf32>,
          %get3A_456 = arith.index_cast %add3A_413 : i32 to index
          %get3A_457 = arith.constant 48 : index
          %get3A_458 = tpu.vector_load %arg14[%get3A_456, %get3A_457] {strides = array<i32>} : memref<80x128xf32, #tpu.memory_space<vmem>>, vector<1x16xf32>,
          %get3A_459 = vector.shape_cast %get3A_458 : vector<1x16xf32> to vector<16xf32>
          %get3A_460 = arith.index_cast %add3A_413 : i32 to index
          %get3A_461 = arith.constant 48 : index
          %get3A_462 = tpu.vector_load %arg15[%get3A_460, %get3A_461] {strides = array<i32>} : memref<80x128xf32, #tpu.memory_space<vmem>>, vector<1x16xf32>,
          %get3A_463 = vector.shape_cast %get3A_462 : vector<1x16xf32> to vector<16xf32>
          %mul3A_464 = arith.mulf %get3A_459, %get3A_463 : vector<16xf32>
          %swap3A_465 = arith.index_cast %add3A_413 : i32 to index
          %swap3A_466 = arith.constant 48 : index
          %swap3A_467 = tpu.vector_load %arg14[%swap3A_465, %swap3A_466] {strides = array<i32>} : memref<80x128xf32, #tpu.memory_space<vmem>>, vector<1x16xf32>,
          %swap3A_468 = vector.shape_cast %swap3A_467 : vector<1x16xf32> to vector<16xf32>
          %swap3A_469 = vector.shape_cast %mul3A_464 : vector<16xf32> to vector<1x16xf32>
          tpu.vector_store %arg14[%swap3A_465, %swap3A_466], %swap3A_469 {strides = array<i32>} : memref<80x128xf32, #tpu.memory_space<vmem>>, vector<1x16xf32>,
          %get3A_470 = arith.index_cast %add3A_413 : i32 to index
          %get3A_471 = arith.constant 64 : index
          %get3A_472 = tpu.vector_load %arg14[%get3A_470, %get3A_471] {strides = array<i32>} : memref<80x128xf32, #tpu.memory_space<vmem>>, vector<1x16xf32>,
          %get3A_473 = vector.shape_cast %get3A_472 : vector<1x16xf32> to vector<16xf32>
          %get3A_474 = arith.index_cast %add3A_413 : i32 to index
          %get3A_475 = arith.constant 64 : index
          %get3A_476 = tpu.vector_load %arg15[%get3A_474, %get3A_475] {strides = array<i32>} : memref<80x128xf32, #tpu.memory_space<vmem>>, vector<1x16xf32>,
          %get3A_477 = vector.shape_cast %get3A_476 : vector<1x16xf32> to vector<16xf32>
          %mul3A_478 = arith.mulf %get3A_473, %get3A_477 : vector<16xf32>
          %swap3A_479 = arith.index_cast %add3A_413 : i32 to index
          %swap3A_480 = arith.constant 64 : index
          %swap3A_481 = tpu.vector_load %arg14[%swap3A_479, %swap3A_480] {strides = array<i32>} : memref<80x128xf32, #tpu.memory_space<vmem>>, vector<1x16xf32>,
          %swap3A_482 = vector.shape_cast %swap3A_481 : vector<1x16xf32> to vector<16xf32>
          %swap3A_483 = vector.shape_cast %mul3A_478 : vector<16xf32> to vector<1x16xf32>
          tpu.vector_store %arg14[%swap3A_479, %swap3A_480], %swap3A_483 {strides = array<i32>} : memref<80x128xf32, #tpu.memory_space<vmem>>, vector<1x16xf32>,
          %get3A_484 = arith.index_cast %add3A_413 : i32 to index
          %get3A_485 = arith.constant 80 : index
          %get3A_486 = tpu.vector_load %arg14[%get3A_484, %get3A_485] {strides = array<i32>} : memref<80x128xf32, #tpu.memory_space<vmem>>, vector<1x16xf32>,
          %get3A_487 = vector.shape_cast %get3A_486 : vector<1x16xf32> to vector<16xf32>
          %get3A_488 = arith.index_cast %add3A_413 : i32 to index
          %get3A_489 = arith.constant 80 : index
          %get3A_490 = tpu.vector_load %arg15[%get3A_488, %get3A_489] {strides = array<i32>} : memref<80x128xf32, #tpu.memory_space<vmem>>, vector<1x16xf32>,
          %get3A_491 = vector.shape_cast %get3A_490 : vector<1x16xf32> to vector<16xf32>
          %mul3A_492 = arith.mulf %get3A_487, %get3A_491 : vector<16xf32>
          %swap3A_493 = arith.index_cast %add3A_413 : i32 to index
          %swap3A_494 = arith.constant 80 : index
          %swap3A_495 = tpu.vector_load %arg14[%swap3A_493, %swap3A_494] {strides = array<i32>} : memref<80x128xf32, #tpu.memory_space<vmem>>, vector<1x16xf32>,
          %swap3A_496 = vector.shape_cast %swap3A_495 : vector<1x16xf32> to vector<16xf32>
          %swap3A_497 = vector.shape_cast %mul3A_492 : vector<16xf32> to vector<1x16xf32>
          tpu.vector_store %arg14[%swap3A_493, %swap3A_494], %swap3A_497 {strides = array<i32>} : memref<80x128xf32, #tpu.memory_space<vmem>>, vector<1x16xf32>,
          %get3A_498 = arith.index_cast %add3A_413 : i32 to index
          %get3A_499 = arith.constant 96 : index
          %get3A_500 = tpu.vector_load %arg14[%get3A_498, %get3A_499] {strides = array<i32>} : memref<80x128xf32, #tpu.memory_space<vmem>>, vector<1x16xf32>,
          %get3A_501 = vector.shape_cast %get3A_500 : vector<1x16xf32> to vector<16xf32>
          %get3A_502 = arith.index_cast %add3A_413 : i32 to index
          %get3A_503 = arith.constant 96 : index
          %get3A_504 = tpu.vector_load %arg15[%get3A_502, %get3A_503] {strides = array<i32>} : memref<80x128xf32, #tpu.memory_space<vmem>>, vector<1x16xf32>,
          %get3A_505 = vector.shape_cast %get3A_504 : vector<1x16xf32> to vector<16xf32>
          %mul3A_506 = arith.mulf %get3A_501, %get3A_505 : vector<16xf32>
          %swap3A_507 = arith.index_cast %add3A_413 : i32 to index
          %swap3A_508 = arith.constant 96 : index
          %swap3A_509 = tpu.vector_load %arg14[%swap3A_507, %swap3A_508] {strides = array<i32>} : memref<80x128xf32, #tpu.memory_space<vmem>>, vector<1x16xf32>,
          %swap3A_510 = vector.shape_cast %swap3A_509 : vector<1x16xf32> to vector<16xf32>
          %swap3A_511 = vector.shape_cast %mul3A_506 : vector<16xf32> to vector<1x16xf32>
          tpu.vector_store %arg14[%swap3A_507, %swap3A_508], %swap3A_511 {strides = array<i32>} : memref<80x128xf32, #tpu.memory_space<vmem>>, vector<1x16xf32>,
          %get3A_512 = arith.index_cast %add3A_413 : i32 to index
          %get3A_513 = arith.constant 112 : index
          %get3A_514 = tpu.vector_load %arg14[%get3A_512, %get3A_513] {strides = array<i32>} : memref<80x128xf32, #tpu.memory_space<vmem>>, vector<1x16xf32>,
          %get3A_515 = vector.shape_cast %get3A_514 : vector<1x16xf32> to vector<16xf32>
          %get3A_516 = arith.index_cast %add3A_413 : i32 to index
          %get3A_517 = arith.constant 112 : index
          %get3A_518 = tpu.vector_load %arg15[%get3A_516, %get3A_517] {strides = array<i32>} : memref<80x128xf32, #tpu.memory_space<vmem>>, vector<1x16xf32>,
          %get3A_519 = vector.shape_cast %get3A_518 : vector<1x16xf32> to vector<16xf32>
          %mul3A_520 = arith.mulf %get3A_515, %get3A_519 : vector<16xf32>
          %swap3A_521 = arith.index_cast %add3A_413 : i32 to index
          %swap3A_522 = arith.constant 112 : index
          %swap3A_523 = tpu.vector_load %arg14[%swap3A_521, %swap3A_522] {strides = array<i32>} : memref<80x128xf32, #tpu.memory_space<vmem>>, vector<1x16xf32>,
          %swap3A_524 = vector.shape_cast %swap3A_523 : vector<1x16xf32> to vector<16xf32>
          %swap3A_525 = vector.shape_cast %mul3A_520 : vector<16xf32> to vector<1x16xf32>
          tpu.vector_store %arg14[%swap3A_521, %swap3A_522], %swap3A_525 {strides = array<i32>} : memref<80x128xf32, #tpu.memory_space<vmem>>, vector<1x16xf32>,
          %mul3A_526 = arith.constant 4 : i32
          %mul3A_527 = arith.muli %scan3A_293, %mul3A_526 : i32
          %add3A_528 = arith.constant 2 : i32
          %add3A_529 = arith.addi %mul3A_527, %add3A_528 : i32
          %get3A_530 = arith.index_cast %add3A_529 : i32 to index
          %get3A_531 = arith.constant 0 : index
          %get3A_532 = tpu.vector_load %arg14[%get3A_530, %get3A_531] {strides = array<i32>} : memref<80x128xf32, #tpu.memory_space<vmem>>, vector<1x16xf32>,
          %get3A_533 = vector.shape_cast %get3A_532 : vector<1x16xf32> to vector<16xf32>
          %get3A_534 = arith.index_cast %add3A_529 : i32 to index
          %get3A_535 = arith.constant 0 : index
          %get3A_536 = tpu.vector_load %arg15[%get3A_534, %get3A_535] {strides = array<i32>} : memref<80x128xf32, #tpu.memory_space<vmem>>, vector<1x16xf32>,
          %get3A_537 = vector.shape_cast %get3A_536 : vector<1x16xf32> to vector<16xf32>
          %mul3A_538 = arith.mulf %get3A_533, %get3A_537 : vector<16xf32>
          %swap3A_539 = arith.index_cast %add3A_529 : i32 to index
          %swap3A_540 = arith.constant 0 : index
          %swap3A_541 = tpu.vector_load %arg14[%swap3A_539, %swap3A_540] {strides = array<i32>} : memref<80x128xf32, #tpu.memory_space<vmem>>, vector<1x16xf32>,
          %swap3A_542 = vector.shape_cast %swap3A_541 : vector<1x16xf32> to vector<16xf32>
          %swap3A_543 = vector.shape_cast %mul3A_538 : vector<16xf32> to vector<1x16xf32>
          tpu.vector_store %arg14[%swap3A_539, %swap3A_540], %swap3A_543 {strides = array<i32>} : memref<80x128xf32, #tpu.memory_space<vmem>>, vector<1x16xf32>,
          %get3A_544 = arith.index_cast %add3A_529 : i32 to index
          %get3A_545 = arith.constant 16 : index
          %get3A_546 = tpu.vector_load %arg14[%get3A_544, %get3A_545] {strides = array<i32>} : memref<80x128xf32, #tpu.memory_space<vmem>>, vector<1x16xf32>,
          %get3A_547 = vector.shape_cast %get3A_546 : vector<1x16xf32> to vector<16xf32>
          %get3A_548 = arith.index_cast %add3A_529 : i32 to index
          %get3A_549 = arith.constant 16 : index
          %get3A_550 = tpu.vector_load %arg15[%get3A_548, %get3A_549] {strides = array<i32>} : memref<80x128xf32, #tpu.memory_space<vmem>>, vector<1x16xf32>,
          %get3A_551 = vector.shape_cast %get3A_550 : vector<1x16xf32> to vector<16xf32>
          %mul3A_552 = arith.mulf %get3A_547, %get3A_551 : vector<16xf32>
          %swap3A_553 = arith.index_cast %add3A_529 : i32 to index
          %swap3A_554 = arith.constant 16 : index
          %swap3A_555 = tpu.vector_load %arg14[%swap3A_553, %swap3A_554] {strides = array<i32>} : memref<80x128xf32, #tpu.memory_space<vmem>>, vector<1x16xf32>,
          %swap3A_556 = vector.shape_cast %swap3A_555 : vector<1x16xf32> to vector<16xf32>
          %swap3A_557 = vector.shape_cast %mul3A_552 : vector<16xf32> to vector<1x16xf32>
          tpu.vector_store %arg14[%swap3A_553, %swap3A_554], %swap3A_557 {strides = array<i32>} : memref<80x128xf32, #tpu.memory_space<vmem>>, vector<1x16xf32>,
          %get3A_558 = arith.index_cast %add3A_529 : i32 to index
          %get3A_559 = arith.constant 32 : index
          %get3A_560 = tpu.vector_load %arg14[%get3A_558, %get3A_559] {strides = array<i32>} : memref<80x128xf32, #tpu.memory_space<vmem>>, vector<1x16xf32>,
          %get3A_561 = vector.shape_cast %get3A_560 : vector<1x16xf32> to vector<16xf32>
          %get3A_562 = arith.index_cast %add3A_529 : i32 to index
          %get3A_563 = arith.constant 32 : index
          %get3A_564 = tpu.vector_load %arg15[%get3A_562, %get3A_563] {strides = array<i32>} : memref<80x128xf32, #tpu.memory_space<vmem>>, vector<1x16xf32>,
          %get3A_565 = vector.shape_cast %get3A_564 : vector<1x16xf32> to vector<16xf32>
          %mul3A_566 = arith.mulf %get3A_561, %get3A_565 : vector<16xf32>
          %swap3A_567 = arith.index_cast %add3A_529 : i32 to index
          %swap3A_568 = arith.constant 32 : index
          %swap3A_569 = tpu.vector_load %arg14[%swap3A_567, %swap3A_568] {strides = array<i32>} : memref<80x128xf32, #tpu.memory_space<vmem>>, vector<1x16xf32>,
          %swap3A_570 = vector.shape_cast %swap3A_569 : vector<1x16xf32> to vector<16xf32>
          %swap3A_571 = vector.shape_cast %mul3A_566 : vector<16xf32> to vector<1x16xf32>
          tpu.vector_store %arg14[%swap3A_567, %swap3A_568], %swap3A_571 {strides = array<i32>} : memref<80x128xf32, #tpu.memory_space<vmem>>, vector<1x16xf32>,
          %get3A_572 = arith.index_cast %add3A_529 : i32 to index
          %get3A_573 = arith.constant 48 : index
          %get3A_574 = tpu.vector_load %arg14[%get3A_572, %get3A_573] {strides = array<i32>} : memref<80x128xf32, #tpu.memory_space<vmem>>, vector<1x16xf32>,
          %get3A_575 = vector.shape_cast %get3A_574 : vector<1x16xf32> to vector<16xf32>
          %get3A_576 = arith.index_cast %add3A_529 : i32 to index
          %get3A_577 = arith.constant 48 : index
          %get3A_578 = tpu.vector_load %arg15[%get3A_576, %get3A_577] {strides = array<i32>} : memref<80x128xf32, #tpu.memory_space<vmem>>, vector<1x16xf32>,
          %get3A_579 = vector.shape_cast %get3A_578 : vector<1x16xf32> to vector<16xf32>
          %mul3A_580 = arith.mulf %get3A_575, %get3A_579 : vector<16xf32>
          %swap3A_581 = arith.index_cast %add3A_529 : i32 to index
          %swap3A_582 = arith.constant 48 : index
          %swap3A_583 = tpu.vector_load %arg14[%swap3A_581, %swap3A_582] {strides = array<i32>} : memref<80x128xf32, #tpu.memory_space<vmem>>, vector<1x16xf32>,
          %swap3A_584 = vector.shape_cast %swap3A_583 : vector<1x16xf32> to vector<16xf32>
          %swap3A_585 = vector.shape_cast %mul3A_580 : vector<16xf32> to vector<1x16xf32>
          tpu.vector_store %arg14[%swap3A_581, %swap3A_582], %swap3A_585 {strides = array<i32>} : memref<80x128xf32, #tpu.memory_space<vmem>>, vector<1x16xf32>,
          %get3A_586 = arith.index_cast %add3A_529 : i32 to index
          %get3A_587 = arith.constant 64 : index
          %get3A_588 = tpu.vector_load %arg14[%get3A_586, %get3A_587] {strides = array<i32>} : memref<80x128xf32, #tpu.memory_space<vmem>>, vector<1x16xf32>,
          %get3A_589 = vector.shape_cast %get3A_588 : vector<1x16xf32> to vector<16xf32>
          %get3A_590 = arith.index_cast %add3A_529 : i32 to index
          %get3A_591 = arith.constant 64 : index
          %get3A_592 = tpu.vector_load %arg15[%get3A_590, %get3A_591] {strides = array<i32>} : memref<80x128xf32, #tpu.memory_space<vmem>>, vector<1x16xf32>,
          %get3A_593 = vector.shape_cast %get3A_592 : vector<1x16xf32> to vector<16xf32>
          %mul3A_594 = arith.mulf %get3A_589, %get3A_593 : vector<16xf32>
          %swap3A_595 = arith.index_cast %add3A_529 : i32 to index
          %swap3A_596 = arith.constant 64 : index
          %swap3A_597 = tpu.vector_load %arg14[%swap3A_595, %swap3A_596] {strides = array<i32>} : memref<80x128xf32, #tpu.memory_space<vmem>>, vector<1x16xf32>,
          %swap3A_598 = vector.shape_cast %swap3A_597 : vector<1x16xf32> to vector<16xf32>
          %swap3A_599 = vector.shape_cast %mul3A_594 : vector<16xf32> to vector<1x16xf32>
          tpu.vector_store %arg14[%swap3A_595, %swap3A_596], %swap3A_599 {strides = array<i32>} : memref<80x128xf32, #tpu.memory_space<vmem>>, vector<1x16xf32>,
          %get3A_600 = arith.index_cast %add3A_529 : i32 to index
          %get3A_601 = arith.constant 80 : index
          %get3A_602 = tpu.vector_load %arg14[%get3A_600, %get3A_601] {strides = array<i32>} : memref<80x128xf32, #tpu.memory_space<vmem>>, vector<1x16xf32>,
          %get3A_603 = vector.shape_cast %get3A_602 : vector<1x16xf32> to vector<16xf32>
          %get3A_604 = arith.index_cast %add3A_529 : i32 to index
          %get3A_605 = arith.constant 80 : index
          %get3A_606 = tpu.vector_load %arg15[%get3A_604, %get3A_605] {strides = array<i32>} : memref<80x128xf32, #tpu.memory_space<vmem>>, vector<1x16xf32>,
          %get3A_607 = vector.shape_cast %get3A_606 : vector<1x16xf32> to vector<16xf32>
          %mul3A_608 = arith.mulf %get3A_603, %get3A_607 : vector<16xf32>
          %swap3A_609 = arith.index_cast %add3A_529 : i32 to index
          %swap3A_610 = arith.constant 80 : index
          %swap3A_611 = tpu.vector_load %arg14[%swap3A_609, %swap3A_610] {strides = array<i32>} : memref<80x128xf32, #tpu.memory_space<vmem>>, vector<1x16xf32>,
          %swap3A_612 = vector.shape_cast %swap3A_611 : vector<1x16xf32> to vector<16xf32>
          %swap3A_613 = vector.shape_cast %mul3A_608 : vector<16xf32> to vector<1x16xf32>
          tpu.vector_store %arg14[%swap3A_609, %swap3A_610], %swap3A_613 {strides = array<i32>} : memref<80x128xf32, #tpu.memory_space<vmem>>, vector<1x16xf32>,
          %get3A_614 = arith.index_cast %add3A_529 : i32 to index
          %get3A_615 = arith.constant 96 : index
          %get3A_616 = tpu.vector_load %arg14[%get3A_614, %get3A_615] {strides = array<i32>} : memref<80x128xf32, #tpu.memory_space<vmem>>, vector<1x16xf32>,
          %get3A_617 = vector.shape_cast %get3A_616 : vector<1x16xf32> to vector<16xf32>
          %get3A_618 = arith.index_cast %add3A_529 : i32 to index
          %get3A_619 = arith.constant 96 : index
          %get3A_620 = tpu.vector_load %arg15[%get3A_618, %get3A_619] {strides = array<i32>} : memref<80x128xf32, #tpu.memory_space<vmem>>, vector<1x16xf32>,
          %get3A_621 = vector.shape_cast %get3A_620 : vector<1x16xf32> to vector<16xf32>
          %mul3A_622 = arith.mulf %get3A_617, %get3A_621 : vector<16xf32>
          %swap3A_623 = arith.index_cast %add3A_529 : i32 to index
          %swap3A_624 = arith.constant 96 : index
          %swap3A_625 = tpu.vector_load %arg14[%swap3A_623, %swap3A_624] {strides = array<i32>} : memref<80x128xf32, #tpu.memory_space<vmem>>, vector<1x16xf32>,
          %swap3A_626 = vector.shape_cast %swap3A_625 : vector<1x16xf32> to vector<16xf32>
          %swap3A_627 = vector.shape_cast %mul3A_622 : vector<16xf32> to vector<1x16xf32>
          tpu.vector_store %arg14[%swap3A_623, %swap3A_624], %swap3A_627 {strides = array<i32>} : memref<80x128xf32, #tpu.memory_space<vmem>>, vector<1x16xf32>,
          %get3A_628 = arith.index_cast %add3A_529 : i32 to index
          %get3A_629 = arith.constant 112 : index
          %get3A_630 = tpu.vector_load %arg14[%get3A_628, %get3A_629] {strides = array<i32>} : memref<80x128xf32, #tpu.memory_space<vmem>>, vector<1x16xf32>,
          %get3A_631 = vector.shape_cast %get3A_630 : vector<1x16xf32> to vector<16xf32>
          %get3A_632 = arith.index_cast %add3A_529 : i32 to index
          %get3A_633 = arith.constant 112 : index
          %get3A_634 = tpu.vector_load %arg15[%get3A_632, %get3A_633] {strides = array<i32>} : memref<80x128xf32, #tpu.memory_space<vmem>>, vector<1x16xf32>,
          %get3A_635 = vector.shape_cast %get3A_634 : vector<1x16xf32> to vector<16xf32>
          %mul3A_636 = arith.mulf %get3A_631, %get3A_635 : vector<16xf32>
          %swap3A_637 = arith.index_cast %add3A_529 : i32 to index
          %swap3A_638 = arith.constant 112 : index
          %swap3A_639 = tpu.vector_load %arg14[%swap3A_637, %swap3A_638] {strides = array<i32>} : memref<80x128xf32, #tpu.memory_space<vmem>>, vector<1x16xf32>,
          %swap3A_640 = vector.shape_cast %swap3A_639 : vector<1x16xf32> to vector<16xf32>
          %swap3A_641 = vector.shape_cast %mul3A_636 : vector<16xf32> to vector<1x16xf32>
          tpu.vector_store %arg14[%swap3A_637, %swap3A_638], %swap3A_641 {strides = array<i32>} : memref<80x128xf32, #tpu.memory_space<vmem>>, vector<1x16xf32>,
          %mul3A_642 = arith.constant 4 : i32
          %mul3A_643 = arith.muli %scan3A_293, %mul3A_642 : i32
          %add3A_644 = arith.constant 3 : i32
          %add3A_645 = arith.addi %mul3A_643, %add3A_644 : i32
          %get3A_646 = arith.index_cast %add3A_645 : i32 to index
          %get3A_647 = arith.constant 0 : index
          %get3A_648 = tpu.vector_load %arg14[%get3A_646, %get3A_647] {strides = array<i32>} : memref<80x128xf32, #tpu.memory_space<vmem>>, vector<1x16xf32>,
          %get3A_649 = vector.shape_cast %get3A_648 : vector<1x16xf32> to vector<16xf32>
          %get3A_650 = arith.index_cast %add3A_645 : i32 to index
          %get3A_651 = arith.constant 0 : index
          %get3A_652 = tpu.vector_load %arg15[%get3A_650, %get3A_651] {strides = array<i32>} : memref<80x128xf32, #tpu.memory_space<vmem>>, vector<1x16xf32>,
          %get3A_653 = vector.shape_cast %get3A_652 : vector<1x16xf32> to vector<16xf32>
          %mul3A_654 = arith.mulf %get3A_649, %get3A_653 : vector<16xf32>
          %swap3A_655 = arith.index_cast %add3A_645 : i32 to index
          %swap3A_656 = arith.constant 0 : index
          %swap3A_657 = tpu.vector_load %arg14[%swap3A_655, %swap3A_656] {strides = array<i32>} : memref<80x128xf32, #tpu.memory_space<vmem>>, vector<1x16xf32>,
          %swap3A_658 = vector.shape_cast %swap3A_657 : vector<1x16xf32> to vector<16xf32>
          %swap3A_659 = vector.shape_cast %mul3A_654 : vector<16xf32> to vector<1x16xf32>
          tpu.vector_store %arg14[%swap3A_655, %swap3A_656], %swap3A_659 {strides = array<i32>} : memref<80x128xf32, #tpu.memory_space<vmem>>, vector<1x16xf32>,
          %get3A_660 = arith.index_cast %add3A_645 : i32 to index
          %get3A_661 = arith.constant 16 : index
          %get3A_662 = tpu.vector_load %arg14[%get3A_660, %get3A_661] {strides = array<i32>} : memref<80x128xf32, #tpu.memory_space<vmem>>, vector<1x16xf32>,
          %get3A_663 = vector.shape_cast %get3A_662 : vector<1x16xf32> to vector<16xf32>
          %get3A_664 = arith.index_cast %add3A_645 : i32 to index
          %get3A_665 = arith.constant 16 : index
          %get3A_666 = tpu.vector_load %arg15[%get3A_664, %get3A_665] {strides = array<i32>} : memref<80x128xf32, #tpu.memory_space<vmem>>, vector<1x16xf32>,
          %get3A_667 = vector.shape_cast %get3A_666 : vector<1x16xf32> to vector<16xf32>
          %mul3A_668 = arith.mulf %get3A_663, %get3A_667 : vector<16xf32>
          %swap3A_669 = arith.index_cast %add3A_645 : i32 to index
          %swap3A_670 = arith.constant 16 : index
          %swap3A_671 = tpu.vector_load %arg14[%swap3A_669, %swap3A_670] {strides = array<i32>} : memref<80x128xf32, #tpu.memory_space<vmem>>, vector<1x16xf32>,
          %swap3A_672 = vector.shape_cast %swap3A_671 : vector<1x16xf32> to vector<16xf32>
          %swap3A_673 = vector.shape_cast %mul3A_668 : vector<16xf32> to vector<1x16xf32>
          tpu.vector_store %arg14[%swap3A_669, %swap3A_670], %swap3A_673 {strides = array<i32>} : memref<80x128xf32, #tpu.memory_space<vmem>>, vector<1x16xf32>,
          %get3A_674 = arith.index_cast %add3A_645 : i32 to index
          %get3A_675 = arith.constant 32 : index
          %get3A_676 = tpu.vector_load %arg14[%get3A_674, %get3A_675] {strides = array<i32>} : memref<80x128xf32, #tpu.memory_space<vmem>>, vector<1x16xf32>,
          %get3A_677 = vector.shape_cast %get3A_676 : vector<1x16xf32> to vector<16xf32>
          %get3A_678 = arith.index_cast %add3A_645 : i32 to index
          %get3A_679 = arith.constant 32 : index
          %get3A_680 = tpu.vector_load %arg15[%get3A_678, %get3A_679] {strides = array<i32>} : memref<80x128xf32, #tpu.memory_space<vmem>>, vector<1x16xf32>,
          %get3A_681 = vector.shape_cast %get3A_680 : vector<1x16xf32> to vector<16xf32>
          %mul3A_682 = arith.mulf %get3A_677, %get3A_681 : vector<16xf32>
          %swap3A_683 = arith.index_cast %add3A_645 : i32 to index
          %swap3A_684 = arith.constant 32 : index
          %swap3A_685 = tpu.vector_load %arg14[%swap3A_683, %swap3A_684] {strides = array<i32>} : memref<80x128xf32, #tpu.memory_space<vmem>>, vector<1x16xf32>,
          %swap3A_686 = vector.shape_cast %swap3A_685 : vector<1x16xf32> to vector<16xf32>
          %swap3A_687 = vector.shape_cast %mul3A_682 : vector<16xf32> to vector<1x16xf32>
          tpu.vector_store %arg14[%swap3A_683, %swap3A_684], %swap3A_687 {strides = array<i32>} : memref<80x128xf32, #tpu.memory_space<vmem>>, vector<1x16xf32>,
          %get3A_688 = arith.index_cast %add3A_645 : i32 to index
          %get3A_689 = arith.constant 48 : index
          %get3A_690 = tpu.vector_load %arg14[%get3A_688, %get3A_689] {strides = array<i32>} : memref<80x128xf32, #tpu.memory_space<vmem>>, vector<1x16xf32>,
          %get3A_691 = vector.shape_cast %get3A_690 : vector<1x16xf32> to vector<16xf32>
          %get3A_692 = arith.index_cast %add3A_645 : i32 to index
          %get3A_693 = arith.constant 48 : index
          %get3A_694 = tpu.vector_load %arg15[%get3A_692, %get3A_693] {strides = array<i32>} : memref<80x128xf32, #tpu.memory_space<vmem>>, vector<1x16xf32>,
          %get3A_695 = vector.shape_cast %get3A_694 : vector<1x16xf32> to vector<16xf32>
          %mul3A_696 = arith.mulf %get3A_691, %get3A_695 : vector<16xf32>
          %swap3A_697 = arith.index_cast %add3A_645 : i32 to index
          %swap3A_698 = arith.constant 48 : index
          %swap3A_699 = tpu.vector_load %arg14[%swap3A_697, %swap3A_698] {strides = array<i32>} : memref<80x128xf32, #tpu.memory_space<vmem>>, vector<1x16xf32>,
          %swap3A_700 = vector.shape_cast %swap3A_699 : vector<1x16xf32> to vector<16xf32>
          %swap3A_701 = vector.shape_cast %mul3A_696 : vector<16xf32> to vector<1x16xf32>
          tpu.vector_store %arg14[%swap3A_697, %swap3A_698], %swap3A_701 {strides = array<i32>} : memref<80x128xf32, #tpu.memory_space<vmem>>, vector<1x16xf32>,
          %get3A_702 = arith.index_cast %add3A_645 : i32 to index
          %get3A_703 = arith.constant 64 : index
          %get3A_704 = tpu.vector_load %arg14[%get3A_702, %get3A_703] {strides = array<i32>} : memref<80x128xf32, #tpu.memory_space<vmem>>, vector<1x16xf32>,
          %get3A_705 = vector.shape_cast %get3A_704 : vector<1x16xf32> to vector<16xf32>
          %get3A_706 = arith.index_cast %add3A_645 : i32 to index
          %get3A_707 = arith.constant 64 : index
          %get3A_708 = tpu.vector_load %arg15[%get3A_706, %get3A_707] {strides = array<i32>} : memref<80x128xf32, #tpu.memory_space<vmem>>, vector<1x16xf32>,
          %get3A_709 = vector.shape_cast %get3A_708 : vector<1x16xf32> to vector<16xf32>
          %mul3A_710 = arith.mulf %get3A_705, %get3A_709 : vector<16xf32>
          %swap3A_711 = arith.index_cast %add3A_645 : i32 to index
          %swap3A_712 = arith.constant 64 : index
          %swap3A_713 = tpu.vector_load %arg14[%swap3A_711, %swap3A_712] {strides = array<i32>} : memref<80x128xf32, #tpu.memory_space<vmem>>, vector<1x16xf32>,
          %swap3A_714 = vector.shape_cast %swap3A_713 : vector<1x16xf32> to vector<16xf32>
          %swap3A_715 = vector.shape_cast %mul3A_710 : vector<16xf32> to vector<1x16xf32>
          tpu.vector_store %arg14[%swap3A_711, %swap3A_712], %swap3A_715 {strides = array<i32>} : memref<80x128xf32, #tpu.memory_space<vmem>>, vector<1x16xf32>,
          %get3A_716 = arith.index_cast %add3A_645 : i32 to index
          %get3A_717 = arith.constant 80 : index
          %get3A_718 = tpu.vector_load %arg14[%get3A_716, %get3A_717] {strides = array<i32>} : memref<80x128xf32, #tpu.memory_space<vmem>>, vector<1x16xf32>,
          %get3A_719 = vector.shape_cast %get3A_718 : vector<1x16xf32> to vector<16xf32>
          %get3A_720 = arith.index_cast %add3A_645 : i32 to index
          %get3A_721 = arith.constant 80 : index
          %get3A_722 = tpu.vector_load %arg15[%get3A_720, %get3A_721] {strides = array<i32>} : memref<80x128xf32, #tpu.memory_space<vmem>>, vector<1x16xf32>,
          %get3A_723 = vector.shape_cast %get3A_722 : vector<1x16xf32> to vector<16xf32>
          %mul3A_724 = arith.mulf %get3A_719, %get3A_723 : vector<16xf32>
          %swap3A_725 = arith.index_cast %add3A_645 : i32 to index
          %swap3A_726 = arith.constant 80 : index
          %swap3A_727 = tpu.vector_load %arg14[%swap3A_725, %swap3A_726] {strides = array<i32>} : memref<80x128xf32, #tpu.memory_space<vmem>>, vector<1x16xf32>,
          %swap3A_728 = vector.shape_cast %swap3A_727 : vector<1x16xf32> to vector<16xf32>
          %swap3A_729 = vector.shape_cast %mul3A_724 : vector<16xf32> to vector<1x16xf32>
          tpu.vector_store %arg14[%swap3A_725, %swap3A_726], %swap3A_729 {strides = array<i32>} : memref<80x128xf32, #tpu.memory_space<vmem>>, vector<1x16xf32>,
          %get3A_730 = arith.index_cast %add3A_645 : i32 to index
          %get3A_731 = arith.constant 96 : index
          %get3A_732 = tpu.vector_load %arg14[%get3A_730, %get3A_731] {strides = array<i32>} : memref<80x128xf32, #tpu.memory_space<vmem>>, vector<1x16xf32>,
          %get3A_733 = vector.shape_cast %get3A_732 : vector<1x16xf32> to vector<16xf32>
          %get3A_734 = arith.index_cast %add3A_645 : i32 to index
          %get3A_735 = arith.constant 96 : index
          %get3A_736 = tpu.vector_load %arg15[%get3A_734, %get3A_735] {strides = array<i32>} : memref<80x128xf32, #tpu.memory_space<vmem>>, vector<1x16xf32>,
          %get3A_737 = vector.shape_cast %get3A_736 : vector<1x16xf32> to vector<16xf32>
          %mul3A_738 = arith.mulf %get3A_733, %get3A_737 : vector<16xf32>
          %swap3A_739 = arith.index_cast %add3A_645 : i32 to index
          %swap3A_740 = arith.constant 96 : index
          %swap3A_741 = tpu.vector_load %arg14[%swap3A_739, %swap3A_740] {strides = array<i32>} : memref<80x128xf32, #tpu.memory_space<vmem>>, vector<1x16xf32>,
          %swap3A_742 = vector.shape_cast %swap3A_741 : vector<1x16xf32> to vector<16xf32>
          %swap3A_743 = vector.shape_cast %mul3A_738 : vector<16xf32> to vector<1x16xf32>
          tpu.vector_store %arg14[%swap3A_739, %swap3A_740], %swap3A_743 {strides = array<i32>} : memref<80x128xf32, #tpu.memory_space<vmem>>, vector<1x16xf32>,
          %get3A_744 = arith.index_cast %add3A_645 : i32 to index
          %get3A_745 = arith.constant 112 : index
          %get3A_746 = tpu.vector_load %arg14[%get3A_744, %get3A_745] {strides = array<i32>} : memref<80x128xf32, #tpu.memory_space<vmem>>, vector<1x16xf32>,
          %get3A_747 = vector.shape_cast %get3A_746 : vector<1x16xf32> to vector<16xf32>
          %get3A_748 = arith.index_cast %add3A_645 : i32 to index
          %get3A_749 = arith.constant 112 : index
          %get3A_750 = tpu.vector_load %arg15[%get3A_748, %get3A_749] {strides = array<i32>} : memref<80x128xf32, #tpu.memory_space<vmem>>, vector<1x16xf32>,
          %get3A_751 = vector.shape_cast %get3A_750 : vector<1x16xf32> to vector<16xf32>
          %mul3A_752 = arith.mulf %get3A_747, %get3A_751 : vector<16xf32>
          %swap3A_753 = arith.index_cast %add3A_645 : i32 to index
          %swap3A_754 = arith.constant 112 : index
          %swap3A_755 = tpu.vector_load %arg14[%swap3A_753, %swap3A_754] {strides = array<i32>} : memref<80x128xf32, #tpu.memory_space<vmem>>, vector<1x16xf32>,
          %swap3A_756 = vector.shape_cast %swap3A_755 : vector<1x16xf32> to vector<16xf32>
          %swap3A_757 = vector.shape_cast %mul3A_752 : vector<16xf32> to vector<1x16xf32>
          tpu.vector_store %arg14[%swap3A_753, %swap3A_754], %swap3A_757 {strides = array<i32>} : memref<80x128xf32, #tpu.memory_space<vmem>>, vector<1x16xf32>,
        }
        %scan3A_282 = arith.constant 20 : i32
        %dma_start3A_283 = arith.constant 0 : i32
        %dma_start3A_284 = arith.constant 0 : i32
        %dma_start3A_285 = tpu.memref_slice %arg7[%dma_start3A_283, %dma_start3A_284] : memref<10000x128xf32, #tpu.memory_space<vmem_shared>> -> memref<10000x128xf32, #tpu.memory_space<vmem_shared>>
        tpu.enqueue_indirect_dma source(%arg14 : memref<80x128xf32, #tpu.memory_space<vmem>>) target(%dma_start3A_285 : memref<10000x128xf32, #tpu.memory_space<vmem_shared>>) offsets(%arg11 : memref<80xi32, #tpu.memory_space<vmem>>) semaphore(%arg21 : memref<!tpu.dma_semaphore, #tpu.memory_space<semaphore_mem>>) {add = true}
        %add3A_286 = arith.constant 2 : i32
        %add3A_287 = arith.addi %scan3A_218, %add3A_286 : i32
        %lt3A_288 = arith.constant 125 : i32
        %lt3A_289 = arith.cmpi slt, %add3A_287, %lt3A_288 : i32
        %convert_element_type3A_290 = arith.extui %lt3A_289 : i1 to i32
        %cond3A_291 = arith.constant 0 : i32
        %cond3A_292 = arith.cmpi ne, %convert_element_type3A_290, %cond3A_291 : i32
        scf.if %cond3A_292 {
          %add3A_293 = arith.constant 2 : i32
          %add3A_294 = arith.addi %scan3A_218, %add3A_293 : i32
          %add3A_295 = arith.addi %select_n3A, %add3A_294 : i32
          %mul3A_296 = arith.constant 3 : i32
          %mul3A_297 = arith.muli %add3A_295, %mul3A_296 : i32
          %mul3A_298 = arith.constant 80 : i32
          %mul3A_299 = arith.muli %mul3A_297, %mul3A_298 : i32
          %dma_start3A_300 = tpu.memref_slice %arg2[%mul3A_299] : memref<960000xi32, #tpu.memory_space<hbm>> -> memref<240xi32, #tpu.memory_space<hbm>>
          %dma_start3A_301 = tpu.memref_slice %arg2[%mul3A_299] : memref<960000xi32, #tpu.memory_space<hbm>> -> memref<240xi32, #tpu.memory_space<hbm>>
          tpu.enqueue_dma source(%dma_start3A_301 : memref<240xi32, #tpu.memory_space<hbm>>) target(%arg9 : memref<240xi32, #tpu.memory_space<vmem>>) target_semaphore(%arg19 : memref<!tpu.dma_semaphore, #tpu.memory_space<semaphore_mem>>)
        } else {
        }
      } else {
      }
    }
    %scan3A_206 = arith.constant 125 : i32
    %dma_wait3A = arith.constant 0 : i32
    %dma_wait3A_207 = arith.constant 0 : i32
    %dma_wait3A_208 = tpu.memref_slice %arg7[%dma_wait3A, %dma_wait3A_207] : memref<10000x128xf32, #tpu.memory_space<vmem_shared>> -> memref<10000x128xf32, #tpu.memory_space<vmem_shared>>
    tpu.wait_indirect_dma semaphore(%arg21 : memref<!tpu.dma_semaphore, #tpu.memory_space<semaphore_mem>>) src(%arg14 : memref<80x128xf32, #tpu.memory_space<vmem>>) dst(%dma_wait3A_208 : memref<10000x128xf32, #tpu.memory_space<vmem_shared>>)
    %dma_wait3A_209 = arith.constant 0 : i32
    %dma_wait3A_210 = arith.constant 0 : i32
    %dma_wait3A_211 = tpu.memref_slice %arg7[%dma_wait3A_209, %dma_wait3A_210] : memref<10000x128xf32, #tpu.memory_space<vmem_shared>> -> memref<10000x128xf32, #tpu.memory_space<vmem_shared>>
    tpu.wait_indirect_dma semaphore(%arg20 : memref<!tpu.dma_semaphore, #tpu.memory_space<semaphore_mem>>) src(%arg12 : memref<80x128xf32, #tpu.memory_space<vmem>>) dst(%dma_wait3A_211 : memref<10000x128xf32, #tpu.memory_space<vmem_shared>>)
    %barrier3A_212 = arith.constant 0 : index
    tpu.barrier barrier_id(%barrier3A_212)
    %lt3A_213 = arith.constant 10 : i32
    %lt3A_214 = arith.cmpi slt, %arg1, %lt3A_213 : i32
    %convert_element_type3A_215 = arith.extui %lt3A_214 : i1 to i32
    %cond3A_216 = arith.constant 0 : i32
    %cond3A_217 = arith.cmpi ne, %convert_element_type3A_215, %cond3A_216 : i32
    scf.if %cond3A_217 {
      %mul3A_218 = arith.constant 1000 : i32
      %mul3A_219 = arith.muli %arg1, %mul3A_218 : i32
      %mul3A_220 = arith.constant 1000 : i32
      %mul3A_221 = arith.muli %arg1, %mul3A_220 : i32
      "tpu.region"() ({
        %run_scoped3A = tpu.sem_alloc : memref<!tpu.dma_semaphore, #tpu.memory_space<semaphore_mem>>
        %dma_start3A_222 = arith.constant 0 : i32
        %dma_start3A_223 = tpu.memref_slice %arg6[%arg0, %mul3A_221, %dma_start3A_222] : memref<2x10000x128xf32, #tpu.memory_space<hbm>> -> memref<1x1000x128xf32, #tpu.memory_space<hbm>>
        %dma_start3A_224 = tpu.memref_squeeze %dma_start3A_223 : memref<1x1000x128xf32, #tpu.memory_space<hbm>> -> memref<1000x128xf32, #tpu.memory_space<hbm>>
        %dma_start3A_225 = arith.constant 0 : i32
        %dma_start3A_226 = tpu.memref_slice %arg7[%mul3A_219, %dma_start3A_225] : memref<10000x128xf32, #tpu.memory_space<vmem_shared>> -> memref<1000x128xf32, #tpu.memory_space<vmem_shared>>
        tpu.enqueue_dma source(%dma_start3A_226 : memref<1000x128xf32, #tpu.memory_space<vmem_shared>>) target(%dma_start3A_224 : memref<1000x128xf32, #tpu.memory_space<hbm>>) target_semaphore(%run_scoped3A : memref<!tpu.dma_semaphore, #tpu.memory_space<semaphore_mem>>)
        %dma_wait3A_227 = arith.constant 0 : i32
        %dma_wait3A_228 = tpu.memref_slice %arg6[%arg0, %mul3A_221, %dma_wait3A_227] : memref<2x10000x128xf32, #tpu.memory_space<hbm>> -> memref<1x1000x128xf32, #tpu.memory_space<hbm>>
        %dma_wait3A_229 = tpu.memref_squeeze %dma_wait3A_228 : memref<1x1000x128xf32, #tpu.memory_space<hbm>> -> memref<1000x128xf32, #tpu.memory_space<hbm>>
        %dma_wait3A_230 = arith.constant 0 : i32
        %dma_wait3A_231 = tpu.memref_slice %arg7[%mul3A_219, %dma_wait3A_230] : memref<10000x128xf32, #tpu.memory_space<vmem_shared>> -> memref<1000x128xf32, #tpu.memory_space<vmem_shared>>
        tpu.wait_dma2 semaphore(%run_scoped3A : memref<!tpu.dma_semaphore, #tpu.memory_space<semaphore_mem>>) src(%dma_wait3A_231 : memref<1000x128xf32, #tpu.memory_space<vmem_shared>>) dst(%dma_wait3A_229 : memref<1000x128xf32, #tpu.memory_space<hbm>>)
        tpu.yield
      }) : () -> ()
    } else {
    }
    return
  }
}

#map = affine_map<(d0, d1) -> (0)>
#map1 = affine_map<(d0, d1) -> (0, 0)>
#map2 = affine_map<(d0, d1) -> (0, 0, 0)>
module attributes {stable_mosaic.version = 14 : i64} {
  func.func @_deg_kernel(%arg0: i32, %arg1: i32, %arg2: memref<320000xi32, #tpu.memory_space<hbm>>, %arg3: memref<10000x128xf32, #tpu.memory_space<hbm>>, %arg4: memref<80x128xf32, #tpu.memory_space<hbm>>, %arg5: memref<1000x128xf32, #tpu.memory_space<hbm>>, %arg6: memref<2x10000x128xf32, #tpu.memory_space<hbm>>, %arg7: memref<20000x128xf32, #tpu.memory_space<hbm>>, %arg8: memref<10000x128xf32, #tpu.memory_space<vmem_shared>>, %arg9: memref<10000xi32, #tpu.memory_space<vmem>>, %arg10: memref<80xi32, #tpu.memory_space<vmem>>, %arg11: memref<80xi32, #tpu.memory_space<vmem>>, %arg12: memref<80x128xf32, #tpu.memory_space<vmem>>, %arg13: memref<80x128xf32, #tpu.memory_space<vmem>>, %arg14: memref<80x128xf32, #tpu.memory_space<vmem>>, %arg15: memref<!tpu.dma_semaphore, #tpu.memory_space<semaphore_mem>>, %arg16: memref<!tpu.dma_semaphore, #tpu.memory_space<semaphore_mem>>) attributes {dimension_semantics = [#tpu.dimension_semantics<core_parallel>, #tpu.dimension_semantics<subcore_parallel>], iteration_bounds = array<i64: 2, 16>, scalar_prefetch = 0 : i64, scratch_operands = 9 : i64, tpu.core_type = #tpu.core_type<sc_vector_subcore>, window_params = [{transform_indices = #map}, {transform_indices = #map1}, {transform_indices = #map1}, {transform_indices = #map1}, {transform_indices = #map2}, {transform_indices = #map1}]} {
    %lt3A = arith.constant 10 : i32
    %lt3A_0 = arith.cmpi slt, %arg1, %lt3A : i32
    %convert_element_type3A = arith.extui %lt3A_0 : i1 to i32
    %cond3A = arith.constant 0 : i32
    %cond3A_1 = arith.cmpi ne, %convert_element_type3A, %cond3A : i32
    scf.if %cond3A_1 {
      %mul3A_52 = arith.constant 1000 : i32
      %mul3A_53 = arith.muli %arg1, %mul3A_52 : i32
      "tpu.region"() ({
        %run_scoped3A = tpu.sem_alloc : memref<!tpu.dma_semaphore, #tpu.memory_space<semaphore_mem>>
        %dma_start3A_54 = arith.constant 0 : i32
        %dma_start3A_55 = tpu.memref_slice %arg8[%mul3A_53, %dma_start3A_54] : memref<10000x128xf32, #tpu.memory_space<vmem_shared>> -> memref<1000x128xf32, #tpu.memory_space<vmem_shared>>
        tpu.enqueue_dma source(%arg5 : memref<1000x128xf32, #tpu.memory_space<hbm>>) target(%dma_start3A_55 : memref<1000x128xf32, #tpu.memory_space<vmem_shared>>) target_semaphore(%run_scoped3A : memref<!tpu.dma_semaphore, #tpu.memory_space<semaphore_mem>>)
        %dma_wait3A = arith.constant 0 : i32
        %dma_wait3A_56 = tpu.memref_slice %arg8[%mul3A_53, %dma_wait3A] : memref<10000x128xf32, #tpu.memory_space<vmem_shared>> -> memref<1000x128xf32, #tpu.memory_space<vmem_shared>>
        tpu.wait_dma2 semaphore(%run_scoped3A : memref<!tpu.dma_semaphore, #tpu.memory_space<semaphore_mem>>) src(%arg5 : memref<1000x128xf32, #tpu.memory_space<hbm>>) dst(%dma_wait3A_56 : memref<1000x128xf32, #tpu.memory_space<vmem_shared>>)
        tpu.yield
      }) : () -> ()
    } else {
    }
    "tpu.region"() ({
      %run_scoped3A = tpu.sem_alloc : memref<!tpu.dma_semaphore, #tpu.memory_space<semaphore_mem>>
      tpu.enqueue_dma source(%arg4 : memref<80x128xf32, #tpu.memory_space<hbm>>) target(%arg12 : memref<80x128xf32, #tpu.memory_space<vmem>>) target_semaphore(%run_scoped3A : memref<!tpu.dma_semaphore, #tpu.memory_space<semaphore_mem>>)
      tpu.wait_dma2 semaphore(%run_scoped3A : memref<!tpu.dma_semaphore, #tpu.memory_space<semaphore_mem>>) src(%arg4 : memref<80x128xf32, #tpu.memory_space<hbm>>) dst(%arg12 : memref<80x128xf32, #tpu.memory_space<vmem>>)
      tpu.yield
    }) : () -> ()
    %mul3A = arith.constant 160000 : i32
    %mul3A_2 = arith.muli %arg0, %mul3A : i32
    %mul3A_3 = arith.constant 10000 : i32
    %mul3A_4 = arith.muli %arg1, %mul3A_3 : i32
    %add3A = arith.addi %mul3A_2, %mul3A_4 : i32
    "tpu.region"() ({
      %run_scoped3A = tpu.sem_alloc : memref<!tpu.dma_semaphore, #tpu.memory_space<semaphore_mem>>
      %dma_start3A_52 = tpu.memref_slice %arg2[%add3A] : memref<320000xi32, #tpu.memory_space<hbm>> -> memref<10000xi32, #tpu.memory_space<hbm>>
      %dma_start3A_53 = tpu.memref_slice %arg2[%add3A] : memref<320000xi32, #tpu.memory_space<hbm>> -> memref<10000xi32, #tpu.memory_space<hbm>>
      tpu.enqueue_dma source(%dma_start3A_53 : memref<10000xi32, #tpu.memory_space<hbm>>) target(%arg9 : memref<10000xi32, #tpu.memory_space<vmem>>) target_semaphore(%run_scoped3A : memref<!tpu.dma_semaphore, #tpu.memory_space<semaphore_mem>>)
      %dma_wait3A = tpu.memref_slice %arg2[%add3A] : memref<320000xi32, #tpu.memory_space<hbm>> -> memref<10000xi32, #tpu.memory_space<hbm>>
      %dma_wait3A_54 = tpu.memref_slice %arg2[%add3A] : memref<320000xi32, #tpu.memory_space<hbm>> -> memref<10000xi32, #tpu.memory_space<hbm>>
      tpu.wait_dma2 semaphore(%run_scoped3A : memref<!tpu.dma_semaphore, #tpu.memory_space<semaphore_mem>>) src(%dma_wait3A_54 : memref<10000xi32, #tpu.memory_space<hbm>>) dst(%arg9 : memref<10000xi32, #tpu.memory_space<vmem>>)
      tpu.yield
    }) : () -> ()
    %barrier3A = arith.constant 0 : index
    tpu.barrier barrier_id(%barrier3A)
    %get3A = arith.constant 0 : index
    %get3A_5 = tpu.vector_load %arg9[%get3A] {strides = array<i32>} : memref<10000xi32, #tpu.memory_space<vmem>>, vector<16xi32>,
    %get3A_6 = vector.shape_cast %get3A_5 : vector<16xi32> to vector<16xi32>
    %swap3A = arith.constant 0 : index
    %swap3A_7 = tpu.vector_load %arg10[%swap3A] {strides = array<i32>} : memref<80xi32, #tpu.memory_space<vmem>>, vector<16xi32>,
    %swap3A_8 = vector.shape_cast %swap3A_7 : vector<16xi32> to vector<16xi32>
    %swap3A_9 = vector.shape_cast %get3A_6 : vector<16xi32> to vector<16xi32>
    tpu.vector_store %arg10[%swap3A], %swap3A_9 {strides = array<i32>} : memref<80xi32, #tpu.memory_space<vmem>>, vector<16xi32>,
    %get3A_10 = arith.constant 16 : index
    %get3A_11 = tpu.vector_load %arg9[%get3A_10] {strides = array<i32>} : memref<10000xi32, #tpu.memory_space<vmem>>, vector<16xi32>,
    %get3A_12 = vector.shape_cast %get3A_11 : vector<16xi32> to vector<16xi32>
    %swap3A_13 = arith.constant 16 : index
    %swap3A_14 = tpu.vector_load %arg10[%swap3A_13] {strides = array<i32>} : memref<80xi32, #tpu.memory_space<vmem>>, vector<16xi32>,
    %swap3A_15 = vector.shape_cast %swap3A_14 : vector<16xi32> to vector<16xi32>
    %swap3A_16 = vector.shape_cast %get3A_12 : vector<16xi32> to vector<16xi32>
    tpu.vector_store %arg10[%swap3A_13], %swap3A_16 {strides = array<i32>} : memref<80xi32, #tpu.memory_space<vmem>>, vector<16xi32>,
    %get3A_17 = arith.constant 32 : index
    %get3A_18 = tpu.vector_load %arg9[%get3A_17] {strides = array<i32>} : memref<10000xi32, #tpu.memory_space<vmem>>, vector<16xi32>,
    %get3A_19 = vector.shape_cast %get3A_18 : vector<16xi32> to vector<16xi32>
    %swap3A_20 = arith.constant 32 : index
    %swap3A_21 = tpu.vector_load %arg10[%swap3A_20] {strides = array<i32>} : memref<80xi32, #tpu.memory_space<vmem>>, vector<16xi32>,
    %swap3A_22 = vector.shape_cast %swap3A_21 : vector<16xi32> to vector<16xi32>
    %swap3A_23 = vector.shape_cast %get3A_19 : vector<16xi32> to vector<16xi32>
    tpu.vector_store %arg10[%swap3A_20], %swap3A_23 {strides = array<i32>} : memref<80xi32, #tpu.memory_space<vmem>>, vector<16xi32>,
    %get3A_24 = arith.constant 48 : index
    %get3A_25 = tpu.vector_load %arg9[%get3A_24] {strides = array<i32>} : memref<10000xi32, #tpu.memory_space<vmem>>, vector<16xi32>,
    %get3A_26 = vector.shape_cast %get3A_25 : vector<16xi32> to vector<16xi32>
    %swap3A_27 = arith.constant 48 : index
    %swap3A_28 = tpu.vector_load %arg10[%swap3A_27] {strides = array<i32>} : memref<80xi32, #tpu.memory_space<vmem>>, vector<16xi32>,
    %swap3A_29 = vector.shape_cast %swap3A_28 : vector<16xi32> to vector<16xi32>
    %swap3A_30 = vector.shape_cast %get3A_26 : vector<16xi32> to vector<16xi32>
    tpu.vector_store %arg10[%swap3A_27], %swap3A_30 {strides = array<i32>} : memref<80xi32, #tpu.memory_space<vmem>>, vector<16xi32>,
    %get3A_31 = arith.constant 64 : index
    %get3A_32 = tpu.vector_load %arg9[%get3A_31] {strides = array<i32>} : memref<10000xi32, #tpu.memory_space<vmem>>, vector<16xi32>,
    %get3A_33 = vector.shape_cast %get3A_32 : vector<16xi32> to vector<16xi32>
    %swap3A_34 = arith.constant 64 : index
    %swap3A_35 = tpu.vector_load %arg10[%swap3A_34] {strides = array<i32>} : memref<80xi32, #tpu.memory_space<vmem>>, vector<16xi32>,
    %swap3A_36 = vector.shape_cast %swap3A_35 : vector<16xi32> to vector<16xi32>
    %swap3A_37 = vector.shape_cast %get3A_33 : vector<16xi32> to vector<16xi32>
    tpu.vector_store %arg10[%swap3A_34], %swap3A_37 {strides = array<i32>} : memref<80xi32, #tpu.memory_space<vmem>>, vector<16xi32>,
    %dma_start3A = arith.constant 0 : i32
    %dma_start3A_38 = arith.constant 0 : i32
    %dma_start3A_39 = tpu.memref_slice %arg8[%dma_start3A, %dma_start3A_38] : memref<10000x128xf32, #tpu.memory_space<vmem_shared>> -> memref<10000x128xf32, #tpu.memory_space<vmem_shared>>
    tpu.enqueue_indirect_dma source(%arg12 : memref<80x128xf32, #tpu.memory_space<vmem>>) target(%dma_start3A_39 : memref<10000x128xf32, #tpu.memory_space<vmem_shared>>) offsets(%arg10 : memref<80xi32, #tpu.memory_space<vmem>>) semaphore(%arg15 : memref<!tpu.dma_semaphore, #tpu.memory_space<semaphore_mem>>) {add = true}
    %scan3A = arith.constant 0 : i32
    %scan3A_40 = arith.constant 0 : i32
    %scan3A_41 = arith.constant 125 : i32
    %scan3A_42 = arith.addi %scan3A_40, %scan3A_41 : i32
    %scan3A_43 = arith.constant 1 : i32
    scf.for %scan3A_52 = %scan3A_40 to %scan3A_42 step %scan3A_43  : i32 {
      %jit3A = arith.constant 2 : i32
      %eq3A = arith.constant 0 : i32
      %eq3A_53 = arith.cmpi eq, %jit3A, %eq3A : i32
      %jit3A_54 = arith.constant 1 : i32
      %select_n3A = arith.select %eq3A_53, %jit3A_54, %jit3A : i32
      %rem3A = arith.remsi %scan3A_52, %select_n3A : i32
      %ne3A = arith.constant 0 : i32
      %ne3A_55 = arith.cmpi ne, %rem3A, %ne3A : i32
      %lt3A_56 = arith.constant 0 : i32
      %lt3A_57 = arith.cmpi slt, %rem3A, %lt3A_56 : i32
      %lt3A_58 = arith.constant 0 : i32
      %lt3A_59 = arith.cmpi slt, %select_n3A, %lt3A_58 : i32
      %ne3A_60 = arith.xori %lt3A_57, %lt3A_59 : i1
      %and3A = arith.andi %ne3A_60, %ne3A_55 : i1
      %add3A_61 = arith.addi %rem3A, %select_n3A : i32
      %select_n3A_62 = arith.select %and3A, %add3A_61, %rem3A : i32
      %eq3A_63 = arith.constant 0 : i32
      %eq3A_64 = arith.cmpi eq, %select_n3A_62, %eq3A_63 : i32
      %convert_element_type3A_65 = arith.extui %eq3A_64 : i1 to i32
      %cond3A_66 = arith.constant 0 : i32
      %cond3A_67 = arith.cmpi ne, %convert_element_type3A_65, %cond3A_66 : i32
      scf.if %cond3A_67 {
        %add3A_89 = arith.constant 1 : i32
        %add3A_90 = arith.addi %scan3A_52, %add3A_89 : i32
        %lt3A_91 = arith.constant 125 : i32
        %lt3A_92 = arith.cmpi slt, %add3A_90, %lt3A_91 : i32
        %convert_element_type3A_93 = arith.extui %lt3A_92 : i1 to i32
        %cond3A_94 = arith.constant 0 : i32
        %cond3A_95 = arith.cmpi ne, %convert_element_type3A_93, %cond3A_94 : i32
        scf.if %cond3A_95 {
          %add3A_98 = arith.constant 1 : i32
          %add3A_99 = arith.addi %scan3A_52, %add3A_98 : i32
          %mul3A_100 = arith.constant 80 : i32
          %mul3A_101 = arith.muli %add3A_99, %mul3A_100 : i32
          %add3A_102 = arith.constant 0 : i32
          %add3A_103 = arith.addi %mul3A_101, %add3A_102 : i32
          %get3A_104 = arith.index_cast %add3A_103 : i32 to index
          %get3A_105 = tpu.vector_load %arg9[%get3A_104] {strides = array<i32>} : memref<10000xi32, #tpu.memory_space<vmem>>, vector<16xi32>,
          %get3A_106 = vector.shape_cast %get3A_105 : vector<16xi32> to vector<16xi32>
          %swap3A_107 = arith.constant 0 : index
          %swap3A_108 = tpu.vector_load %arg11[%swap3A_107] {strides = array<i32>} : memref<80xi32, #tpu.memory_space<vmem>>, vector<16xi32>,
          %swap3A_109 = vector.shape_cast %swap3A_108 : vector<16xi32> to vector<16xi32>
          %swap3A_110 = vector.shape_cast %get3A_106 : vector<16xi32> to vector<16xi32>
          tpu.vector_store %arg11[%swap3A_107], %swap3A_110 {strides = array<i32>} : memref<80xi32, #tpu.memory_space<vmem>>, vector<16xi32>,
          %mul3A_111 = arith.constant 80 : i32
          %mul3A_112 = arith.muli %add3A_99, %mul3A_111 : i32
          %add3A_113 = arith.constant 16 : i32
          %add3A_114 = arith.addi %mul3A_112, %add3A_113 : i32
          %get3A_115 = arith.index_cast %add3A_114 : i32 to index
          %get3A_116 = tpu.vector_load %arg9[%get3A_115] {strides = array<i32>} : memref<10000xi32, #tpu.memory_space<vmem>>, vector<16xi32>,
          %get3A_117 = vector.shape_cast %get3A_116 : vector<16xi32> to vector<16xi32>
          %swap3A_118 = arith.constant 16 : index
          %swap3A_119 = tpu.vector_load %arg11[%swap3A_118] {strides = array<i32>} : memref<80xi32, #tpu.memory_space<vmem>>, vector<16xi32>,
          %swap3A_120 = vector.shape_cast %swap3A_119 : vector<16xi32> to vector<16xi32>
          %swap3A_121 = vector.shape_cast %get3A_117 : vector<16xi32> to vector<16xi32>
          tpu.vector_store %arg11[%swap3A_118], %swap3A_121 {strides = array<i32>} : memref<80xi32, #tpu.memory_space<vmem>>, vector<16xi32>,
          %mul3A_122 = arith.constant 80 : i32
          %mul3A_123 = arith.muli %add3A_99, %mul3A_122 : i32
          %add3A_124 = arith.constant 32 : i32
          %add3A_125 = arith.addi %mul3A_123, %add3A_124 : i32
          %get3A_126 = arith.index_cast %add3A_125 : i32 to index
          %get3A_127 = tpu.vector_load %arg9[%get3A_126] {strides = array<i32>} : memref<10000xi32, #tpu.memory_space<vmem>>, vector<16xi32>,
          %get3A_128 = vector.shape_cast %get3A_127 : vector<16xi32> to vector<16xi32>
          %swap3A_129 = arith.constant 32 : index
          %swap3A_130 = tpu.vector_load %arg11[%swap3A_129] {strides = array<i32>} : memref<80xi32, #tpu.memory_space<vmem>>, vector<16xi32>,
          %swap3A_131 = vector.shape_cast %swap3A_130 : vector<16xi32> to vector<16xi32>
          %swap3A_132 = vector.shape_cast %get3A_128 : vector<16xi32> to vector<16xi32>
          tpu.vector_store %arg11[%swap3A_129], %swap3A_132 {strides = array<i32>} : memref<80xi32, #tpu.memory_space<vmem>>, vector<16xi32>,
          %mul3A_133 = arith.constant 80 : i32
          %mul3A_134 = arith.muli %add3A_99, %mul3A_133 : i32
          %add3A_135 = arith.constant 48 : i32
          %add3A_136 = arith.addi %mul3A_134, %add3A_135 : i32
          %get3A_137 = arith.index_cast %add3A_136 : i32 to index
          %get3A_138 = tpu.vector_load %arg9[%get3A_137] {strides = array<i32>} : memref<10000xi32, #tpu.memory_space<vmem>>, vector<16xi32>,
          %get3A_139 = vector.shape_cast %get3A_138 : vector<16xi32> to vector<16xi32>
          %swap3A_140 = arith.constant 48 : index
          %swap3A_141 = tpu.vector_load %arg11[%swap3A_140] {strides = array<i32>} : memref<80xi32, #tpu.memory_space<vmem>>, vector<16xi32>,
          %swap3A_142 = vector.shape_cast %swap3A_141 : vector<16xi32> to vector<16xi32>
          %swap3A_143 = vector.shape_cast %get3A_139 : vector<16xi32> to vector<16xi32>
          tpu.vector_store %arg11[%swap3A_140], %swap3A_143 {strides = array<i32>} : memref<80xi32, #tpu.memory_space<vmem>>, vector<16xi32>,
          %mul3A_144 = arith.constant 80 : i32
          %mul3A_145 = arith.muli %add3A_99, %mul3A_144 : i32
          %add3A_146 = arith.constant 64 : i32
          %add3A_147 = arith.addi %mul3A_145, %add3A_146 : i32
          %get3A_148 = arith.index_cast %add3A_147 : i32 to index
          %get3A_149 = tpu.vector_load %arg9[%get3A_148] {strides = array<i32>} : memref<10000xi32, #tpu.memory_space<vmem>>, vector<16xi32>,
          %get3A_150 = vector.shape_cast %get3A_149 : vector<16xi32> to vector<16xi32>
          %swap3A_151 = arith.constant 64 : index
          %swap3A_152 = tpu.vector_load %arg11[%swap3A_151] {strides = array<i32>} : memref<80xi32, #tpu.memory_space<vmem>>, vector<16xi32>,
          %swap3A_153 = vector.shape_cast %swap3A_152 : vector<16xi32> to vector<16xi32>
          %swap3A_154 = vector.shape_cast %get3A_150 : vector<16xi32> to vector<16xi32>
          tpu.vector_store %arg11[%swap3A_151], %swap3A_154 {strides = array<i32>} : memref<80xi32, #tpu.memory_space<vmem>>, vector<16xi32>,
          %dma_start3A_155 = arith.constant 0 : i32
          %dma_start3A_156 = arith.constant 0 : i32
          %dma_start3A_157 = tpu.memref_slice %arg8[%dma_start3A_155, %dma_start3A_156] : memref<10000x128xf32, #tpu.memory_space<vmem_shared>> -> memref<10000x128xf32, #tpu.memory_space<vmem_shared>>
          tpu.enqueue_indirect_dma source(%arg12 : memref<80x128xf32, #tpu.memory_space<vmem>>) target(%dma_start3A_157 : memref<10000x128xf32, #tpu.memory_space<vmem_shared>>) offsets(%arg11 : memref<80xi32, #tpu.memory_space<vmem>>) semaphore(%arg16 : memref<!tpu.dma_semaphore, #tpu.memory_space<semaphore_mem>>) {add = true}
        } else {
        }
        %dma_wait3A = arith.constant 0 : i32
        %dma_wait3A_96 = arith.constant 0 : i32
        %dma_wait3A_97 = tpu.memref_slice %arg8[%dma_wait3A, %dma_wait3A_96] : memref<10000x128xf32, #tpu.memory_space<vmem_shared>> -> memref<10000x128xf32, #tpu.memory_space<vmem_shared>>
        tpu.wait_indirect_dma semaphore(%arg15 : memref<!tpu.dma_semaphore, #tpu.memory_space<semaphore_mem>>) src(%arg12 : memref<80x128xf32, #tpu.memory_space<vmem>>) dst(%dma_wait3A_97 : memref<10000x128xf32, #tpu.memory_space<vmem_shared>>)
      } else {
      }
      %jit3A_68 = arith.constant 2 : i32
      %eq3A_69 = arith.constant 0 : i32
      %eq3A_70 = arith.cmpi eq, %jit3A_68, %eq3A_69 : i32
      %jit3A_71 = arith.constant 1 : i32
      %select_n3A_72 = arith.select %eq3A_70, %jit3A_71, %jit3A_68 : i32
      %rem3A_73 = arith.remsi %scan3A_52, %select_n3A_72 : i32
      %ne3A_74 = arith.constant 0 : i32
      %ne3A_75 = arith.cmpi ne, %rem3A_73, %ne3A_74 : i32
      %lt3A_76 = arith.constant 0 : i32
      %lt3A_77 = arith.cmpi slt, %rem3A_73, %lt3A_76 : i32
      %lt3A_78 = arith.constant 0 : i32
      %lt3A_79 = arith.cmpi slt, %select_n3A_72, %lt3A_78 : i32
      %ne3A_80 = arith.xori %lt3A_77, %lt3A_79 : i1
      %and3A_81 = arith.andi %ne3A_80, %ne3A_75 : i1
      %add3A_82 = arith.addi %rem3A_73, %select_n3A_72 : i32
      %select_n3A_83 = arith.select %and3A_81, %add3A_82, %rem3A_73 : i32
      %eq3A_84 = arith.constant 1 : i32
      %eq3A_85 = arith.cmpi eq, %select_n3A_83, %eq3A_84 : i32
      %convert_element_type3A_86 = arith.extui %eq3A_85 : i1 to i32
      %cond3A_87 = arith.constant 0 : i32
      %cond3A_88 = arith.cmpi ne, %convert_element_type3A_86, %cond3A_87 : i32
      scf.if %cond3A_88 {
        %add3A_89 = arith.constant 1 : i32
        %add3A_90 = arith.addi %scan3A_52, %add3A_89 : i32
        %lt3A_91 = arith.constant 125 : i32
        %lt3A_92 = arith.cmpi slt, %add3A_90, %lt3A_91 : i32
        %convert_element_type3A_93 = arith.extui %lt3A_92 : i1 to i32
        %cond3A_94 = arith.constant 0 : i32
        %cond3A_95 = arith.cmpi ne, %convert_element_type3A_93, %cond3A_94 : i32
        scf.if %cond3A_95 {
          %add3A_98 = arith.constant 1 : i32
          %add3A_99 = arith.addi %scan3A_52, %add3A_98 : i32
          %mul3A_100 = arith.constant 80 : i32
          %mul3A_101 = arith.muli %add3A_99, %mul3A_100 : i32
          %add3A_102 = arith.constant 0 : i32
          %add3A_103 = arith.addi %mul3A_101, %add3A_102 : i32
          %get3A_104 = arith.index_cast %add3A_103 : i32 to index
          %get3A_105 = tpu.vector_load %arg9[%get3A_104] {strides = array<i32>} : memref<10000xi32, #tpu.memory_space<vmem>>, vector<16xi32>,
          %get3A_106 = vector.shape_cast %get3A_105 : vector<16xi32> to vector<16xi32>
          %swap3A_107 = arith.constant 0 : index
          %swap3A_108 = tpu.vector_load %arg10[%swap3A_107] {strides = array<i32>} : memref<80xi32, #tpu.memory_space<vmem>>, vector<16xi32>,
          %swap3A_109 = vector.shape_cast %swap3A_108 : vector<16xi32> to vector<16xi32>
          %swap3A_110 = vector.shape_cast %get3A_106 : vector<16xi32> to vector<16xi32>
          tpu.vector_store %arg10[%swap3A_107], %swap3A_110 {strides = array<i32>} : memref<80xi32, #tpu.memory_space<vmem>>, vector<16xi32>,
          %mul3A_111 = arith.constant 80 : i32
          %mul3A_112 = arith.muli %add3A_99, %mul3A_111 : i32
          %add3A_113 = arith.constant 16 : i32
          %add3A_114 = arith.addi %mul3A_112, %add3A_113 : i32
          %get3A_115 = arith.index_cast %add3A_114 : i32 to index
          %get3A_116 = tpu.vector_load %arg9[%get3A_115] {strides = array<i32>} : memref<10000xi32, #tpu.memory_space<vmem>>, vector<16xi32>,
          %get3A_117 = vector.shape_cast %get3A_116 : vector<16xi32> to vector<16xi32>
          %swap3A_118 = arith.constant 16 : index
          %swap3A_119 = tpu.vector_load %arg10[%swap3A_118] {strides = array<i32>} : memref<80xi32, #tpu.memory_space<vmem>>, vector<16xi32>,
          %swap3A_120 = vector.shape_cast %swap3A_119 : vector<16xi32> to vector<16xi32>
          %swap3A_121 = vector.shape_cast %get3A_117 : vector<16xi32> to vector<16xi32>
          tpu.vector_store %arg10[%swap3A_118], %swap3A_121 {strides = array<i32>} : memref<80xi32, #tpu.memory_space<vmem>>, vector<16xi32>,
          %mul3A_122 = arith.constant 80 : i32
          %mul3A_123 = arith.muli %add3A_99, %mul3A_122 : i32
          %add3A_124 = arith.constant 32 : i32
          %add3A_125 = arith.addi %mul3A_123, %add3A_124 : i32
          %get3A_126 = arith.index_cast %add3A_125 : i32 to index
          %get3A_127 = tpu.vector_load %arg9[%get3A_126] {strides = array<i32>} : memref<10000xi32, #tpu.memory_space<vmem>>, vector<16xi32>,
          %get3A_128 = vector.shape_cast %get3A_127 : vector<16xi32> to vector<16xi32>
          %swap3A_129 = arith.constant 32 : index
          %swap3A_130 = tpu.vector_load %arg10[%swap3A_129] {strides = array<i32>} : memref<80xi32, #tpu.memory_space<vmem>>, vector<16xi32>,
          %swap3A_131 = vector.shape_cast %swap3A_130 : vector<16xi32> to vector<16xi32>
          %swap3A_132 = vector.shape_cast %get3A_128 : vector<16xi32> to vector<16xi32>
          tpu.vector_store %arg10[%swap3A_129], %swap3A_132 {strides = array<i32>} : memref<80xi32, #tpu.memory_space<vmem>>, vector<16xi32>,
          %mul3A_133 = arith.constant 80 : i32
          %mul3A_134 = arith.muli %add3A_99, %mul3A_133 : i32
          %add3A_135 = arith.constant 48 : i32
          %add3A_136 = arith.addi %mul3A_134, %add3A_135 : i32
          %get3A_137 = arith.index_cast %add3A_136 : i32 to index
          %get3A_138 = tpu.vector_load %arg9[%get3A_137] {strides = array<i32>} : memref<10000xi32, #tpu.memory_space<vmem>>, vector<16xi32>,
          %get3A_139 = vector.shape_cast %get3A_138 : vector<16xi32> to vector<16xi32>
          %swap3A_140 = arith.constant 48 : index
          %swap3A_141 = tpu.vector_load %arg10[%swap3A_140] {strides = array<i32>} : memref<80xi32, #tpu.memory_space<vmem>>, vector<16xi32>,
          %swap3A_142 = vector.shape_cast %swap3A_141 : vector<16xi32> to vector<16xi32>
          %swap3A_143 = vector.shape_cast %get3A_139 : vector<16xi32> to vector<16xi32>
          tpu.vector_store %arg10[%swap3A_140], %swap3A_143 {strides = array<i32>} : memref<80xi32, #tpu.memory_space<vmem>>, vector<16xi32>,
          %mul3A_144 = arith.constant 80 : i32
          %mul3A_145 = arith.muli %add3A_99, %mul3A_144 : i32
          %add3A_146 = arith.constant 64 : i32
          %add3A_147 = arith.addi %mul3A_145, %add3A_146 : i32
          %get3A_148 = arith.index_cast %add3A_147 : i32 to index
          %get3A_149 = tpu.vector_load %arg9[%get3A_148] {strides = array<i32>} : memref<10000xi32, #tpu.memory_space<vmem>>, vector<16xi32>,
          %get3A_150 = vector.shape_cast %get3A_149 : vector<16xi32> to vector<16xi32>
          %swap3A_151 = arith.constant 64 : index
          %swap3A_152 = tpu.vector_load %arg10[%swap3A_151] {strides = array<i32>} : memref<80xi32, #tpu.memory_space<vmem>>, vector<16xi32>,
          %swap3A_153 = vector.shape_cast %swap3A_152 : vector<16xi32> to vector<16xi32>
          %swap3A_154 = vector.shape_cast %get3A_150 : vector<16xi32> to vector<16xi32>
          tpu.vector_store %arg10[%swap3A_151], %swap3A_154 {strides = array<i32>} : memref<80xi32, #tpu.memory_space<vmem>>, vector<16xi32>,
          %dma_start3A_155 = arith.constant 0 : i32
          %dma_start3A_156 = arith.constant 0 : i32
          %dma_start3A_157 = tpu.memref_slice %arg8[%dma_start3A_155, %dma_start3A_156] : memref<10000x128xf32, #tpu.memory_space<vmem_shared>> -> memref<10000x128xf32, #tpu.memory_space<vmem_shared>>
          tpu.enqueue_indirect_dma source(%arg12 : memref<80x128xf32, #tpu.memory_space<vmem>>) target(%dma_start3A_157 : memref<10000x128xf32, #tpu.memory_space<vmem_shared>>) offsets(%arg10 : memref<80xi32, #tpu.memory_space<vmem>>) semaphore(%arg15 : memref<!tpu.dma_semaphore, #tpu.memory_space<semaphore_mem>>) {add = true}
        } else {
        }
        %dma_wait3A = arith.constant 0 : i32
        %dma_wait3A_96 = arith.constant 0 : i32
        %dma_wait3A_97 = tpu.memref_slice %arg8[%dma_wait3A, %dma_wait3A_96] : memref<10000x128xf32, #tpu.memory_space<vmem_shared>> -> memref<10000x128xf32, #tpu.memory_space<vmem_shared>>
        tpu.wait_indirect_dma semaphore(%arg16 : memref<!tpu.dma_semaphore, #tpu.memory_space<semaphore_mem>>) src(%arg12 : memref<80x128xf32, #tpu.memory_space<vmem>>) dst(%dma_wait3A_97 : memref<10000x128xf32, #tpu.memory_space<vmem_shared>>)
      } else {
      }
    }
    %scan3A_44 = arith.constant 125 : i32
    %barrier3A_45 = arith.constant 0 : index
    tpu.barrier barrier_id(%barrier3A_45)
    %scan3A_46 = arith.constant 0 : i32
    %scan3A_47 = arith.constant 0 : i32
    %scan3A_48 = arith.constant 8 : i32
    %scan3A_49 = arith.addi %scan3A_47, %scan3A_48 : i32
    %scan3A_50 = arith.constant 1 : i32
    scf.for %scan3A_52 = %scan3A_47 to %scan3A_49 step %scan3A_50  : i32 {
      %mul3A_53 = arith.constant 16 : i32
      %mul3A_54 = arith.muli %scan3A_52, %mul3A_53 : i32
      %add3A_55 = arith.addi %mul3A_54, %arg1 : i32
      %lt3A_56 = arith.constant 125 : i32
      %lt3A_57 = arith.cmpi slt, %add3A_55, %lt3A_56 : i32
      %convert_element_type3A_58 = arith.extui %lt3A_57 : i1 to i32
      %cond3A_59 = arith.constant 0 : i32
      %cond3A_60 = arith.cmpi ne, %convert_element_type3A_58, %cond3A_59 : i32
      scf.if %cond3A_60 {
        %mul3A_61 = arith.constant 80 : i32
        %mul3A_62 = arith.muli %add3A_55, %mul3A_61 : i32
        "tpu.region"() ({
          %run_scoped3A = tpu.sem_alloc : memref<!tpu.dma_semaphore, #tpu.memory_space<semaphore_mem>>
          %dma_start3A_72 = arith.constant 0 : i32
          %dma_start3A_73 = tpu.memref_slice %arg3[%mul3A_62, %dma_start3A_72] : memref<10000x128xf32, #tpu.memory_space<hbm>> -> memref<80x128xf32, #tpu.memory_space<hbm>>
          %dma_start3A_74 = arith.constant 0 : i32
          %dma_start3A_75 = tpu.memref_slice %arg3[%mul3A_62, %dma_start3A_74] : memref<10000x128xf32, #tpu.memory_space<hbm>> -> memref<80x128xf32, #tpu.memory_space<hbm>>
          tpu.enqueue_dma source(%dma_start3A_75 : memref<80x128xf32, #tpu.memory_space<hbm>>) target(%arg13 : memref<80x128xf32, #tpu.memory_space<vmem>>) target_semaphore(%run_scoped3A : memref<!tpu.dma_semaphore, #tpu.memory_space<semaphore_mem>>)
          %dma_wait3A = arith.constant 0 : i32
          %dma_wait3A_76 = tpu.memref_slice %arg3[%mul3A_62, %dma_wait3A] : memref<10000x128xf32, #tpu.memory_space<hbm>> -> memref<80x128xf32, #tpu.memory_space<hbm>>
          %dma_wait3A_77 = arith.constant 0 : i32
          %dma_wait3A_78 = tpu.memref_slice %arg3[%mul3A_62, %dma_wait3A_77] : memref<10000x128xf32, #tpu.memory_space<hbm>> -> memref<80x128xf32, #tpu.memory_space<hbm>>
          tpu.wait_dma2 semaphore(%run_scoped3A : memref<!tpu.dma_semaphore, #tpu.memory_space<semaphore_mem>>) src(%dma_wait3A_78 : memref<80x128xf32, #tpu.memory_space<hbm>>) dst(%arg13 : memref<80x128xf32, #tpu.memory_space<vmem>>)
          tpu.yield
        }) : () -> ()
        "tpu.region"() ({
          %run_scoped3A = tpu.sem_alloc : memref<!tpu.dma_semaphore, #tpu.memory_space<semaphore_mem>>
          %dma_start3A_72 = arith.constant 0 : i32
          %dma_start3A_73 = tpu.memref_slice %arg8[%mul3A_62, %dma_start3A_72] : memref<10000x128xf32, #tpu.memory_space<vmem_shared>> -> memref<80x128xf32, #tpu.memory_space<vmem_shared>>
          %dma_start3A_74 = arith.constant 0 : i32
          %dma_start3A_75 = tpu.memref_slice %arg8[%mul3A_62, %dma_start3A_74] : memref<10000x128xf32, #tpu.memory_space<vmem_shared>> -> memref<80x128xf32, #tpu.memory_space<vmem_shared>>
          tpu.enqueue_dma source(%dma_start3A_75 : memref<80x128xf32, #tpu.memory_space<vmem_shared>>) target(%arg14 : memref<80x128xf32, #tpu.memory_space<vmem>>) target_semaphore(%run_scoped3A : memref<!tpu.dma_semaphore, #tpu.memory_space<semaphore_mem>>)
          %dma_wait3A = arith.constant 0 : i32
          %dma_wait3A_76 = tpu.memref_slice %arg8[%mul3A_62, %dma_wait3A] : memref<10000x128xf32, #tpu.memory_space<vmem_shared>> -> memref<80x128xf32, #tpu.memory_space<vmem_shared>>
          %dma_wait3A_77 = arith.constant 0 : i32
          %dma_wait3A_78 = tpu.memref_slice %arg8[%mul3A_62, %dma_wait3A_77] : memref<10000x128xf32, #tpu.memory_space<vmem_shared>> -> memref<80x128xf32, #tpu.memory_space<vmem_shared>>
          tpu.wait_dma2 semaphore(%run_scoped3A : memref<!tpu.dma_semaphore, #tpu.memory_space<semaphore_mem>>) src(%dma_wait3A_78 : memref<80x128xf32, #tpu.memory_space<vmem_shared>>) dst(%arg14 : memref<80x128xf32, #tpu.memory_space<vmem>>)
          tpu.yield
        }) : () -> ()
        %scan3A_63 = arith.constant 0 : i32
        %scan3A_64 = arith.constant 0 : i32
        %scan3A_65 = arith.constant 80 : i32
        %scan3A_66 = arith.addi %scan3A_64, %scan3A_65 : i32
        %scan3A_67 = arith.constant 1 : i32
        scf.for %scan3A_72 = %scan3A_64 to %scan3A_66 step %scan3A_67  : i32 {
          %get3A_73 = arith.index_cast %scan3A_72 : i32 to index
          %get3A_74 = arith.constant 0 : index
          %get3A_75 = tpu.vector_load %arg14[%get3A_73, %get3A_74] {strides = array<i32>} : memref<80x128xf32, #tpu.memory_space<vmem>>, vector<1x16xf32>,
          %get3A_76 = vector.shape_cast %get3A_75 : vector<1x16xf32> to vector<16xf32>
          %bitcast_convert_type3A = tpu.bitcast %get3A_76 : vector<16xf32> -> vector<16xi32>
          %shift_right_logical3A = arith.constant 1 : i32
          %shift_right_logical3A_77 = vector.broadcast %shift_right_logical3A : i32 to vector<16xi32>
          %shift_right_logical3A_78 = arith.shrui %bitcast_convert_type3A, %shift_right_logical3A_77 : vector<16xi32>
          %sub3A = arith.constant 1597463007 : i32
          %sub3A_79 = vector.broadcast %sub3A : i32 to vector<16xi32>
          %sub3A_80 = arith.subi %sub3A_79, %shift_right_logical3A_78 : vector<16xi32>
          %bitcast_convert_type3A_81 = tpu.bitcast %sub3A_80 : vector<16xi32> -> vector<16xf32>
          %mul3A_82 = arith.constant 5.000000e-01 : f32
          %mul3A_83 = vector.broadcast %mul3A_82 : f32 to vector<16xf32>
          %mul3A_84 = arith.mulf %get3A_76, %mul3A_83 : vector<16xf32>
          %mul3A_85 = arith.mulf %mul3A_84, %bitcast_convert_type3A_81 : vector<16xf32>
          %mul3A_86 = arith.mulf %mul3A_85, %bitcast_convert_type3A_81 : vector<16xf32>
          %sub3A_87 = arith.constant 1.500000e+00 : f32
          %sub3A_88 = vector.broadcast %sub3A_87 : f32 to vector<16xf32>
          %sub3A_89 = arith.subf %sub3A_88, %mul3A_86 : vector<16xf32>
          %mul3A_90 = arith.mulf %bitcast_convert_type3A_81, %sub3A_89 : vector<16xf32>
          %mul3A_91 = arith.mulf %mul3A_84, %mul3A_90 : vector<16xf32>
          %mul3A_92 = arith.mulf %mul3A_91, %mul3A_90 : vector<16xf32>
          %sub3A_93 = arith.constant 1.500000e+00 : f32
          %sub3A_94 = vector.broadcast %sub3A_93 : f32 to vector<16xf32>
          %sub3A_95 = arith.subf %sub3A_94, %mul3A_92 : vector<16xf32>
          %mul3A_96 = arith.mulf %mul3A_90, %sub3A_95 : vector<16xf32>
          %mul3A_97 = arith.mulf %mul3A_84, %mul3A_96 : vector<16xf32>
          %mul3A_98 = arith.mulf %mul3A_97, %mul3A_96 : vector<16xf32>
          %sub3A_99 = arith.constant 1.500000e+00 : f32
          %sub3A_100 = vector.broadcast %sub3A_99 : f32 to vector<16xf32>
          %sub3A_101 = arith.subf %sub3A_100, %mul3A_98 : vector<16xf32>
          %mul3A_102 = arith.mulf %mul3A_96, %sub3A_101 : vector<16xf32>
          %gt3A = arith.constant 0.000000e+00 : f32
          %gt3A_103 = vector.broadcast %gt3A : f32 to vector<16xf32>
          %gt3A_104 = arith.cmpf ogt, %get3A_76, %gt3A_103 : vector<16xf32>
          %jit3A = arith.constant 0.000000e+00 : f32
          %broadcast_in_dim3A = vector.broadcast %jit3A : f32 to vector<16xf32>
          %select_n3A = arith.select %gt3A_104, %mul3A_102, %broadcast_in_dim3A : vector<16xi1>, vector<16xf32>
          %get3A_105 = arith.index_cast %scan3A_72 : i32 to index
          %get3A_106 = arith.constant 0 : index
          %get3A_107 = tpu.vector_load %arg13[%get3A_105, %get3A_106] {strides = array<i32>} : memref<80x128xf32, #tpu.memory_space<vmem>>, vector<1x16xf32>,
          %get3A_108 = vector.shape_cast %get3A_107 : vector<1x16xf32> to vector<16xf32>
          %mul3A_109 = arith.mulf %get3A_108, %select_n3A : vector<16xf32>
          %swap3A_110 = arith.index_cast %scan3A_72 : i32 to index
          %swap3A_111 = arith.constant 0 : index
          %swap3A_112 = tpu.vector_load %arg13[%swap3A_110, %swap3A_111] {strides = array<i32>} : memref<80x128xf32, #tpu.memory_space<vmem>>, vector<1x16xf32>,
          %swap3A_113 = vector.shape_cast %swap3A_112 : vector<1x16xf32> to vector<16xf32>
          %swap3A_114 = vector.shape_cast %mul3A_109 : vector<16xf32> to vector<1x16xf32>
          tpu.vector_store %arg13[%swap3A_110, %swap3A_111], %swap3A_114 {strides = array<i32>} : memref<80x128xf32, #tpu.memory_space<vmem>>, vector<1x16xf32>,
          %get3A_115 = arith.index_cast %scan3A_72 : i32 to index
          %get3A_116 = arith.constant 16 : index
          %get3A_117 = tpu.vector_load %arg13[%get3A_115, %get3A_116] {strides = array<i32>} : memref<80x128xf32, #tpu.memory_space<vmem>>, vector<1x16xf32>,
          %get3A_118 = vector.shape_cast %get3A_117 : vector<1x16xf32> to vector<16xf32>
          %mul3A_119 = arith.mulf %get3A_118, %select_n3A : vector<16xf32>
          %swap3A_120 = arith.index_cast %scan3A_72 : i32 to index
          %swap3A_121 = arith.constant 16 : index
          %swap3A_122 = tpu.vector_load %arg13[%swap3A_120, %swap3A_121] {strides = array<i32>} : memref<80x128xf32, #tpu.memory_space<vmem>>, vector<1x16xf32>,
          %swap3A_123 = vector.shape_cast %swap3A_122 : vector<1x16xf32> to vector<16xf32>
          %swap3A_124 = vector.shape_cast %mul3A_119 : vector<16xf32> to vector<1x16xf32>
          tpu.vector_store %arg13[%swap3A_120, %swap3A_121], %swap3A_124 {strides = array<i32>} : memref<80x128xf32, #tpu.memory_space<vmem>>, vector<1x16xf32>,
          %get3A_125 = arith.index_cast %scan3A_72 : i32 to index
          %get3A_126 = arith.constant 32 : index
          %get3A_127 = tpu.vector_load %arg13[%get3A_125, %get3A_126] {strides = array<i32>} : memref<80x128xf32, #tpu.memory_space<vmem>>, vector<1x16xf32>,
          %get3A_128 = vector.shape_cast %get3A_127 : vector<1x16xf32> to vector<16xf32>
          %mul3A_129 = arith.mulf %get3A_128, %select_n3A : vector<16xf32>
          %swap3A_130 = arith.index_cast %scan3A_72 : i32 to index
          %swap3A_131 = arith.constant 32 : index
          %swap3A_132 = tpu.vector_load %arg13[%swap3A_130, %swap3A_131] {strides = array<i32>} : memref<80x128xf32, #tpu.memory_space<vmem>>, vector<1x16xf32>,
          %swap3A_133 = vector.shape_cast %swap3A_132 : vector<1x16xf32> to vector<16xf32>
          %swap3A_134 = vector.shape_cast %mul3A_129 : vector<16xf32> to vector<1x16xf32>
          tpu.vector_store %arg13[%swap3A_130, %swap3A_131], %swap3A_134 {strides = array<i32>} : memref<80x128xf32, #tpu.memory_space<vmem>>, vector<1x16xf32>,
          %get3A_135 = arith.index_cast %scan3A_72 : i32 to index
          %get3A_136 = arith.constant 48 : index
          %get3A_137 = tpu.vector_load %arg13[%get3A_135, %get3A_136] {strides = array<i32>} : memref<80x128xf32, #tpu.memory_space<vmem>>, vector<1x16xf32>,
          %get3A_138 = vector.shape_cast %get3A_137 : vector<1x16xf32> to vector<16xf32>
          %mul3A_139 = arith.mulf %get3A_138, %select_n3A : vector<16xf32>
          %swap3A_140 = arith.index_cast %scan3A_72 : i32 to index
          %swap3A_141 = arith.constant 48 : index
          %swap3A_142 = tpu.vector_load %arg13[%swap3A_140, %swap3A_141] {strides = array<i32>} : memref<80x128xf32, #tpu.memory_space<vmem>>, vector<1x16xf32>,
          %swap3A_143 = vector.shape_cast %swap3A_142 : vector<1x16xf32> to vector<16xf32>
          %swap3A_144 = vector.shape_cast %mul3A_139 : vector<16xf32> to vector<1x16xf32>
          tpu.vector_store %arg13[%swap3A_140, %swap3A_141], %swap3A_144 {strides = array<i32>} : memref<80x128xf32, #tpu.memory_space<vmem>>, vector<1x16xf32>,
          %get3A_145 = arith.index_cast %scan3A_72 : i32 to index
          %get3A_146 = arith.constant 64 : index
          %get3A_147 = tpu.vector_load %arg13[%get3A_145, %get3A_146] {strides = array<i32>} : memref<80x128xf32, #tpu.memory_space<vmem>>, vector<1x16xf32>,
          %get3A_148 = vector.shape_cast %get3A_147 : vector<1x16xf32> to vector<16xf32>
          %mul3A_149 = arith.mulf %get3A_148, %select_n3A : vector<16xf32>
          %swap3A_150 = arith.index_cast %scan3A_72 : i32 to index
          %swap3A_151 = arith.constant 64 : index
          %swap3A_152 = tpu.vector_load %arg13[%swap3A_150, %swap3A_151] {strides = array<i32>} : memref<80x128xf32, #tpu.memory_space<vmem>>, vector<1x16xf32>,
          %swap3A_153 = vector.shape_cast %swap3A_152 : vector<1x16xf32> to vector<16xf32>
          %swap3A_154 = vector.shape_cast %mul3A_149 : vector<16xf32> to vector<1x16xf32>
          tpu.vector_store %arg13[%swap3A_150, %swap3A_151], %swap3A_154 {strides = array<i32>} : memref<80x128xf32, #tpu.memory_space<vmem>>, vector<1x16xf32>,
          %get3A_155 = arith.index_cast %scan3A_72 : i32 to index
          %get3A_156 = arith.constant 80 : index
          %get3A_157 = tpu.vector_load %arg13[%get3A_155, %get3A_156] {strides = array<i32>} : memref<80x128xf32, #tpu.memory_space<vmem>>, vector<1x16xf32>,
          %get3A_158 = vector.shape_cast %get3A_157 : vector<1x16xf32> to vector<16xf32>
          %mul3A_159 = arith.mulf %get3A_158, %select_n3A : vector<16xf32>
          %swap3A_160 = arith.index_cast %scan3A_72 : i32 to index
          %swap3A_161 = arith.constant 80 : index
          %swap3A_162 = tpu.vector_load %arg13[%swap3A_160, %swap3A_161] {strides = array<i32>} : memref<80x128xf32, #tpu.memory_space<vmem>>, vector<1x16xf32>,
          %swap3A_163 = vector.shape_cast %swap3A_162 : vector<1x16xf32> to vector<16xf32>
          %swap3A_164 = vector.shape_cast %mul3A_159 : vector<16xf32> to vector<1x16xf32>
          tpu.vector_store %arg13[%swap3A_160, %swap3A_161], %swap3A_164 {strides = array<i32>} : memref<80x128xf32, #tpu.memory_space<vmem>>, vector<1x16xf32>,
          %get3A_165 = arith.index_cast %scan3A_72 : i32 to index
          %get3A_166 = arith.constant 96 : index
          %get3A_167 = tpu.vector_load %arg13[%get3A_165, %get3A_166] {strides = array<i32>} : memref<80x128xf32, #tpu.memory_space<vmem>>, vector<1x16xf32>,
          %get3A_168 = vector.shape_cast %get3A_167 : vector<1x16xf32> to vector<16xf32>
          %mul3A_169 = arith.mulf %get3A_168, %select_n3A : vector<16xf32>
          %swap3A_170 = arith.index_cast %scan3A_72 : i32 to index
          %swap3A_171 = arith.constant 96 : index
          %swap3A_172 = tpu.vector_load %arg13[%swap3A_170, %swap3A_171] {strides = array<i32>} : memref<80x128xf32, #tpu.memory_space<vmem>>, vector<1x16xf32>,
          %swap3A_173 = vector.shape_cast %swap3A_172 : vector<1x16xf32> to vector<16xf32>
          %swap3A_174 = vector.shape_cast %mul3A_169 : vector<16xf32> to vector<1x16xf32>
          tpu.vector_store %arg13[%swap3A_170, %swap3A_171], %swap3A_174 {strides = array<i32>} : memref<80x128xf32, #tpu.memory_space<vmem>>, vector<1x16xf32>,
          %get3A_175 = arith.index_cast %scan3A_72 : i32 to index
          %get3A_176 = arith.constant 112 : index
          %get3A_177 = tpu.vector_load %arg13[%get3A_175, %get3A_176] {strides = array<i32>} : memref<80x128xf32, #tpu.memory_space<vmem>>, vector<1x16xf32>,
          %get3A_178 = vector.shape_cast %get3A_177 : vector<1x16xf32> to vector<16xf32>
          %mul3A_179 = arith.mulf %get3A_178, %select_n3A : vector<16xf32>
          %swap3A_180 = arith.index_cast %scan3A_72 : i32 to index
          %swap3A_181 = arith.constant 112 : index
          %swap3A_182 = tpu.vector_load %arg13[%swap3A_180, %swap3A_181] {strides = array<i32>} : memref<80x128xf32, #tpu.memory_space<vmem>>, vector<1x16xf32>,
          %swap3A_183 = vector.shape_cast %swap3A_182 : vector<1x16xf32> to vector<16xf32>
          %swap3A_184 = vector.shape_cast %mul3A_179 : vector<16xf32> to vector<1x16xf32>
          tpu.vector_store %arg13[%swap3A_180, %swap3A_181], %swap3A_184 {strides = array<i32>} : memref<80x128xf32, #tpu.memory_space<vmem>>, vector<1x16xf32>,
        }
        %scan3A_68 = arith.constant 80 : i32
        %mul3A_69 = arith.constant 10000 : i32
        %mul3A_70 = arith.muli %arg0, %mul3A_69 : i32
        %add3A_71 = arith.addi %mul3A_70, %mul3A_62 : i32
        "tpu.region"() ({
          %run_scoped3A = tpu.sem_alloc : memref<!tpu.dma_semaphore, #tpu.memory_space<semaphore_mem>>
          %dma_start3A_72 = arith.constant 0 : i32
          %dma_start3A_73 = tpu.memref_slice %arg7[%add3A_71, %dma_start3A_72] : memref<20000x128xf32, #tpu.memory_space<hbm>> -> memref<80x128xf32, #tpu.memory_space<hbm>>
          %dma_start3A_74 = arith.constant 0 : i32
          %dma_start3A_75 = tpu.memref_slice %arg7[%add3A_71, %dma_start3A_74] : memref<20000x128xf32, #tpu.memory_space<hbm>> -> memref<80x128xf32, #tpu.memory_space<hbm>>
          tpu.enqueue_dma source(%arg13 : memref<80x128xf32, #tpu.memory_space<vmem>>) target(%dma_start3A_75 : memref<80x128xf32, #tpu.memory_space<hbm>>) target_semaphore(%run_scoped3A : memref<!tpu.dma_semaphore, #tpu.memory_space<semaphore_mem>>)
          %dma_wait3A = arith.constant 0 : i32
          %dma_wait3A_76 = tpu.memref_slice %arg7[%add3A_71, %dma_wait3A] : memref<20000x128xf32, #tpu.memory_space<hbm>> -> memref<80x128xf32, #tpu.memory_space<hbm>>
          %dma_wait3A_77 = arith.constant 0 : i32
          %dma_wait3A_78 = tpu.memref_slice %arg7[%add3A_71, %dma_wait3A_77] : memref<20000x128xf32, #tpu.memory_space<hbm>> -> memref<80x128xf32, #tpu.memory_space<hbm>>
          tpu.wait_dma2 semaphore(%run_scoped3A : memref<!tpu.dma_semaphore, #tpu.memory_space<semaphore_mem>>) src(%arg13 : memref<80x128xf32, #tpu.memory_space<vmem>>) dst(%dma_wait3A_78 : memref<80x128xf32, #tpu.memory_space<hbm>>)
          tpu.yield
        }) : () -> ()
        "tpu.region"() ({
          %run_scoped3A = tpu.sem_alloc : memref<!tpu.dma_semaphore, #tpu.memory_space<semaphore_mem>>
          %dma_start3A_72 = arith.constant 0 : i32
          %dma_start3A_73 = tpu.memref_slice %arg6[%arg0, %mul3A_62, %dma_start3A_72] : memref<2x10000x128xf32, #tpu.memory_space<hbm>> -> memref<1x80x128xf32, #tpu.memory_space<hbm>>
          %dma_start3A_74 = tpu.memref_squeeze %dma_start3A_73 : memref<1x80x128xf32, #tpu.memory_space<hbm>> -> memref<80x128xf32, #tpu.memory_space<hbm>>
          %dma_start3A_75 = arith.constant 0 : i32
          %dma_start3A_76 = tpu.memref_slice %arg6[%arg0, %mul3A_62, %dma_start3A_75] : memref<2x10000x128xf32, #tpu.memory_space<hbm>> -> memref<1x80x128xf32, #tpu.memory_space<hbm>>
          %dma_start3A_77 = tpu.memref_squeeze %dma_start3A_76 : memref<1x80x128xf32, #tpu.memory_space<hbm>> -> memref<80x128xf32, #tpu.memory_space<hbm>>
          tpu.enqueue_dma source(%arg14 : memref<80x128xf32, #tpu.memory_space<vmem>>) target(%dma_start3A_77 : memref<80x128xf32, #tpu.memory_space<hbm>>) target_semaphore(%run_scoped3A : memref<!tpu.dma_semaphore, #tpu.memory_space<semaphore_mem>>)
          %dma_wait3A = arith.constant 0 : i32
          %dma_wait3A_78 = tpu.memref_slice %arg6[%arg0, %mul3A_62, %dma_wait3A] : memref<2x10000x128xf32, #tpu.memory_space<hbm>> -> memref<1x80x128xf32, #tpu.memory_space<hbm>>
          %dma_wait3A_79 = tpu.memref_squeeze %dma_wait3A_78 : memref<1x80x128xf32, #tpu.memory_space<hbm>> -> memref<80x128xf32, #tpu.memory_space<hbm>>
          %dma_wait3A_80 = arith.constant 0 : i32
          %dma_wait3A_81 = tpu.memref_slice %arg6[%arg0, %mul3A_62, %dma_wait3A_80] : memref<2x10000x128xf32, #tpu.memory_space<hbm>> -> memref<1x80x128xf32, #tpu.memory_space<hbm>>
          %dma_wait3A_82 = tpu.memref_squeeze %dma_wait3A_81 : memref<1x80x128xf32, #tpu.memory_space<hbm>> -> memref<80x128xf32, #tpu.memory_space<hbm>>
          tpu.wait_dma2 semaphore(%run_scoped3A : memref<!tpu.dma_semaphore, #tpu.memory_space<semaphore_mem>>) src(%arg14 : memref<80x128xf32, #tpu.memory_space<vmem>>) dst(%dma_wait3A_82 : memref<80x128xf32, #tpu.memory_space<hbm>>)
          tpu.yield
        }) : () -> ()
      } else {
      }
    }
    %scan3A_51 = arith.constant 8 : i32
    return
  }
}

module attributes {stable_mosaic.version = 14 : i64} {
  func.func @_dense_body(%arg0: i32, %arg1: i32, %arg2: memref<2x1000x128xf32, #tpu.memory_space<vmem>>, %arg3: memref<2x1000x128xf32, #tpu.memory_space<vmem>>, %arg4: memref<1000x128xf32, #tpu.memory_space<vmem>>, %arg5: memref<1x128xf32, #tpu.memory_space<vmem>>, %arg6: memref<128x128xf32, #tpu.memory_space<vmem>>, %arg7: memref<128x128xf32, #tpu.memory_space<vmem>>, %arg8: memref<128x128xf32, #tpu.memory_space<vmem>>, %arg9: memref<208x128xf32, #tpu.memory_space<vmem>>, %arg10: memref<128x128xf32, #tpu.memory_space<vmem>>, %arg11: memref<1x128xf32, #tpu.memory_space<vmem>>, %arg12: memref<1x128xf32, #tpu.memory_space<vmem>>, %arg13: memref<1000x128xf32, #tpu.memory_space<vmem>>, %arg14: memref<208x128xf32, #tpu.memory_space<vmem>>, %arg15: memref<10000x128xf32, #tpu.memory_space<vmem>>, %arg16: memref<2x128xf32, #tpu.memory_space<vmem>>) attributes {dimension_semantics = [#tpu.dimension_semantics<arbitrary>, #tpu.dimension_semantics<arbitrary>], iteration_bounds = array<i64: 2, 10>, scalar_prefetch = 0 : i64, scratch_operands = 2 : i64, tpu.core_type = #tpu.core_type<tc>, window_params = [{transform_indices = @transform_0, window_bounds = array<i64: 2, 1000, 128>}, {transform_indices = @transform_1, window_bounds = array<i64: 2, 1000, 128>}, {transform_indices = @transform_2, window_bounds = array<i64: 1000, 128>}, {pipeline_mode = #tpu.pipeline_mode<synchronous>, transform_indices = @transform_3, window_bounds = array<i64: 1, 128>}, {pipeline_mode = #tpu.pipeline_mode<synchronous>, transform_indices = @transform_4, window_bounds = array<i64: 128, 128>}, {pipeline_mode = #tpu.pipeline_mode<synchronous>, transform_indices = @transform_5, window_bounds = array<i64: 128, 128>}, {pipeline_mode = #tpu.pipeline_mode<synchronous>, transform_indices = @transform_6, window_bounds = array<i64: 128, 128>}, {pipeline_mode = #tpu.pipeline_mode<synchronous>, transform_indices = @transform_7, window_bounds = array<i64: 208, 128>}, {pipeline_mode = #tpu.pipeline_mode<synchronous>, transform_indices = @transform_8, window_bounds = array<i64: 128, 128>}, {pipeline_mode = #tpu.pipeline_mode<synchronous>, transform_indices = @transform_9, window_bounds = array<i64: 1, 128>}, {pipeline_mode = #tpu.pipeline_mode<synchronous>, transform_indices = @transform_10, window_bounds = array<i64: 1, 128>}, {transform_indices = @transform_11, window_bounds = array<i64: 1000, 128>}, {pipeline_mode = #tpu.pipeline_mode<synchronous>, transform_indices = @transform_12, window_bounds = array<i64: 208, 128>}]} {
    %eq3A = arith.constant 0 : i32
    %eq3A_0 = arith.cmpi eq, %arg0, %eq3A : i32
    %convert_element_type3A = arith.extui %eq3A_0 : i1 to i32
    %cond3A = arith.constant 0 : i32
    %cond3A_1 = arith.cmpi ne, %convert_element_type3A, %cond3A : i32
    scf.if %cond3A_1 {
      %get3A = arith.constant 0 : index
      %get3A_7 = arith.constant 0 : index
      %get3A_8 = arith.constant 0 : index
      %get3A_9 = vector.load %arg3[%get3A, %get3A_7, %get3A_8] : memref<2x1000x128xf32, #tpu.memory_space<vmem>>, vector<2x1000x128xf32>
      %slice3A = vector.extract_strided_slice %get3A_9 {offsets = [0, 0, 0], sizes = [2, 1000, 1], strides = [1, 1, 1]} : vector<2x1000x128xf32> to vector<2x1000x1xf32>
      %gt3A = arith.constant 0.000000e+00 : f32
      %gt3A_10 = vector.broadcast %gt3A : f32 to vector<2x1000x1xf32>
      %gt3A_11 = arith.cmpf ogt, %slice3A, %gt3A_10 : vector<2x1000x1xf32>
      %rsqrt3A = math.rsqrt %slice3A : vector<2x1000x1xf32>
      %jit3A = arith.constant 0.000000e+00 : f32
      %broadcast_in_dim3A = vector.broadcast %jit3A : f32 to vector<2x1000x1xf32>
      %select_n3A = arith.select %gt3A_11, %rsqrt3A, %broadcast_in_dim3A : vector<2x1000x1xi1>, vector<2x1000x1xf32>
      %get3A_12 = arith.constant 0 : index
      %get3A_13 = arith.constant 0 : index
      %get3A_14 = arith.constant 0 : index
      %get3A_15 = vector.load %arg2[%get3A_12, %get3A_13, %get3A_14] : memref<2x1000x128xf32, #tpu.memory_space<vmem>>, vector<1x1000x128xf32>
      %get3A_16 = vector.shape_cast %get3A_15 : vector<1x1000x128xf32> to vector<1000x128xf32>
      %slice3A_17 = vector.extract_strided_slice %select_n3A {offsets = [0, 0, 0], sizes = [1, 1000, 1], strides = [1, 1, 1]} : vector<2x1000x1xf32> to vector<1x1000x1xf32>
      %squeeze3A = vector.shape_cast %slice3A_17 : vector<1x1000x1xf32> to vector<1000x1xf32>
      %mul3A = vector.broadcast %squeeze3A : vector<1000x1xf32> to vector<1000x128xf32>
      %mul3A_18 = arith.mulf %get3A_16, %mul3A : vector<1000x128xf32>
      %get3A_19 = arith.constant 1 : index
      %get3A_20 = arith.constant 0 : index
      %get3A_21 = arith.constant 0 : index
      %get3A_22 = vector.load %arg2[%get3A_19, %get3A_20, %get3A_21] : memref<2x1000x128xf32, #tpu.memory_space<vmem>>, vector<1x1000x128xf32>
      %get3A_23 = vector.shape_cast %get3A_22 : vector<1x1000x128xf32> to vector<1000x128xf32>
      %slice3A_24 = vector.extract_strided_slice %select_n3A {offsets = [1, 0, 0], sizes = [1, 1000, 1], strides = [1, 1, 1]} : vector<2x1000x1xf32> to vector<1x1000x1xf32>
      %squeeze3A_25 = vector.shape_cast %slice3A_24 : vector<1x1000x1xf32> to vector<1000x1xf32>
      %mul3A_26 = vector.broadcast %squeeze3A_25 : vector<1000x1xf32> to vector<1000x128xf32>
      %mul3A_27 = arith.mulf %get3A_23, %mul3A_26 : vector<1000x128xf32>
      %get3A_28 = arith.constant 0 : index
      %get3A_29 = arith.constant 0 : index
      %get3A_30 = vector.load %arg4[%get3A_28, %get3A_29] : memref<1000x128xf32, #tpu.memory_space<vmem>>, vector<1000x128xf32>
      %get3A_31 = arith.constant 0 : index
      %get3A_32 = arith.constant 0 : index
      %get3A_33 = vector.load %arg5[%get3A_31, %get3A_32] : memref<1x128xf32, #tpu.memory_space<vmem>>, vector<1x128xf32>
      %mul3A_34 = vector.broadcast %get3A_33 : vector<1x128xf32> to vector<1000x128xf32>
      %mul3A_35 = arith.mulf %get3A_30, %mul3A_34 : vector<1000x128xf32>
      %get3A_36 = arith.constant 0 : index
      %get3A_37 = arith.constant 0 : index
      %get3A_38 = vector.load %arg6[%get3A_36, %get3A_37] : memref<128x128xf32, #tpu.memory_space<vmem>>, vector<128x128xf32>
      %dot_general3A = arith.constant dense<0.000000e+00> : vector<1000x128xf32>
      %dot_general3A_39 = tpu.matmul %mul3A_18, %get3A_38, %dot_general3A {dimension_numbers = #tpu.dot_dimension_numbers<[1], [0], [0], [1], [0, 0, 1, 1], [], []>, transpose_lhs_hint = false} : vector<1000x128xf32>, vector<128x128xf32>, vector<1000x128xf32> -> vector<1000x128xf32>
      %get3A_40 = arith.constant 0 : index
      %get3A_41 = arith.constant 0 : index
      %get3A_42 = vector.load %arg7[%get3A_40, %get3A_41] : memref<128x128xf32, #tpu.memory_space<vmem>>, vector<128x128xf32>
      %dot_general3A_43 = arith.constant dense<0.000000e+00> : vector<1000x128xf32>
      %dot_general3A_44 = tpu.matmul %mul3A_27, %get3A_42, %dot_general3A_43 {dimension_numbers = #tpu.dot_dimension_numbers<[1], [0], [0], [1], [0, 0, 1, 1], [], []>, transpose_lhs_hint = false} : vector<1000x128xf32>, vector<128x128xf32>, vector<1000x128xf32> -> vector<1000x128xf32>
      %add3A = arith.addf %dot_general3A_39, %dot_general3A_44 : vector<1000x128xf32>
      %get3A_45 = arith.constant 0 : index
      %get3A_46 = arith.constant 0 : index
      %get3A_47 = vector.load %arg8[%get3A_45, %get3A_46] : memref<128x128xf32, #tpu.memory_space<vmem>>, vector<128x128xf32>
      %dot_general3A_48 = arith.constant dense<0.000000e+00> : vector<1000x128xf32>
      %dot_general3A_49 = tpu.matmul %mul3A_35, %get3A_47, %dot_general3A_48 {dimension_numbers = #tpu.dot_dimension_numbers<[1], [0], [0], [1], [0, 0, 1, 1], [], []>, transpose_lhs_hint = false} : vector<1000x128xf32>, vector<128x128xf32>, vector<1000x128xf32> -> vector<1000x128xf32>
      %add3A_50 = arith.addf %add3A, %dot_general3A_49 : vector<1000x128xf32>
      %mul3A_51 = arith.constant 0.333333343 : f32
      %mul3A_52 = vector.broadcast %mul3A_51 : f32 to vector<1000x128xf32>
      %mul3A_53 = arith.mulf %add3A_50, %mul3A_52 : vector<1000x128xf32>
      %mul3A_54 = arith.constant 1000 : i32
      %mul3A_55 = arith.muli %arg1, %mul3A_54 : i32
      %swap3A = arith.index_cast %mul3A_55 : i32 to index
      %swap3A_56 = arith.constant 0 : index
      %swap3A_57 = vector.load %arg15[%swap3A, %swap3A_56] : memref<10000x128xf32, #tpu.memory_space<vmem>>, vector<1000x128xf32>
      tpu.vector_store %arg15[%swap3A, %swap3A_56], %mul3A_53 {strides = array<i32>} : memref<10000x128xf32, #tpu.memory_space<vmem>>, vector<1000x128xf32>,
      %eq3A_58 = arith.constant 0 : i32
      %eq3A_59 = arith.cmpi eq, %arg1, %eq3A_58 : i32
      %convert_element_type3A_60 = arith.extui %eq3A_59 : i1 to i32
      %cond3A_61 = arith.constant 0 : i32
      %cond3A_62 = arith.cmpi ne, %convert_element_type3A_60, %cond3A_61 : i32
      scf.if %cond3A_62 {
        %broadcast_in_dim3A_87 = arith.constant 0.000000e+00 : f32
        %broadcast_in_dim3A_88 = vector.broadcast %broadcast_in_dim3A_87 : f32 to vector<2x128xf32>
        %swap3A_89 = arith.constant 0 : index
        %swap3A_90 = arith.constant 0 : index
        %swap3A_91 = vector.load %arg16[%swap3A_89, %swap3A_90] : memref<2x128xf32, #tpu.memory_space<vmem>>, vector<2x128xf32>
        tpu.vector_store %arg16[%swap3A_89, %swap3A_90], %broadcast_in_dim3A_88 {strides = array<i32>} : memref<2x128xf32, #tpu.memory_space<vmem>>, vector<2x128xf32>,
        %get3A_92 = arith.constant 0 : index
        %get3A_93 = arith.constant 0 : index
        %get3A_94 = vector.load %arg9[%get3A_92, %get3A_93] : memref<208x128xf32, #tpu.memory_space<vmem>>, vector<208x128xf32>
        %get3A_95 = arith.constant 0 : index
        %get3A_96 = arith.constant 0 : index
        %get3A_97 = vector.load %arg10[%get3A_95, %get3A_96] : memref<128x128xf32, #tpu.memory_space<vmem>>, vector<128x128xf32>
        %dot_general3A_98 = arith.constant dense<0.000000e+00> : vector<208x128xf32>
        %dot_general3A_99 = tpu.matmul %get3A_94, %get3A_97, %dot_general3A_98 {dimension_numbers = #tpu.dot_dimension_numbers<[1], [0], [0], [1], [0, 0, 1, 1], [], []>, transpose_lhs_hint = false} : vector<208x128xf32>, vector<128x128xf32>, vector<208x128xf32> -> vector<208x128xf32>
        %swap3A_100 = arith.constant 0 : index
        %swap3A_101 = arith.constant 0 : index
        %swap3A_102 = vector.load %arg14[%swap3A_100, %swap3A_101] : memref<208x128xf32, #tpu.memory_space<vmem>>, vector<208x128xf32>
        tpu.vector_store %arg14[%swap3A_100, %swap3A_101], %dot_general3A_99 {strides = array<i32>} : memref<208x128xf32, #tpu.memory_space<vmem>>, vector<208x128xf32>,
      } else {
      }
      %get3A_63 = arith.constant 0 : index
      %get3A_64 = arith.constant 0 : index
      %get3A_65 = vector.load %arg16[%get3A_63, %get3A_64] : memref<2x128xf32, #tpu.memory_space<vmem>>, vector<1x128xf32>
      %get3A_66 = vector.shape_cast %get3A_65 : vector<1x128xf32> to vector<128xf32>
      %reduce_sum3A = arith.constant dense<0.000000e+00> : vector<128xf32>
      %reduce_sum3A_67 = vector.multi_reduction <add>, %mul3A_53, %reduce_sum3A [0] : vector<1000x128xf32> to vector<128xf32>
      %add3A_68 = arith.addf %get3A_66, %reduce_sum3A_67 : vector<128xf32>
      %swap3A_69 = arith.constant 0 : index
      %swap3A_70 = arith.constant 0 : index
      %swap3A_71 = vector.load %arg16[%swap3A_69, %swap3A_70] : memref<2x128xf32, #tpu.memory_space<vmem>>, vector<1x128xf32>
      %swap3A_72 = vector.shape_cast %swap3A_71 : vector<1x128xf32> to vector<128xf32>
      %swap3A_73 = vector.shape_cast %add3A_68 : vector<128xf32> to vector<1x128xf32>
      tpu.vector_store %arg16[%swap3A_69, %swap3A_70], %swap3A_73 {strides = array<i32>} : memref<2x128xf32, #tpu.memory_space<vmem>>, vector<1x128xf32>,
      %get3A_74 = arith.constant 1 : index
      %get3A_75 = arith.constant 0 : index
      %get3A_76 = vector.load %arg16[%get3A_74, %get3A_75] : memref<2x128xf32, #tpu.memory_space<vmem>>, vector<1x128xf32>
      %get3A_77 = vector.shape_cast %get3A_76 : vector<1x128xf32> to vector<128xf32>
      %mul3A_78 = arith.mulf %mul3A_53, %mul3A_53 : vector<1000x128xf32>
      %reduce_sum3A_79 = arith.constant dense<0.000000e+00> : vector<128xf32>
      %reduce_sum3A_80 = vector.multi_reduction <add>, %mul3A_78, %reduce_sum3A_79 [0] : vector<1000x128xf32> to vector<128xf32>
      %add3A_81 = arith.addf %get3A_77, %reduce_sum3A_80 : vector<128xf32>
      %swap3A_82 = arith.constant 1 : index
      %swap3A_83 = arith.constant 0 : index
      %swap3A_84 = vector.load %arg16[%swap3A_82, %swap3A_83] : memref<2x128xf32, #tpu.memory_space<vmem>>, vector<1x128xf32>
      %swap3A_85 = vector.shape_cast %swap3A_84 : vector<1x128xf32> to vector<128xf32>
      %swap3A_86 = vector.shape_cast %add3A_81 : vector<128xf32> to vector<1x128xf32>
      tpu.vector_store %arg16[%swap3A_82, %swap3A_83], %swap3A_86 {strides = array<i32>} : memref<2x128xf32, #tpu.memory_space<vmem>>, vector<1x128xf32>,
    } else {
    }
    %eq3A_2 = arith.constant 1 : i32
    %eq3A_3 = arith.cmpi eq, %arg0, %eq3A_2 : i32
    %convert_element_type3A_4 = arith.extui %eq3A_3 : i1 to i32
    %cond3A_5 = arith.constant 0 : i32
    %cond3A_6 = arith.cmpi ne, %convert_element_type3A_4, %cond3A_5 : i32
    scf.if %cond3A_6 {
      %get3A = arith.constant 0 : index
      %get3A_7 = arith.constant 0 : index
      %get3A_8 = vector.load %arg16[%get3A, %get3A_7] : memref<2x128xf32, #tpu.memory_space<vmem>>, vector<1x128xf32>
      %mul3A = arith.constant 9.99999974E-5 : f32
      %mul3A_9 = vector.broadcast %mul3A : f32 to vector<1x128xf32>
      %mul3A_10 = arith.mulf %get3A_8, %mul3A_9 : vector<1x128xf32>
      %get3A_11 = arith.constant 1 : index
      %get3A_12 = arith.constant 0 : index
      %get3A_13 = vector.load %arg16[%get3A_11, %get3A_12] : memref<2x128xf32, #tpu.memory_space<vmem>>, vector<1x128xf32>
      %mul3A_14 = arith.constant 9.99999974E-5 : f32
      %mul3A_15 = vector.broadcast %mul3A_14 : f32 to vector<1x128xf32>
      %mul3A_16 = arith.mulf %get3A_13, %mul3A_15 : vector<1x128xf32>
      %mul3A_17 = arith.mulf %mul3A_10, %mul3A_10 : vector<1x128xf32>
      %sub3A = arith.subf %mul3A_16, %mul3A_17 : vector<1x128xf32>
      %add3A = arith.constant 9.99999974E-6 : f32
      %add3A_18 = vector.broadcast %add3A : f32 to vector<1x128xf32>
      %add3A_19 = arith.addf %sub3A, %add3A_18 : vector<1x128xf32>
      %rsqrt3A = math.rsqrt %add3A_19 : vector<1x128xf32>
      %mul3A_20 = arith.constant 1000 : i32
      %mul3A_21 = arith.muli %arg1, %mul3A_20 : i32
      %get3A_22 = arith.index_cast %mul3A_21 : i32 to index
      %get3A_23 = arith.constant 0 : index
      %get3A_24 = vector.load %arg15[%get3A_22, %get3A_23] : memref<10000x128xf32, #tpu.memory_space<vmem>>, vector<1000x128xf32>
      %get3A_25 = arith.constant 0 : index
      %get3A_26 = arith.constant 0 : index
      %get3A_27 = vector.load %arg11[%get3A_25, %get3A_26] : memref<1x128xf32, #tpu.memory_space<vmem>>, vector<1x128xf32>
      %sub3A_28 = vector.broadcast %mul3A_10 : vector<1x128xf32> to vector<1000x128xf32>
      %sub3A_29 = arith.subf %get3A_24, %sub3A_28 : vector<1000x128xf32>
      %mul3A_30 = vector.broadcast %rsqrt3A : vector<1x128xf32> to vector<1000x128xf32>
      %mul3A_31 = arith.mulf %sub3A_29, %mul3A_30 : vector<1000x128xf32>
      %mul3A_32 = vector.broadcast %get3A_27 : vector<1x128xf32> to vector<1000x128xf32>
      %mul3A_33 = arith.mulf %mul3A_32, %mul3A_31 : vector<1000x128xf32>
      %get3A_34 = arith.constant 0 : index
      %get3A_35 = arith.constant 0 : index
      %get3A_36 = vector.load %arg12[%get3A_34, %get3A_35] : memref<1x128xf32, #tpu.memory_space<vmem>>, vector<1x128xf32>
      %add3A_37 = vector.broadcast %get3A_36 : vector<1x128xf32> to vector<1000x128xf32>
      %add3A_38 = arith.addf %mul3A_33, %add3A_37 : vector<1000x128xf32>
      %swap3A = arith.constant 0 : index
      %swap3A_39 = arith.constant 0 : index
      %swap3A_40 = vector.load %arg13[%swap3A, %swap3A_39] : memref<1000x128xf32, #tpu.memory_space<vmem>>, vector<1000x128xf32>
      tpu.vector_store %arg13[%swap3A, %swap3A_39], %add3A_38 {strides = array<i32>} : memref<1000x128xf32, #tpu.memory_space<vmem>>, vector<1000x128xf32>,
    } else {
    }
    return
  }
  func.func @transform_0(%arg0: i32, %arg1: i32) -> (i32, i32, i32) {
    %sub3A = arith.constant 1 : i32
    %sub3A_0 = arith.subi %sub3A, %arg0 : i32
    %mul3A = arith.muli %arg1, %sub3A_0 : i32
    %c0_i32 = arith.constant 0 : i32
    %c0_i32_1 = arith.constant 0 : i32
    %c0_i32_2 = arith.constant 0 : i32
    return %c0_i32, %mul3A, %c0_i32_1 : i32, i32, i32
  }
  func.func @transform_1(%arg0: i32, %arg1: i32) -> (i32, i32, i32) {
    %sub3A = arith.constant 1 : i32
    %sub3A_0 = arith.subi %sub3A, %arg0 : i32
    %mul3A = arith.muli %arg1, %sub3A_0 : i32
    %c0_i32 = arith.constant 0 : i32
    %c0_i32_1 = arith.constant 0 : i32
    %c0_i32_2 = arith.constant 0 : i32
    return %c0_i32, %mul3A, %c0_i32_1 : i32, i32, i32
  }
  func.func @transform_2(%arg0: i32, %arg1: i32) -> (i32, i32) {
    %sub3A = arith.constant 1 : i32
    %sub3A_0 = arith.subi %sub3A, %arg0 : i32
    %mul3A = arith.muli %arg1, %sub3A_0 : i32
    %c0_i32 = arith.constant 0 : i32
    %c0_i32_1 = arith.constant 0 : i32
    return %mul3A, %c0_i32 : i32, i32
  }
  func.func @transform_3(%arg0: i32, %arg1: i32) -> (i32, i32) {
    %c0_i32 = arith.constant 0 : i32
    %c0_i32_0 = arith.constant 0 : i32
    %c0_i32_1 = arith.constant 0 : i32
    return %c0_i32, %c0_i32_0 : i32, i32
  }
  func.func @transform_4(%arg0: i32, %arg1: i32) -> (i32, i32) {
    %c0_i32 = arith.constant 0 : i32
    %c0_i32_0 = arith.constant 0 : i32
    %c0_i32_1 = arith.constant 0 : i32
    return %c0_i32, %c0_i32_0 : i32, i32
  }
  func.func @transform_5(%arg0: i32, %arg1: i32) -> (i32, i32) {
    %c0_i32 = arith.constant 0 : i32
    %c0_i32_0 = arith.constant 0 : i32
    %c0_i32_1 = arith.constant 0 : i32
    return %c0_i32, %c0_i32_0 : i32, i32
  }
  func.func @transform_6(%arg0: i32, %arg1: i32) -> (i32, i32) {
    %c0_i32 = arith.constant 0 : i32
    %c0_i32_0 = arith.constant 0 : i32
    %c0_i32_1 = arith.constant 0 : i32
    return %c0_i32, %c0_i32_0 : i32, i32
  }
  func.func @transform_7(%arg0: i32, %arg1: i32) -> (i32, i32) {
    %c0_i32 = arith.constant 0 : i32
    %c0_i32_0 = arith.constant 0 : i32
    %c0_i32_1 = arith.constant 0 : i32
    return %c0_i32, %c0_i32_0 : i32, i32
  }
  func.func @transform_8(%arg0: i32, %arg1: i32) -> (i32, i32) {
    %c0_i32 = arith.constant 0 : i32
    %c0_i32_0 = arith.constant 0 : i32
    %c0_i32_1 = arith.constant 0 : i32
    return %c0_i32, %c0_i32_0 : i32, i32
  }
  func.func @transform_9(%arg0: i32, %arg1: i32) -> (i32, i32) {
    %c0_i32 = arith.constant 0 : i32
    %c0_i32_0 = arith.constant 0 : i32
    %c0_i32_1 = arith.constant 0 : i32
    return %c0_i32, %c0_i32_0 : i32, i32
  }
  func.func @transform_10(%arg0: i32, %arg1: i32) -> (i32, i32) {
    %c0_i32 = arith.constant 0 : i32
    %c0_i32_0 = arith.constant 0 : i32
    %c0_i32_1 = arith.constant 0 : i32
    return %c0_i32, %c0_i32_0 : i32, i32
  }
  func.func @transform_11(%arg0: i32, %arg1: i32) -> (i32, i32) {
    %c0_i32 = arith.constant 0 : i32
    %c0_i32_0 = arith.constant 0 : i32
    return %arg1, %c0_i32 : i32, i32
  }
  func.func @transform_12(%arg0: i32, %arg1: i32) -> (i32, i32) {
    %c0_i32 = arith.constant 0 : i32
    %c0_i32_0 = arith.constant 0 : i32
    %c0_i32_1 = arith.constant 0 : i32
    return %c0_i32, %c0_i32_0 : i32, i32
  }
}

</mosaic_0001>

<sc_bundles>
// kernel: kernel.5.cloned.1.call-start
scs
__scs_entry_jumppad:
0x0: {  	(pc) =	sbr.rel $0x88, $3  }
0x1: {  	(tag) =	ssettag $0x0;
	lr =	simm.s32 $0x1  }
0x2: {  	[smem:$0x3F96] =	sst lr;
	_ =	strace $0xD0000000  }
0x3: {  	_ = 	snop  }
0x4: {  	_ = 	snop  }
0x5: {  	_ = 	snop  }
0x6: {  	_ = 	snop  }
0x7: {  	_ = 	snop  }
__scs_overlays_trampoline_lowered:
0x8: {  	[smem:$0x3FA5] =	sst s0  }
0x9: {  	[smem:$0x3FA6] =	sst s1  }
0xa: {  	[smem:$0x3FA7] =	sst s2  }
0xb: {  	[smem:$0x3FA8] =	sst s3  }
0xc: {  	[smem:$0x3FA9] =	sst s4  }
0xd: {  	[smem:$0x3FAA] =	sst s5  }
0xe: {  	[smem:$0x3FAB] =	sst s6  }
0xf: {  	[smem:$0x3FAC] =	sst s7  }
0x10: {  	[smem:$0x3FAD] =	sst s8  }
0x11: {  	[smem:$0x3FAE] =	sst s9;
	s0 =	simm.s32 @!p0 $0x0  }
0x12: {  	s1 =	sld [smem:$0x3F94];
	s0 =	simm.s32 @p0 $0x1  }
0x13: {  	[smem:$0x3FAF] =	sst s0;
	s0 =	simm.s32 @!p1 $0x0  }
0x14: {  	s2 =	sld [smem:$0x3F93];
	s0 =	simm.s32 @p1 $0x1  }
0x15: {  	[smem:$0x3FB0] =	sst s0;
	s0 =	simm.s32 @!p2 $0x0  }
0x16: {  	s3 =	sld [smem:$0x3FDB];
	s0 =	simm.s32 @p2 $0x1  }
0x17: {  	s4 =	simm.s32 $0x1BF5;
	[smem:$0x3FB2] =	sst s0  }
0x18: {  	s0 =	sld [smem:$0x3F95];
	_ =	swait.ge [sflag:s4], $0x0  }
0x19: {  	s7 =	sld [smem:$0x3F96]  }
0x1a: {  	s8 =	sadd.s32 $0xFFFFE003, lr  }
0x1b: {  	s9 =	sadd.s32 $0xFFFFFEF7, lr;
	s5 =	simm.s32 $0xFFFFFFFF;
	p2 =	slt.u32 s8, $0xFFFFF086  }
0x1c: {  	p1 =	slt.u32 s9, $0xF7A;
	s5 =	simm.s32 @!p2 $0x0  }
0x1d: {  	s5 =	simm.s32 @p1 $0x1;
	p0 =	seq.s32 s7, s2  }
0x1e: {  	s7 =	smul.u32 @!p0 $0xF7A, s2;
	p2 =	seq.s32 @!p0 s5, $0x0  }
0x1f: {  	s9 =	smul.u32 $0xF7A, s1;
	s8 =	simm.s32 @!p0 $0x1BF5;
	p2 =	por !p2, p0  }
0x20: {  	[sflag:s8] =	ssyncset.s32 @!p0 $0xFFFFF086;
	s6 =	sadd.s32 @!p0 s3, s7;
	s7 =	simm.s32 @!p0 $0x108  }
0x21: {  	s3 =	sadd.s32 s3, s9;
	s6 =	sadd.s32 @!p0 $0x88, s6;
	s7 =	simm.s32 @p2 $0x1082  }
0x22: {  	[simem:s7], [sflag:s8] =	dma.local @!p0 [hbm:s6], $0xF7A  }
0x23: {  	s9 =	sor.u32 $0xD0000000, s2;
	s6 =	simm.s32 $0x108;
	_ =	swait.ge @!p0 [sflag:s8], $0x0  }
0x24: {  	s3 =	sadd.s32 $0x88, s3;
	s6 =	simm.s32 @!p1 $0x1082;
	[sflag:s4] =	ssyncset.s32 $0xFFFFF086  }
0x25: {  	[simem:s6], [sflag:s4] =	dma.local [hbm:s3], $0xF7A  }
0x26: {  	[smem:$0x3F96] =	sst s1;
	(tag) =	ssettag s2;
	_ =	strace s9  }
0x27: {  	s1 =	sld [smem:$0x3FA6]  }
0x28: {  	s2 =	sld [smem:$0x3FA7]  }
0x29: {  	s4 =	sld [smem:$0x3FA9]  }
0x2a: {  	p0 =	seq.s32 s5, $0x0;
	s5 =	sld [smem:$0x3FAA]  }
0x2b: {  	s6 =	sld [smem:$0x3FAB]  }
0x2c: {  	s7 =	sld [smem:$0x3FAC]  }
0x2d: {  	s3 =	simm.s32 $0x108;
	s8 =	sld [smem:$0x3FAD]  }
0x2e: {  	s3 =	simm.s32 @!p0 $0x1082;
	s9 =	sld [smem:$0x3FAE]  }
0x2f: {  	lr =	sadd.s32 s0, s3;
	s0 =	sld [smem:$0x3FA5]  }
0x30: {  	s3 =	sld [smem:$0x3FA8]  }
0x31: {  	[smem:$0x3FB1] =	sst s10  }
0x32: {  	s10 =	sld [smem:$0x3FAF];
	_ =	sdelay $0x3  }
0x33: {  	p0 =	seq.s32 s10, $0x1;
	s10 =	sld [smem:$0x3FB1];
	_ =	sdelay $0x3  }
0x34: {  	[smem:$0x3FB1] =	sst s10  }
0x35: {  	s10 =	sld [smem:$0x3FB0];
	_ =	sdelay $0x3  }
0x36: {  	p1 =	seq.s32 s10, $0x1;
	s10 =	sld [smem:$0x3FB1];
	_ =	sdelay $0x3  }
0x37: {  	[smem:$0x3FB1] =	sst s10  }
0x38: {  	s10 =	sld [smem:$0x3FB2]  }
0x39: {  	_ = 	snop;
	(pc) =	sbr.ind lr, $3  }
0x3a: {  	_ = 	snop  }
0x3b: {  	_ = 	snop  }
0x3c: {  	p2 =	seq.s32 s10, $0x1;
	s10 =	sld [smem:$0x3FB1]  }
0x3d: {  	_ =	shalt  }
0x3e: {  	_ =	shalt  }
0x3f: {  	_ =	shalt  }
0x40: {  	_ =	shalt  }
0x41: {  	_ =	shalt  }
0x42: {  	_ =	shalt  }
0x43: {  	_ =	shalt  }
0x44: {  	_ =	shalt  }
0x45: {  	_ =	shalt  }
0x46: {  	_ =	shalt  }
0x47: {  	_ =	shalt  }
0x48: {  	_ =	shalt  }
0x49: {  	_ =	shalt  }
0x4a: {  	_ =	shalt  }
0x4b: {  	_ =	shalt  }
0x4c: {  	_ =	shalt  }
0x4d: {  	_ =	shalt  }
0x4e: {  	_ =	shalt  }
0x4f: {  	_ =	shalt  }
0x50: {  	_ =	shalt  }
0x51: {  	_ =	shalt  }
0x52: {  	_ =	shalt  }
0x53: {  	_ =	shalt  }
0x54: {  	_ =	shalt  }
0x55: {  	_ =	shalt  }
0x56: {  	_ =	shalt  }
0x57: {  	_ =	shalt  }
0x58: {  	_ =	shalt  }
0x59: {  	_ =	shalt  }
0x5a: {  	_ =	shalt  }
0x5b: {  	_ =	shalt  }
0x5c: {  	_ =	shalt  }
0x5d: {  	_ =	shalt  }
0x5e: {  	_ =	shalt  }
0x5f: {  	_ =	shalt  }
0x60: {  	_ =	shalt  }
0x61: {  	_ =	shalt  }
0x62: {  	_ =	shalt  }
0x63: {  	_ =	shalt  }
0x64: {  	_ =	shalt  }
0x65: {  	_ =	shalt  }
0x66: {  	_ =	shalt  }
0x67: {  	_ =	shalt  }
0x68: {  	_ =	shalt  }
0x69: {  	_ =	shalt  }
0x6a: {  	_ =	shalt  }
0x6b: {  	_ =	shalt  }
0x6c: {  	_ =	shalt  }
0x6d: {  	_ =	shalt  }
0x6e: {  	_ =	shalt  }
0x6f: {  	_ =	shalt  }
0x70: {  	_ =	shalt  }
0x71: {  	_ =	shalt  }
0x72: {  	_ =	shalt  }
0x73: {  	_ =	shalt  }
0x74: {  	_ =	shalt  }
0x75: {  	_ =	shalt  }
0x76: {  	_ =	shalt  }
0x77: {  	_ =	shalt  }
0x78: {  	_ =	shalt  }
0x79: {  	_ =	shalt  }
0x7a: {  	_ =	shalt  }
0x7b: {  	_ =	shalt  }
0x7c: {  	_ =	shalt  }
0x7d: {  	_ =	shalt  }
0x7e: {  	_ =	shalt  }
0x7f: {  	_ =	shalt  }
0x80: {  	_ =	shalt  }
0x81: {  	_ =	shalt  }
0x82: {  	_ =	shalt  }
0x83: {  	_ =	shalt  }
0x84: {  	_ =	shalt  }
0x85: {  	_ =	shalt  }
0x86: {  	_ =	shalt  }
0x87: {  	_ =	shalt  }
.Lfunc_end0:
.L_simem_size_0:
called_computation_lowered:
.L_overlay_start_0:
0x88: {  	s2 =	sld [smem:$0x3FD9]  }
0x89: {  	s3 =	sld [smem:$0x3FFE];
	_ =	sdelay $0x1  }
0x8a: {  	s1 =	srdreg.scid  }
0x8b: {  	s0 =	sand.u32 $0x1, s1  }
0x8c: {  	s14 =	sshll.u32 s0, $0xA;
	s2 =	sadd.s32 s3, s2  }
0x8d: {  	s2 =	sadd.s32 s2, s14  }
0x8e: {  	[smem:$0x3FBD] =	sst s2  }
0x8f: {  	_ = 	snop  }
0x90: {  	s2 =	sld [smem:$0x3FD0];
	_ =	sdelay $0x2  }
0x91: {  	s4 =	simm.s32 $0xA;
	s5 =	simm.s32 $0x10;
	s15 =	sld [smem:$0x3FC9]  }
0x92: {  	[smem:s5], [sflag:s4] =	dma.local [hbm:s2], $0x1  }
0x93: {  	_ =	swait.eq [sflag:s4], $0x1  }
0x94: {  	[sflag:s4] =	ssyncset.done $0x0  }
0x95: {  	[sflag:s4] =	ssyncadd.s32 $0xFFFFFFFF  }
0x96: {  	s16 =	sld [smem:$0x11];
	(tm) =	ssettm $0x1  }
0x97: {  	s17 =	sld [smem:$0x3FFB];
	_ =	sdelay $0x3  }
0x98: {  	_ =	strace s17  }
0x99: {  	s4 =	sld [smem:$0x3FFC];
	_ =	sdelay $0x3  }
0x9a: {  	_ =	strace s4  }
0x9b: {  	s4 =	sld [smem:$0x3FFD];
	_ =	sdelay $0x3  }
0x9c: {  	_ =	strace s4  }
0x9d: {  	_ =	strace $0x8FFFFFFF  }
0x9e: {  	s18 =	sld [smem:$0x3FDB];
	_ =	sdelay $0x1  }
0x9f: {  	s19 =	simm.s32 $_scs_section_size  }
0xa0: {  	s6 =	simm.s32 $_size__tile_overlayer_lowered;
	s7 =	simm.s32 $_tile_overlayer_lowered  }
0xa1: {  	s22 =	simm.s32 $0x1BFF;
	s21 =	sshll.u32 s7, $0x1;
	s4 =	sadd.s32 s19, s18  }
0xa2: {  	s8 =	simm.s32 $0x0;
	s20 =	sshll.u32 s6, $0x1;
	s6 =	sadd.s32 s21, s4  }
0xa3: {  	[timem:s8], [sflag:s22] =	dma.local [hbm:s6], s20  }
0xa4: {  	_ =	swait.ge [sflag:s22], s20  }
0xa5: {  	s5 =	ssub.s32 $0x0, s20;
	[sflag:s22] =	ssyncset.done $0x0  }
0xa6: {  	[sflag:s22] =	ssyncadd.s32 s5;
	_ =	sdelay $0x1  }
0xa7: {  	s23 =	simm.s32 $0x1B8B  }
0xa8: {  	_ =	swait.ge [sflag:s23], $0x1  }
0xa9: {  	[sflag:s23] =	ssyncset.done $0x0  }
0xaa: {  	s25 =	simm.s32 $0x1B8E;
	s24 =	sld [smem:$0x3FFE];
	[sflag:s23] =	ssyncadd.s32 $0xFFFFFFFF  }
0xab: {  	s26 =	simm.s32 $execute0_lowered;
	[smem:$0x3FD2] =	sst s25  }
0xac: {  	s6 =	sshll.u32 s26, $0x1;
	_ =	strace $0x80000046;
	[dreg:$0x1] =	wrdreg $0xFFFFFFFF  }
0xad: {  	s28 =	simm.s32 $_size_execute0_lowered;
	s4 =	sadd.s32 s4, s6;
	[dreg:$0x0] =	wrdreg $0x0  }
0xae: {  	s6 =	sshll.u32 s28, $0x1;
	[dreg:$0x2] =	wrdreg s4  }
0xaf: {  	[dreg:$0x3] =	wrdreg s6  }
0xb0: {  	[dreg:$0x4] =	wrdreg $0xC0  }
0xb1: {  	_ =	task [dreg:s8], $0x5FFFF  }
0xb2: {  	[dreg:$0x1] =	wrdreg $0xFFFFFFFF  }
0xb3: {  	[dreg:$0x0] =	wrdreg $0x60  }
0xb4: {  	[dreg:$0x2] =	wrdreg s24  }
0xb5: {  	[dreg:$0x3] =	wrdreg s15  }
0xb6: {  	[dreg:$0x4] =	wrdreg s16  }
0xb7: {  	[dreg:$0x5] =	wrdreg $0x0  }
0xb8: {  	[dreg:$0x6] =	wrdreg $0x9  }
0xb9: {  	_ =	task.clear_ibuf [dreg:s8], $0x7FFFF;
	_ =	strace $0x90000046  }
0xba: {  	s29 =	simm.s32 $0x9;
	_ =	strace $0x80000048  }
0xbb: {  	_ =	swait.ge [sflag:s29], $0x1  }
0xbc: {  	[sflag:s29] =	ssyncadd.s32 $0xFFFFFFFF  }
0xbd: {  	_ =	strace $0x90000048  }
0xbe: {  	_ =	sfence  }
0xbf: {  	s30 =	sld [smem:$0x0];
	_ =	sdelay $0x2  }
0xc0: {  	s31 =	sshll.u32 s1, $0xD;
	s1 =	sshrl.u32 s1, $0x2  }
0xc1: {  	s3 =	sand.u32 $0x4000, s31;
	s1 =	sadd.s32 s1, s30  }
0xc2: {  	s0 =	sor.u32 s3, s0;
	s1 =	sshll.u32 s1, $0x11  }
0xc3: {  	s0 =	sor.u32 s1, s0  }
0xc4: {  	s0 =	sadd.s32 $0x8F2B, s0  }
0xc5: {  	[sflag:s0] =	ssyncadd.remote.s32 $0x1  }
0xc6: {  	_ =	sfence.sel $0xFFFF  }
0xc7: {  	[dreg:$0x0] =	wrdreg $0xFFFFFFFF;
	(pc) =	sbr.abs _section_cstart, $3  }
0xc8: {  	[dreg:$0x1] =	wrdreg $0xFFFFFFFF  }
0xc9: {  	_ =	task.clear_ibuf [dreg:s8], $0x2FFFF;
	_ =	strace $0x9FFFFFFF  }
0xca: {  	(tm) =	ssettm $0x7FFFFFFF  }
0xcb: {  	_ =	shalt  }
tec
execute0_lowered:
.L_overlay_start_1:
0x0: {  	(tag) =	ssettag $0x1  }
0x1: {  	s2 =	rddreg [dreg:$0x0]  }
0x2: {  	s1 =	rddreg [dreg:$0x1]  }
0x3: {  	s0 =	srdreg.scid;
	s4 =	rddreg [dreg:$0x3]  }
0x4: {  	s5 =	simm.s32 $0x0;
	s14 =	simm.s32 $0x16100;
	s15 =	simm.s32 $0x3  }
0x5: {  	s18 =	simm.s32 $0x16000;
	s19 =	simm.s32 $0x1;
	s20 =	simm.s32 $0x18900  }
0x6: {  	s21 =	simm.s32 $0x4;
	s22 =	simm.s32 $0x1B100;
	s3 =	sand.u32 $0x1, s0  }
0x7: {  	s23 =	simm.s32 $0x0;
	s0 =	stileid.u32;
	s8 =	smul.u32 $0x27100, s3  }
0x8: {  	[smem:$0x7FF] =	sst s5;
	s7 =	sadd.s32 $0x5E400, s2;
	s6 =	smul.u32 $0x2710, s0  }
0x9: {  	_ =	strace $0x80000047;
	s9 =	smul.u32 $0x7D000, s0;
	s11 =	ssub.s32 $0x2, s3  }
0xa: {  	p0 =	sgt.u32 s0, $0x9;
	s12 =	sshrl.u32 s11, $0x1;
	s6 =	sadd.s32 s6, s8  }
.Ltmp0:
0xb: {  	s9 =	sshrl.u32 s9, $0x2;
	s11 =	ssub.s32 s11, s12;
	(pc) =	sbr.rel .LBB2_1-.Ltmp0, $4  }
0xc: {  	s6 =	sshrl.u32 s6, $0x3;
	s13 =	sadd.s32 s9, s4;
	s11 =	smax.u32 s11, $0x1  }
0xd: {  	s10 =	sadd.s32 s6, s2;
	s6 =	sadd.s32 $0xC200, s2;
	s2 =	sadd.s32 s8, s2  }
0xe: {  	s13 =	sshrl.u32 @!p0 s13, $0x3;
	s9 =	sadd.s32 $0x10200, s2;
	s2 =	sshll.u32 @!p0 s0, $0x6  }
0xf: {  	s8 =	sadd.s32 $0x2400, s10;
	s10 =	smul.u32 $0x138800, s3;
	s12 =	sor.u32 @!p0 $0x1C03, s2  }
.LBB2_9:
0x10: {  	s23 =	sadd.s32 $0x1, s23  }
0x11: {  	p1 =	sne.s32 s23, s11  }
.Ltmp1:
0x12: {  	_ = 	snop;
	(pc) =	sbr.rel @!p1 .LBB2_10-.Ltmp1, $1  }
0x13: {  	_ =	sdelay $0x3  }
.LBB2_1:
0x14: {  	[spmem:s13], [sflag:s12] =	dma.local @!p0 [hbm:s6], $0x3E80  }
0x15: {  	s2 =	simm.s32 @!p0 $0x3  }
0x16: {  	_ =	swait.ge @!p0 [sflag:s2], $0x3E80  }
0x17: {  	[sflag:s2] =	ssyncset.done @!p0 $0x0  }
0x18: {  	[sflag:s2] =	ssyncadd.s32 @!p0 $0xFFFFC180  }
0x19: {  	s2 =	rddreg [dreg:$0x2]  }
0x1a: {  	[tilespmem:s14], [sflag:$0x3] =	stream.linear.gather [hbm4b:s2+s5], $0x2800, $0x38;
	[tilespmem:$0x1D900] =	vst v63  }
0x1b: {  	_ =	swait.ge [sflag:s15], $0x2800  }
0x1c: {  	[sflag:s15] =	ssyncset.done $0x0  }
0x1d: {  	s30 =	simm.s32 $0x13880;
	[sflag:s15] =	ssyncadd.s32 $0xFFFFD800  }
0x1e: {  	[tilespmem:s30], [sflag:$0x3] =	stream.linear.gather [hbm4b:s8+s5], $0x2710, $0x38;
	[tilespmem:$0x1D900] =	vst v63  }
0x1f: {  	_ =	swait.ge [sflag:s15], $0x2710  }
0x20: {  	[sflag:s15] =	ssyncset.done $0x0  }
0x21: {  	[sflag:s15] =	ssyncadd.s32 $0xFFFFD8F0  }
0x22: {  	[bflag:$0x0] =	sbarrier.arrive $0xFFFF  }
0x23: {  	v0 =	vld [tilespmem:$0x13880]  }
0x24: {  	v1 =	vld [tilespmem:$0x13890]  }
0x25: {  	v2 =	vld [tilespmem:$0x138A0]  }
0x26: {  	v3 =	vld [tilespmem:$0x138B0]  }
0x27: {  	v4 =	vld [tilespmem:$0x138C0]  }
0x28: {  	[tilespmem:$0x16000] =	vst v0  }
0x29: {  	[tilespmem:$0x16010] =	vst v1  }
0x2a: {  	[tilespmem:$0x16020] =	vst v2  }
0x2b: {  	[tilespmem:$0x16030] =	vst v3  }
0x2c: {  	s31 =	simm.s32 $0x50;
	s2 =	simm.s32 $0x13910;
	[tilespmem:$0x16040] =	vst v4  }
0x2d: {  	[spmem:s4] =	stream.indirect.scatter.add.f32 [tilespmem:s14], [sflag:$0x1], $0x80, s18, s31, $0xb8;
	[tilespmem:$0x1D900] =	vst v63  }
0x2e: {  	v0 =	vld [tilespmem:s2+$0xFFFFFFC0];
	_ =	sdelay $0x2  }
0x2f: {  	s3 =	sand.u32 $0x1, s5  }
0x30: {  	p1 =	seq.s32 s3, $0x1  }
0x31: {  	[tilespmem:$0x16000] =	vst @p1 v0  }
0x32: {  	v1 =	vld @p1 [tilespmem:s2+$0xFFFFFFD0];
	_ =	sdelay $0x4  }
0x33: {  	[tilespmem:$0x16010] =	vst @p1 v1  }
0x34: {  	v1 =	vld @p1 [tilespmem:s2+$0xFFFFFFE0];
	_ =	sdelay $0x4  }
0x35: {  	[tilespmem:$0x16020] =	vst @p1 v1  }
0x36: {  	v1 =	vld @p1 [tilespmem:s2+$0xFFFFFFF0];
	_ =	sdelay $0x4  }
0x37: {  	[tilespmem:$0x16030] =	vst @p1 v1  }
0x38: {  	v1 =	vld @p1 [tilespmem:s2+$0x0];
	_ =	sdelay $0x4  }
0x39: {  	s3 =	simm.s32 @p1 $0x50;
	s16 =	simm.s32 @p1 $0x16000;
	s24 =	simm.s32 @p1 $0x16100;
	[tilespmem:$0x16040] =	vst @p1 v1  }
0x3a: {  	[spmem:s4] =	stream.indirect.scatter.add.f32 @p1 [tilespmem:s24], [sflag:$0x1], $0x80, s16, s3, $0xb8;
	[tilespmem:$0x1D900] =	vst v63  }
0x3b: {  	[tilespmem:$0x16080] =	vst @!p1 v0  }
0x3c: {  	v0 =	vld @!p1 [tilespmem:s2+$0xFFFFFFD0];
	_ =	sdelay $0x4  }
0x3d: {  	[tilespmem:$0x16090] =	vst @!p1 v0  }
0x3e: {  	v0 =	vld @!p1 [tilespmem:s2+$0xFFFFFFE0];
	_ =	sdelay $0x4  }
0x3f: {  	[tilespmem:$0x160A0] =	vst @!p1 v0  }
0x40: {  	v0 =	vld @!p1 [tilespmem:s2+$0xFFFFFFF0];
	_ =	sdelay $0x4  }
0x41: {  	[tilespmem:$0x160B0] =	vst @!p1 v0  }
0x42: {  	v0 =	vld @!p1 [tilespmem:s2+$0x0];
	_ =	sdelay $0x3  }
0x43: {  	s25 =	simm.s32 @!p1 $0x16100;
	s24 =	simm.s32 @!p1 $0x1  }
0x44: {  	s3 =	simm.s32 @!p1 $0x50;
	s16 =	simm.s32 @!p1 $0x16080;
	s24 =	simm.s32 @p1 $0x2;
	[tilespmem:$0x160C0] =	vst @!p1 v0  }
0x45: {  	[spmem:s4] =	stream.indirect.scatter.add.f32 @!p1 [tilespmem:s25], [sflag:$0x2], $0x80, s16, s3, $0xb8;
	[tilespmem:$0x1D900] =	vst v63  }
0x46: {  	_ =	swait.ge [sflag:s24], $0x2800  }
0x47: {  	s3 =	simm.s32 $0x1;
	[sflag:s24] =	ssyncset.done $0x0  }
.LBB2_2:
0x48: {  	[sflag:s24] =	ssyncadd.s32 $0xFFFFD800  }
0x49: {  	s2 =	sadd.s32 $0x50, s2;
	s16 =	smov.u32 s3;
	s3 =	sadd.s32 $0x1, s3  }
0x4a: {  	v0 =	vld [tilespmem:s2+$0xFFFFFFC0];
	p1 =	sne.s32 s3, $0x7C;
	_ =	sdelay $0x2  }
0x4b: {  	s16 =	sand.u32 $0x1, s16  }
0x4c: {  	p2 =	seq.s32 s16, $0x1  }
0x4d: {  	s24 =	simm.s32 @!p2 $0x1;
	[tilespmem:$0x16000] =	vst @p2 v0  }
0x4e: {  	v1 =	vld @p2 [tilespmem:s2+$0xFFFFFFD0];
	_ =	sdelay $0x4  }
0x4f: {  	[tilespmem:$0x16010] =	vst @p2 v1  }
0x50: {  	v1 =	vld @p2 [tilespmem:s2+$0xFFFFFFE0];
	_ =	sdelay $0x4  }
0x51: {  	[tilespmem:$0x16020] =	vst @p2 v1  }
0x52: {  	v1 =	vld @p2 [tilespmem:s2+$0xFFFFFFF0];
	_ =	sdelay $0x4  }
0x53: {  	[tilespmem:$0x16030] =	vst @p2 v1  }
0x54: {  	v1 =	vld @p2 [tilespmem:s2+$0x0];
	_ =	sdelay $0x4  }
0x55: {  	s16 =	simm.s32 @p2 $0x50;
	s25 =	simm.s32 @p2 $0x16000;
	s26 =	simm.s32 @p2 $0x16100;
	[tilespmem:$0x16040] =	vst @p2 v1  }
0x56: {  	[spmem:s4] =	stream.indirect.scatter.add.f32 @p2 [tilespmem:s26], [sflag:$0x1], $0x80, s25, s16, $0xb8;
	[tilespmem:$0x1D900] =	vst v63  }
0x57: {  	[tilespmem:$0x16080] =	vst @!p2 v0  }
0x58: {  	v0 =	vld @!p2 [tilespmem:s2+$0xFFFFFFD0];
	_ =	sdelay $0x4  }
0x59: {  	[tilespmem:$0x16090] =	vst @!p2 v0  }
0x5a: {  	v0 =	vld @!p2 [tilespmem:s2+$0xFFFFFFE0];
	_ =	sdelay $0x4  }
0x5b: {  	[tilespmem:$0x160A0] =	vst @!p2 v0  }
0x5c: {  	v0 =	vld @!p2 [tilespmem:s2+$0xFFFFFFF0];
	_ =	sdelay $0x4  }
0x5d: {  	[tilespmem:$0x160B0] =	vst @!p2 v0  }
0x5e: {  	v0 =	vld @!p2 [tilespmem:s2+$0x0];
	_ =	sdelay $0x3  }
.Ltmp2:
0x5f: {  	s24 =	simm.s32 @p2 $0x2;
	(pc) =	sbr.rel @p1 .LBB2_2-.Ltmp2, $4  }
0x60: {  	s16 =	simm.s32 @!p2 $0x50;
	s25 =	simm.s32 @!p2 $0x16080;
	s26 =	simm.s32 @!p2 $0x16100;
	[tilespmem:$0x160C0] =	vst @!p2 v0  }
0x61: {  	[spmem:s4] =	stream.indirect.scatter.add.f32 @!p2 [tilespmem:s26], [sflag:$0x2], $0x80, s25, s16, $0xb8;
	[tilespmem:$0x1D900] =	vst v63  }
0x62: {  	_ =	swait.ge [sflag:s24], $0x2800  }
0x63: {  	[sflag:s24] =	ssyncset.done $0x0  }
0x64: {  	[sflag:s24] =	ssyncadd.s32 $0xFFFFD800  }
.Ltmp3:
0x65: {  	_ =	swait.ge [sflag:s19], $0x2800;
	(pc) =	sbr.rel .LBB2_4-.Ltmp3, $4  }
0x66: {  	[sflag:s19] =	ssyncset.done $0x0  }
0x67: {  	[sflag:s19] =	ssyncadd.s32 $0xFFFFD800  }
0x68: {  	[bflag:$0x0] =	sbarrier.arrive $0xFFFF  }
0x69: {  	s24 =	simm.s32 $0x0  }
.LBB2_8:
0x6a: {  	s24 =	sadd.s32 $0x1, s24  }
0x6b: {  	p1 =	sne.s32 s24, $0x8  }
.Ltmp4:
0x6c: {  	_ = 	snop;
	(pc) =	sbr.rel @!p1 .LBB2_9-.Ltmp4, $1  }
0x6d: {  	_ =	sdelay $0x3  }
.LBB2_4:
0x6e: {  	s2 =	sshll.u32 s24, $0x4  }
0x6f: {  	s26 =	sor.u32 s0, s2  }
0x70: {  	p1 =	sgt.u32 s26, $0x7C  }
.Ltmp5:
0x71: {  	_ = 	snop;
	(pc) =	sbr.rel @p1 .LBB2_8-.Ltmp5, $1  }
0x72: {  	_ =	sdelay $0x3  }
0x73: {  	s25 =	smul.u32 $0x2800, s26;
	_ =	sdelay $0x1  }
0x74: {  	s2 =	sshrl.u32 s25, $0x3  }
0x75: {  	s3 =	simm.s32 $0x0;
	s17 =	smul.u32 $0xA000, s26;
	s2 =	sadd.s32 s1, s2  }
0x76: {  	[tilespmem:s20], [sflag:$0x4] =	stream.linear.gather [hbm4b:s2+s3], $0x2800, $0x38;
	[tilespmem:$0x1D900] =	vst v63  }
0x77: {  	_ =	swait.ge [sflag:s21], $0x2800  }
0x78: {  	s2 =	sshra.s32 s17, $0x2;
	[sflag:s21] =	ssyncset.done $0x0  }
0x79: {  	s2 =	sadd.s32 s2, s4;
	[sflag:s21] =	ssyncadd.s32 $0xFFFFD800  }
0x7a: {  	[tilespmem:s22], [sflag:$0x4] =	stream.linear.gather [spmem:s2], $0x2800, $0x38;
	[tilespmem:$0x1D900] =	vst v63  }
0x7b: {  	_ =	swait.ge [sflag:s21], $0x2800  }
0x7c: {  	[sflag:s21] =	ssyncset.done $0x0  }
0x7d: {  	s3 =	simm.s32 $0x0;
	[sflag:s21] =	ssyncadd.s32 $0xFFFFD800  }
0x7e: {  	v1 =	vld [tilespmem:s3+$0x1B100];
	_ =	sdelay $0x4  }
0x7f: {  	v0 =	vmul.f32 $5.000000000e-01, v1;
	v2 =	vshrl.u32 v1, $0x1  }
0x80: {  	s2 =	simm.s32 $0x80;
	v2 =	vsub.s32 $0x5F3759DF, v2  }
0x81: {  	v17 =	vld [tilespmem:s2+$0x1B100];
	v3 =	vmul.f32 v2, v0;
	_ =	sdelay $0x1  }
0x82: {  	v3 =	vmul.f32 v2, v3;
	_ =	sdelay $0x1  }
0x83: {  	v3 =	vsub.f32 $1.500000000e+00, v3  }
0x84: {  	v7 =	vmul.f32 $5.000000000e-01, v17;
	v4 =	vshrl.u32 v17, $0x1  }
0x85: {  	v5 =	vsub.s32 $0x5F3759DF, v4;
	v2 =	vmul.f32 v2, v3  }
0x86: {  	v6 =	vmul.f32 v5, v7  }
0x87: {  	v3 =	vmul.f32 v2, v0  }
0x88: {  	s31 =	simm.s32 $0x100;
	v6 =	vmul.f32 v5, v6  }
0x89: {  	v4 =	vld [tilespmem:s31+$0x1B100];
	v3 =	vmul.f32 v3, v2  }
0x8a: {  	v8 =	vsub.f32 $1.500000000e+00, v6  }
0x8b: {  	v3 =	vsub.f32 $1.500000000e+00, v3  }
0x8c: {  	v11 =	vmul.f32 v5, v8  }
0x8d: {  	v3 =	vmul.f32 v3, v2  }
0x8e: {  	v6 =	vmul.f32 $5.000000000e-01, v4;
	v9 =	vshrl.u32 v4, $0x1;
	v13 =	vmul.f32 v11, v7  }
0x8f: {  	v5 =	vsub.s32 $0x5F3759DF, v9;
	v10 =	vmul.f32 v3, v0  }
0x90: {  	v8 =	vmul.f32 v5, v6;
	v13 =	vmul.f32 v13, v11  }
0x91: {  	s30 =	simm.s32 $0x180;
	v12 =	vld [tilespmem:s3+$0x18960];
	v9 =	vmul.f32 v10, v3  }
0x92: {  	vm0 =	vgt.f32 v1, $0.0e+00;
	v8 =	vmul.f32 v5, v8;
	v1 =	vsub.f32 $1.500000000e+00, v13;
	v2 =	vld [tilespmem:s30+$0x1B100]  }
0x93: {  	v10 =	vld [tilespmem:s3+$0x18970];
	v9 =	vsub.f32 $1.500000000e+00, v9  }
0x94: {  	v14 =	vld [tilespmem:s3+$0x18910];
	v8 =	vsub.f32 $1.500000000e+00, v8;
	v11 =	vmul.f32 v1, v11  }
0x95: {  	v15 =	vld [tilespmem:s3+$0x18920];
	v3 =	vmul.f32 v9, v3  }
0x96: {  	v16 =	vld [tilespmem:s3+$0x18900];
	v18 =	vmul.f32 v5, v8;
	v7 =	vmul.f32 v11, v7  }
0x97: {  	s29 =	simm.s32 $0x280;
	v19 =	vld [tilespmem:s3+$0x18930];
	v5 =	vmul.f32 $5.000000000e-01, v2;
	v8 =	vnsel vm0, $0x0, v3;
	v3 =	vshrl.u32 v2, $0x1  }
0x98: {  	v1 =	vld [tilespmem:s29+$0x1B100];
	v13 =	vmul.f32 v8, v10;
	v20 =	vsub.s32 $0x5F3759DF, v3;
	v3 =	vmul.f32 v18, v6  }
0x99: {  	s28 =	simm.s32 $0x200;
	v9 =	vld [tilespmem:s3+$0x18950];
	v21 =	vmul.f32 v20, v5  }
0x9a: {  	v0 =	vld [tilespmem:s28+$0x1B100];
	v7 =	vmul.f32 v7, v11;
	[tilespmem:s3+$0x18970] =	vst v13;
	v13 =	vmul.f32 v3, v18  }
0x9b: {  	vm0 =	vgt.f32 v17, $0.0e+00;
	v22 =	vmul.f32 v8, v12;
	v21 =	vmul.f32 v20, v21  }
0x9c: {  	v10 =	vld [tilespmem:s3+$0x18940];
	v14 =	vmul.f32 v8, v14;
	v23 =	vmul.f32 v8, v15;
	v63 =	vsub.f32 $1.500000000e+00, v13  }
0x9d: {  	v16 =	vmul.f32 v8, v16;
	v17 =	vmul.f32 v8, v19;
	v12 =	vld [tilespmem:s2+$0x18970];
	[tilespmem:s3+$0x18960] =	vst v22;
	v21 =	vsub.f32 $1.500000000e+00, v21  }
0x9e: {  	v15 =	vmul.f32 v8, v9;
	v13 =	vld [tilespmem:s2+$0x18960];
	[tilespmem:s3+$0x18910] =	vst v14;
	v9 =	vmul.f32 v63, v18;
	v18 =	vsub.f32 $1.500000000e+00, v7  }
0x9f: {  	s16 =	simm.s32 $0xC00;
	v3 =	vmul.f32 $5.000000000e-01, v0;
	v14 =	vld [tilespmem:s2+$0x18910];
	[tilespmem:s3+$0x18920] =	vst v23;
	v7 =	vmul.f32 v20, v21  }
.LBB2_6:
0xa0: {  	s17 =	sshra.s32 s16, $0x2;
	p1 =	sne.s32 s16, $0x9E00;
	s16 =	sadd.s32 $0x200, s16;
	v19 =	vshrl.u32 v0, $0x1;
	v20 =	vmul.f32 v9, v6;
	v24 =	vmul.f32 v18, v11;
	v18 =	vld [tilespmem:s2+$0x18920];
	[tilespmem:s3+$0x18950] =	vst v15;
	v6 =	vmovc v5  }
0xa1: {  	v10 =	vmul.f32 v8, v10;
	v5 =	vmovc v3;
	v19 =	vsub.s32 $0x5F3759DF, v19;
	v15 =	vmul.f32 v7, v6;
	v21 =	vld [tilespmem:s2+$0x18950];
	[tilespmem:s3+$0x18900] =	vst v16  }
0xa2: {  	v23 =	vmovc v2;
	v2 =	vmovc v0;
	v3 =	vmul.f32 $5.000000000e-01, v1;
	v16 =	vmul.f32 v19, v5;
	v8 =	vnsel vm0, $0x0, v24;
	v22 =	vld [tilespmem:s2+$0x18900];
	[tilespmem:s3+$0x18930] =	vst v17  }
0xa3: {  	v11 =	vmovc v9;
	v0 =	vmov v1;
	v15 =	vmul.f32 v15, v7;
	v17 =	vld [tilespmem:s2+$0x18930];
	v12 =	vmul.f32 v8, v12;
	[tilespmem:s3+$0x18940] =	vst v10;
	s3 =	smov.u32 s2;
	s2 =	smov.u32 s31;
	s31 =	smov.u32 s30  }
.Ltmp6:
0xa4: {  	v13 =	vmul.f32 v8, v13;
	s30 =	smov.u32 s28;
	s28 =	smov.u32 s29;
	v9 =	vmul.f32 v19, v16;
	v10 =	vld [tilespmem:s3+$0x18940];
	(pc) =	sbr.rel @p1 .LBB2_6-.Ltmp6, $4  }
0xa5: {  	v20 =	vmul.f32 v20, v11;
	s29 =	smov.u32 s17;
	v14 =	vmul.f32 v8, v14;
	v1 =	vld [tilespmem:s17+$0x1B100];
	v16 =	vsub.f32 $1.500000000e+00, v15;
	[tilespmem:s3+$0x18970] =	vst v12  }
0xa6: {  	v25 =	vmul.f32 v8, v18;
	v24 =	vsub.f32 $1.500000000e+00, v9;
	v12 =	vld [tilespmem:s2+$0x18970];
	v15 =	vmul.f32 v8, v21;
	[tilespmem:s3+$0x18960] =	vst v13  }
0xa7: {  	v18 =	vsub.f32 $1.500000000e+00, v20;
	v9 =	vmul.f32 v16, v7;
	v13 =	vld [tilespmem:s2+$0x18960];
	v16 =	vmul.f32 v8, v22;
	[tilespmem:s3+$0x18910] =	vst v14  }
0xa8: {  	vm0 =	vgt.f32 v4, $0.0e+00;
	v4 =	vmovc v23;
	v7 =	vmul.f32 v19, v24;
	v14 =	vld [tilespmem:s2+$0x18910];
	[tilespmem:s3+$0x18920] =	vst v25;
	v17 =	vmul.f32 v8, v17  }
0xa9: {  	v11 =	vmul.f32 v18, v11  }
0xaa: {  	v19 =	vld [tilespmem:s2+$0x18920];
	[tilespmem:s3+$0x18950] =	vst v15  }
0xab: {  	v8 =	vmul.f32 v8, v10;
	v6 =	vmul.f32 v9, v6;
	v15 =	vld [tilespmem:s2+$0x18950];
	[tilespmem:s3+$0x18900] =	vst v16;
	v57 =	vnsel vm0, $0x0, v11  }
0xac: {  	v62 =	vmul.f32 v7, v5;
	v16 =	vld [tilespmem:s2+$0x18900];
	[tilespmem:s3+$0x18930] =	vst v17;
	v12 =	vmul.f32 v57, v12  }
0xad: {  	v6 =	vmul.f32 v6, v9;
	v58 =	vld [tilespmem:s2+$0x18930];
	[tilespmem:s3+$0x18940] =	vst v8  }
0xae: {  	v21 =	vmul.f32 v62, v7;
	[tilespmem:s2+$0x18970] =	vst v12  }
0xaf: {  	v13 =	vmul.f32 v57, v13;
	v6 =	vsub.f32 $1.500000000e+00, v6;
	v12 =	vld [tilespmem:s31+$0x18970]  }
0xb0: {  	vm12 =	vgt.f32 v4, $0.0e+00;
	v8 =	vld [tilespmem:s2+$0x18940];
	v14 =	vmul.f32 v57, v14;
	v4 =	vsub.f32 $1.500000000e+00, v21  }
0xb1: {  	v59 =	vmul.f32 v57, v19;
	[tilespmem:s2+$0x18960] =	vst v13;
	v6 =	vmul.f32 v6, v9  }
0xb2: {  	v25 =	vshrl.u32 v0, $0x1;
	v15 =	vmul.f32 v57, v15;
	v13 =	vld [tilespmem:s31+$0x18960];
	[tilespmem:s2+$0x18910] =	vst v14;
	v4 =	vmul.f32 v4, v7  }
0xb3: {  	v16 =	vmul.f32 v57, v16;
	v14 =	vld [tilespmem:s31+$0x18910];
	[tilespmem:s2+$0x18920] =	vst v59;
	v11 =	vmul.f32 v57, v58;
	v6 =	vnsel vm12, $0x0, v6  }
0xb4: {  	v17 =	vld [tilespmem:s31+$0x18920];
	[tilespmem:s2+$0x18950] =	vst v15;
	v29 =	vmul.f32 v4, v5;
	v20 =	vmul.f32 v6, v12;
	v12 =	vsub.s32 $0x5F3759DF, v25  }
0xb5: {  	v61 =	vmul.f32 v57, v8;
	v15 =	vld [tilespmem:s31+$0x18950];
	[tilespmem:s2+$0x18900] =	vst v16;
	v28 =	vmul.f32 v12, v3  }
0xb6: {  	v60 =	vld [tilespmem:s31+$0x18900];
	[tilespmem:s2+$0x18930] =	vst v11;
	v5 =	vmul.f32 v29, v4  }
0xb7: {  	v63 =	vld [tilespmem:s31+$0x18930];
	[tilespmem:s2+$0x18940] =	vst v61;
	v23 =	vmul.f32 v6, v13;
	v13 =	vmul.f32 v12, v28  }
0xb8: {  	[tilespmem:s31+$0x18970] =	vst v20  }
0xb9: {  	v5 =	vsub.f32 $1.500000000e+00, v5;
	v11 =	vld [tilespmem:s30+$0x18970];
	v13 =	vsub.f32 $1.500000000e+00, v13  }
0xba: {  	v39 =	vmul.f32 $5.000000000e-01, v1  }
0xbb: {  	v40 =	vshrl.u32 v1, $0x1;
	v4 =	vmul.f32 v5, v4;
	v30 =	vmul.f32 v12, v13  }
0xbc: {  	vm13 =	vgt.f32 v2, $0.0e+00;
	v12 =	vsub.s32 $0x5F3759DF, v40  }
0xbd: {  	v4 =	vnsel vm13, $0x0, v4;
	v43 =	vmul.f32 v12, v39;
	v33 =	vmul.f32 v30, v3  }
0xbe: {  	v24 =	vmul.f32 v6, v14;
	v35 =	vmul.f32 v4, v11  }
0xbf: {  	v22 =	vld [tilespmem:s31+$0x18940];
	v11 =	vmul.f32 v12, v43;
	v36 =	vmul.f32 v33, v30  }
0xc0: {  	[tilespmem:s31+$0x18960] =	vst v23;
	v27 =	vmul.f32 v6, v17  }
0xc1: {  	v26 =	vld [tilespmem:s30+$0x18960];
	[tilespmem:s31+$0x18910] =	vst v24;
	v15 =	vmul.f32 v6, v15;
	v11 =	vsub.f32 $1.500000000e+00, v11;
	v2 =	vsub.f32 $1.500000000e+00, v36  }
0xc2: {  	v16 =	vld [tilespmem:s30+$0x18910];
	[tilespmem:s31+$0x18920] =	vst v27;
	v9 =	vmul.f32 v6, v60  }
0xc3: {  	v14 =	vld [tilespmem:s30+$0x18920];
	[tilespmem:s31+$0x18950] =	vst v15;
	v46 =	vmul.f32 v12, v11;
	v2 =	vmul.f32 v2, v30  }
0xc4: {  	v10 =	vmul.f32 v6, v63;
	v15 =	vld [tilespmem:s30+$0x18950];
	[tilespmem:s31+$0x18900] =	vst v9;
	v32 =	vmul.f32 v6, v22  }
0xc5: {  	v31 =	vld [tilespmem:s30+$0x18900];
	v49 =	vmul.f32 v46, v39;
	v44 =	vmul.f32 v2, v3  }
0xc6: {  	[tilespmem:s31+$0x18930] =	vst v10;
	v7 =	vmul.f32 v4, v26  }
0xc7: {  	v34 =	vld [tilespmem:s30+$0x18930];
	[tilespmem:s31+$0x18940] =	vst v32;
	v52 =	vmul.f32 v49, v46;
	v3 =	vmul.f32 v44, v2  }
0xc8: {  	vm14 =	vgt.f32 v0, $0.0e+00;
	v37 =	vld [tilespmem:s30+$0x18940];
	[tilespmem:s30+$0x18970] =	vst v35;
	v38 =	vmul.f32 v4, v16  }
0xc9: {  	v10 =	vld [tilespmem:s28+$0x18970];
	[tilespmem:s30+$0x18960] =	vst v7;
	v42 =	vmul.f32 v4, v14;
	v0 =	vsub.f32 $1.500000000e+00, v52;
	v3 =	vsub.f32 $1.500000000e+00, v3  }
0xca: {  	v41 =	vld [tilespmem:s28+$0x18960];
	[tilespmem:s30+$0x18910] =	vst v38;
	v15 =	vmul.f32 v4, v15;
	v5 =	vmul.f32 v4, v31  }
0xcb: {  	v45 =	vld [tilespmem:s28+$0x18910];
	[tilespmem:s30+$0x18920] =	vst v42;
	v0 =	vmul.f32 v0, v46;
	v2 =	vmul.f32 v3, v2  }
0xcc: {  	v13 =	vld [tilespmem:s28+$0x18920];
	[tilespmem:s30+$0x18950] =	vst v15;
	v8 =	vmul.f32 v4, v34  }
0xcd: {  	v15 =	vld [tilespmem:s28+$0x18950];
	[tilespmem:s30+$0x18900] =	vst v5;
	v48 =	vmul.f32 v4, v37;
	v7 =	vmul.f32 v0, v39;
	v2 =	vnsel vm14, $0x0, v2  }
0xce: {  	v47 =	vld [tilespmem:s28+$0x18900];
	[tilespmem:s30+$0x18930] =	vst v8;
	v51 =	vmul.f32 v2, v10  }
0xcf: {  	v50 =	vld [tilespmem:s28+$0x18930];
	[tilespmem:s30+$0x18940] =	vst v48;
	v9 =	vmul.f32 v2, v41;
	v7 =	vmul.f32 v7, v0  }
0xd0: {  	v53 =	vld [tilespmem:s28+$0x18940];
	v54 =	vmul.f32 v2, v45;
	[tilespmem:s28+$0x18970] =	vst v51  }
0xd1: {  	v56 =	vmul.f32 v2, v13;
	v7 =	vsub.f32 $1.500000000e+00, v7;
	v8 =	vld [tilespmem:s29+$0x18970];
	[tilespmem:s28+$0x18960] =	vst v9  }
0xd2: {  	v57 =	vmul.f32 v2, v15;
	v55 =	vld [tilespmem:s29+$0x18960];
	[tilespmem:s28+$0x18910] =	vst v54  }
0xd3: {  	v3 =	vmul.f32 v2, v47;
	v0 =	vmul.f32 v7, v0;
	v10 =	vld [tilespmem:s29+$0x18910];
	[tilespmem:s28+$0x18920] =	vst v56  }
0xd4: {  	vm15 =	vgt.f32 v1, $0.0e+00;
	v6 =	vmul.f32 v2, v50;
	v9 =	vld [tilespmem:s29+$0x18920];
	[tilespmem:s28+$0x18950] =	vst v57  }
0xd5: {  	v58 =	vmul.f32 v2, v53;
	v0 =	vnsel vm15, $0x0, v0;
	v11 =	vld [tilespmem:s29+$0x18950];
	[tilespmem:s28+$0x18900] =	vst v3  }
0xd6: {  	v3 =	vld [tilespmem:s29+$0x18900];
	[tilespmem:s28+$0x18930] =	vst v6;
	v60 =	vmul.f32 v0, v8  }
0xd7: {  	v59 =	vld [tilespmem:s29+$0x18930];
	[tilespmem:s28+$0x18940] =	vst v58;
	v5 =	vmul.f32 v0, v55  }
0xd8: {  	v1 =	vld [tilespmem:s29+$0x18940];
	v61 =	vmul.f32 v0, v10;
	[tilespmem:s29+$0x18970] =	vst v60  }
0xd9: {  	v62 =	vmul.f32 v0, v9;
	[tilespmem:s29+$0x18960] =	vst v5  }
0xda: {  	v63 =	vmul.f32 v0, v11;
	[tilespmem:s29+$0x18910] =	vst v61  }
0xdb: {  	v3 =	vmul.f32 v0, v3;
	[tilespmem:s29+$0x18920] =	vst v62  }
0xdc: {  	v2 =	vmul.f32 v0, v59;
	[tilespmem:s29+$0x18950] =	vst v63  }
0xdd: {  	s30 =	smul.u32 $0x500, s26;
	[tilespmem:s29+$0x18900] =	vst v3;
	v0 =	vmul.f32 v0, v1  }
0xde: {  	[tilespmem:s29+$0x18930] =	vst v2  }
0xdf: {  	s2 =	sadd.s32 s9, s30;
	[tilespmem:s29+$0x18940] =	vst v0  }
0xe0: {  	[hbm4b:s2+s5] =	stream.linear.scatter [tilespmem:s20], [sflag:$0x4], $0x2800, $0x38;
	[tilespmem:$0x1D900] =	vst v63  }
0xe1: {  	s31 =	sadd.s32 s10, s25;
	_ =	swait.ge [sflag:s21], $0x2800  }
0xe2: {  	s2 =	sshrl.u32 s31, $0x3;
	[sflag:s21] =	ssyncset.done $0x0  }
.Ltmp7:
0xe3: {  	s2 =	sadd.s32 s7, s2;
	[sflag:s21] =	ssyncadd.s32 $0xFFFFD800;
	(pc) =	sbr.rel .LBB2_8-.Ltmp7, $4  }
0xe4: {  	[hbm4b:s2+s5] =	stream.linear.scatter [tilespmem:s22], [sflag:$0x3], $0x2800, $0x38;
	[tilespmem:$0x1D900] =	vst v63  }
0xe5: {  	_ =	swait.ge [sflag:s15], $0x2800  }
0xe6: {  	[sflag:s15] =	ssyncset.done $0x0  }
0xe7: {  	[sflag:s15] =	ssyncadd.s32 $0xFFFFD800  }
.LBB2_10:
0xe8: {  	_ =	sfence.sel $0x180000  }
0xe9: {  	[bflag:$0x0] =	sbarrier.arrive $0xFFFF  }
0xea: {  	_ =	strace $0x90000047  }
0xeb: {  	[bflag:$0x2] =	sbarrier.arrive $0xFFFF  }
0xec: {  	p0 =	sne.s32 s0, $0x0;
	s0 =	rddreg [dreg:$0x4]  }
0xed: {  	s0 =	sadd.s32 @!p0 $0x100000, s0  }
0xee: {  	[sflag:s0] =	ssyncadd.tile.s32 @!p0 $0x1;
	_ =	shalt  }
.Lfunc_end2:
_tile_overlayer_lowered:
.L_overlay_start_2:
0xef: {  	(tag) =	ssettag $0x2  }
0xf0: {  	s0 =	rddreg [dreg:$0x0];
	s2 =	stileid.u32  }
0xf1: {  	s1 =	rddreg [dreg:$0x1];
	p0 =	sne.s32 s2, $0x0  }
0xf2: {  	s3 =	rddreg [dreg:$0x2];
	[bflag:$0x3] =	sbarrier.arrive $0xFFFF;
	s2 =	simm.s32 @!p0 $0x1C03  }
0xf3: {  	[timem:s3], [sflag:s2] =	dma.local @!p0 [hbm:s0], s1  }
0xf4: {  	s0 =	simm.s32 @!p0 $0x3  }
0xf5: {  	_ =	swait.ge @!p0 [sflag:s0], s1  }
0xf6: {  	s1 =	ssub.s32 @!p0 $0x0, s1;
	[sflag:s0] =	ssyncset.done @!p0 $0x0  }
0xf7: {  	[sflag:s0] =	ssyncadd.s32 @!p0 s1  }
0xf8: {  	[bflag:$0x3] =	sbarrier.arrive $0xFFFF  }
0xf9: {  	_ =	shalt  }

// kernel: kernel.8.cloned.1.call-start
scs
__scs_entry_jumppad:
0x0: {  	(pc) =	sbr.rel $0x88, $3  }
0x1: {  	(tag) =	ssettag $0x0;
	lr =	simm.s32 $0x1  }
0x2: {  	[smem:$0x3F96] =	sst lr;
	_ =	strace $0xD0000000  }
0x3: {  	_ = 	snop  }
0x4: {  	_ = 	snop  }
0x5: {  	_ = 	snop  }
0x6: {  	_ = 	snop  }
0x7: {  	_ = 	snop  }
__scs_overlays_trampoline_lowered:
0x8: {  	[smem:$0x3FA5] =	sst s0  }
0x9: {  	[smem:$0x3FA6] =	sst s1  }
0xa: {  	[smem:$0x3FA7] =	sst s2  }
0xb: {  	[smem:$0x3FA8] =	sst s3  }
0xc: {  	[smem:$0x3FA9] =	sst s4  }
0xd: {  	[smem:$0x3FAA] =	sst s5  }
0xe: {  	[smem:$0x3FAB] =	sst s6  }
0xf: {  	[smem:$0x3FAC] =	sst s7  }
0x10: {  	[smem:$0x3FAD] =	sst s8  }
0x11: {  	[smem:$0x3FAE] =	sst s9;
	s0 =	simm.s32 @!p0 $0x0  }
0x12: {  	s1 =	sld [smem:$0x3F94];
	s0 =	simm.s32 @p0 $0x1  }
0x13: {  	[smem:$0x3FAF] =	sst s0;
	s0 =	simm.s32 @!p1 $0x0  }
0x14: {  	s2 =	sld [smem:$0x3F93];
	s0 =	simm.s32 @p1 $0x1  }
0x15: {  	[smem:$0x3FB0] =	sst s0;
	s0 =	simm.s32 @!p2 $0x0  }
0x16: {  	s3 =	sld [smem:$0x3FDB];
	s0 =	simm.s32 @p2 $0x1  }
0x17: {  	s4 =	simm.s32 $0x1BF5;
	[smem:$0x3FB2] =	sst s0  }
0x18: {  	s0 =	sld [smem:$0x3F95];
	_ =	swait.ge [sflag:s4], $0x0  }
0x19: {  	s7 =	sld [smem:$0x3F96]  }
0x1a: {  	s8 =	sadd.s32 $0xFFFFE003, lr  }
0x1b: {  	s9 =	sadd.s32 $0xFFFFFEF7, lr;
	s5 =	simm.s32 $0xFFFFFFFF;
	p2 =	slt.u32 s8, $0xFFFFF086  }
0x1c: {  	p1 =	slt.u32 s9, $0xF7A;
	s5 =	simm.s32 @!p2 $0x0  }
0x1d: {  	s5 =	simm.s32 @p1 $0x1;
	p0 =	seq.s32 s7, s2  }
0x1e: {  	s7 =	smul.u32 @!p0 $0xF7A, s2;
	p2 =	seq.s32 @!p0 s5, $0x0  }
0x1f: {  	s9 =	smul.u32 $0xF7A, s1;
	s8 =	simm.s32 @!p0 $0x1BF5;
	p2 =	por !p2, p0  }
0x20: {  	[sflag:s8] =	ssyncset.s32 @!p0 $0xFFFFF086;
	s6 =	sadd.s32 @!p0 s3, s7;
	s7 =	simm.s32 @!p0 $0x108  }
0x21: {  	s3 =	sadd.s32 s3, s9;
	s6 =	sadd.s32 @!p0 $0x88, s6;
	s7 =	simm.s32 @p2 $0x1082  }
0x22: {  	[simem:s7], [sflag:s8] =	dma.local @!p0 [hbm:s6], $0xF7A  }
0x23: {  	s9 =	sor.u32 $0xD0000000, s2;
	s6 =	simm.s32 $0x108;
	_ =	swait.ge @!p0 [sflag:s8], $0x0  }
0x24: {  	s3 =	sadd.s32 $0x88, s3;
	s6 =	simm.s32 @!p1 $0x1082;
	[sflag:s4] =	ssyncset.s32 $0xFFFFF086  }
0x25: {  	[simem:s6], [sflag:s4] =	dma.local [hbm:s3], $0xF7A  }
0x26: {  	[smem:$0x3F96] =	sst s1;
	(tag) =	ssettag s2;
	_ =	strace s9  }
0x27: {  	s1 =	sld [smem:$0x3FA6]  }
0x28: {  	s2 =	sld [smem:$0x3FA7]  }
0x29: {  	s4 =	sld [smem:$0x3FA9]  }
0x2a: {  	p0 =	seq.s32 s5, $0x0;
	s5 =	sld [smem:$0x3FAA]  }
0x2b: {  	s6 =	sld [smem:$0x3FAB]  }
0x2c: {  	s7 =	sld [smem:$0x3FAC]  }
0x2d: {  	s3 =	simm.s32 $0x108;
	s8 =	sld [smem:$0x3FAD]  }
0x2e: {  	s3 =	simm.s32 @!p0 $0x1082;
	s9 =	sld [smem:$0x3FAE]  }
0x2f: {  	lr =	sadd.s32 s0, s3;
	s0 =	sld [smem:$0x3FA5]  }
0x30: {  	s3 =	sld [smem:$0x3FA8]  }
0x31: {  	[smem:$0x3FB1] =	sst s10  }
0x32: {  	s10 =	sld [smem:$0x3FAF];
	_ =	sdelay $0x3  }
0x33: {  	p0 =	seq.s32 s10, $0x1;
	s10 =	sld [smem:$0x3FB1];
	_ =	sdelay $0x3  }
0x34: {  	[smem:$0x3FB1] =	sst s10  }
0x35: {  	s10 =	sld [smem:$0x3FB0];
	_ =	sdelay $0x3  }
0x36: {  	p1 =	seq.s32 s10, $0x1;
	s10 =	sld [smem:$0x3FB1];
	_ =	sdelay $0x3  }
0x37: {  	[smem:$0x3FB1] =	sst s10  }
0x38: {  	s10 =	sld [smem:$0x3FB2]  }
0x39: {  	_ = 	snop;
	(pc) =	sbr.ind lr, $3  }
0x3a: {  	_ = 	snop  }
0x3b: {  	_ = 	snop  }
0x3c: {  	p2 =	seq.s32 s10, $0x1;
	s10 =	sld [smem:$0x3FB1]  }
0x3d: {  	_ =	shalt  }
0x3e: {  	_ =	shalt  }
0x3f: {  	_ =	shalt  }
0x40: {  	_ =	shalt  }
0x41: {  	_ =	shalt  }
0x42: {  	_ =	shalt  }
0x43: {  	_ =	shalt  }
0x44: {  	_ =	shalt  }
0x45: {  	_ =	shalt  }
0x46: {  	_ =	shalt  }
0x47: {  	_ =	shalt  }
0x48: {  	_ =	shalt  }
0x49: {  	_ =	shalt  }
0x4a: {  	_ =	shalt  }
0x4b: {  	_ =	shalt  }
0x4c: {  	_ =	shalt  }
0x4d: {  	_ =	shalt  }
0x4e: {  	_ =	shalt  }
0x4f: {  	_ =	shalt  }
0x50: {  	_ =	shalt  }
0x51: {  	_ =	shalt  }
0x52: {  	_ =	shalt  }
0x53: {  	_ =	shalt  }
0x54: {  	_ =	shalt  }
0x55: {  	_ =	shalt  }
0x56: {  	_ =	shalt  }
0x57: {  	_ =	shalt  }
0x58: {  	_ =	shalt  }
0x59: {  	_ =	shalt  }
0x5a: {  	_ =	shalt  }
0x5b: {  	_ =	shalt  }
0x5c: {  	_ =	shalt  }
0x5d: {  	_ =	shalt  }
0x5e: {  	_ =	shalt  }
0x5f: {  	_ =	shalt  }
0x60: {  	_ =	shalt  }
0x61: {  	_ =	shalt  }
0x62: {  	_ =	shalt  }
0x63: {  	_ =	shalt  }
0x64: {  	_ =	shalt  }
0x65: {  	_ =	shalt  }
0x66: {  	_ =	shalt  }
0x67: {  	_ =	shalt  }
0x68: {  	_ =	shalt  }
0x69: {  	_ =	shalt  }
0x6a: {  	_ =	shalt  }
0x6b: {  	_ =	shalt  }
0x6c: {  	_ =	shalt  }
0x6d: {  	_ =	shalt  }
0x6e: {  	_ =	shalt  }
0x6f: {  	_ =	shalt  }
0x70: {  	_ =	shalt  }
0x71: {  	_ =	shalt  }
0x72: {  	_ =	shalt  }
0x73: {  	_ =	shalt  }
0x74: {  	_ =	shalt  }
0x75: {  	_ =	shalt  }
0x76: {  	_ =	shalt  }
0x77: {  	_ =	shalt  }
0x78: {  	_ =	shalt  }
0x79: {  	_ =	shalt  }
0x7a: {  	_ =	shalt  }
0x7b: {  	_ =	shalt  }
0x7c: {  	_ =	shalt  }
0x7d: {  	_ =	shalt  }
0x7e: {  	_ =	shalt  }
0x7f: {  	_ =	shalt  }
0x80: {  	_ =	shalt  }
0x81: {  	_ =	shalt  }
0x82: {  	_ =	shalt  }
0x83: {  	_ =	shalt  }
0x84: {  	_ =	shalt  }
0x85: {  	_ =	shalt  }
0x86: {  	_ =	shalt  }
0x87: {  	_ =	shalt  }
.Lfunc_end0:
.L_simem_size_0:
called_computation.1_lowered:
.L_overlay_start_0:
0x88: {  	s2 =	sld [smem:$0x3FD9]  }
0x89: {  	s3 =	sld [smem:$0x3FFE];
	_ =	sdelay $0x1  }
0x8a: {  	s1 =	srdreg.scid  }
0x8b: {  	s0 =	sand.u32 $0x1, s1  }
0x8c: {  	s14 =	sshll.u32 s0, $0xA;
	s2 =	sadd.s32 s3, s2  }
0x8d: {  	s2 =	sadd.s32 s2, s14  }
0x8e: {  	[smem:$0x3FBD] =	sst s2  }
0x8f: {  	_ = 	snop  }
0x90: {  	s2 =	sld [smem:$0x3FD0];
	_ =	sdelay $0x2  }
0x91: {  	s4 =	simm.s32 $0xA;
	s5 =	simm.s32 $0x10;
	s15 =	sld [smem:$0x3FC6]  }
0x92: {  	[smem:s5], [sflag:s4] =	dma.local [hbm:s2], $0x1  }
0x93: {  	_ =	swait.eq [sflag:s4], $0x1  }
0x94: {  	[sflag:s4] =	ssyncset.done $0x0  }
0x95: {  	[sflag:s4] =	ssyncadd.s32 $0xFFFFFFFF  }
0x96: {  	s16 =	sld [smem:$0x10];
	(tm) =	ssettm $0x1  }
0x97: {  	s17 =	sld [smem:$0x3FFB];
	_ =	sdelay $0x3  }
0x98: {  	_ =	strace s17  }
0x99: {  	s4 =	sld [smem:$0x3FFC];
	_ =	sdelay $0x3  }
0x9a: {  	_ =	strace s4  }
0x9b: {  	s4 =	sld [smem:$0x3FFD];
	_ =	sdelay $0x3  }
0x9c: {  	_ =	strace s4  }
0x9d: {  	_ =	strace $0x8FFFFFFF  }
0x9e: {  	s18 =	sld [smem:$0x3FDB];
	_ =	sdelay $0x1  }
0x9f: {  	s19 =	simm.s32 $_scs_section_size  }
0xa0: {  	s6 =	simm.s32 $_size__tile_overlayer_lowered;
	s7 =	simm.s32 $_tile_overlayer_lowered  }
0xa1: {  	s22 =	simm.s32 $0x1BFF;
	s21 =	sshll.u32 s7, $0x1;
	s4 =	sadd.s32 s19, s18  }
0xa2: {  	s8 =	simm.s32 $0x0;
	s20 =	sshll.u32 s6, $0x1;
	s6 =	sadd.s32 s21, s4  }
0xa3: {  	[timem:s8], [sflag:s22] =	dma.local [hbm:s6], s20  }
0xa4: {  	_ =	swait.ge [sflag:s22], s20  }
0xa5: {  	s5 =	ssub.s32 $0x0, s20;
	[sflag:s22] =	ssyncset.done $0x0  }
0xa6: {  	[sflag:s22] =	ssyncadd.s32 s5;
	_ =	sdelay $0x1  }
0xa7: {  	s23 =	simm.s32 $0x1B8B  }
0xa8: {  	_ =	swait.ge [sflag:s23], $0x1  }
0xa9: {  	[sflag:s23] =	ssyncset.done $0x0  }
0xaa: {  	s25 =	simm.s32 $0x1B8E;
	s24 =	sld [smem:$0x3FFE];
	[sflag:s23] =	ssyncadd.s32 $0xFFFFFFFF  }
0xab: {  	s26 =	simm.s32 $execute0_lowered;
	[smem:$0x3FD2] =	sst s25  }
0xac: {  	s6 =	sshll.u32 s26, $0x1;
	_ =	strace $0x80000049;
	[dreg:$0x1] =	wrdreg $0xFFFFFFFF  }
0xad: {  	s28 =	simm.s32 $_size_execute0_lowered;
	s4 =	sadd.s32 s4, s6;
	[dreg:$0x0] =	wrdreg $0x0  }
0xae: {  	s6 =	sshll.u32 s28, $0x1;
	[dreg:$0x2] =	wrdreg s4  }
0xaf: {  	[dreg:$0x3] =	wrdreg s6  }
0xb0: {  	[dreg:$0x4] =	wrdreg $0xC0  }
0xb1: {  	_ =	task [dreg:s8], $0x5FFFF  }
0xb2: {  	[dreg:$0x1] =	wrdreg $0xFFFFFFFF  }
0xb3: {  	[dreg:$0x0] =	wrdreg $0x60  }
0xb4: {  	[dreg:$0x2] =	wrdreg s16  }
0xb5: {  	[dreg:$0x3] =	wrdreg s24  }
0xb6: {  	[dreg:$0x4] =	wrdreg s15  }
0xb7: {  	[dreg:$0x5] =	wrdreg $0x0  }
0xb8: {  	[dreg:$0x6] =	wrdreg $0x9  }
0xb9: {  	_ =	task.clear_ibuf [dreg:s8], $0x7FFFF;
	_ =	strace $0x90000049  }
0xba: {  	s29 =	simm.s32 $0x9;
	_ =	strace $0x8000004B  }
0xbb: {  	_ =	swait.ge [sflag:s29], $0x1  }
0xbc: {  	[sflag:s29] =	ssyncadd.s32 $0xFFFFFFFF  }
0xbd: {  	_ =	strace $0x9000004B  }
0xbe: {  	_ =	sfence  }
0xbf: {  	s30 =	sld [smem:$0x0];
	_ =	sdelay $0x2  }
0xc0: {  	s31 =	sshll.u32 s1, $0xD;
	s1 =	sshrl.u32 s1, $0x2  }
0xc1: {  	s3 =	sand.u32 $0x4000, s31;
	s1 =	sadd.s32 s1, s30  }
0xc2: {  	s0 =	sor.u32 s3, s0;
	s1 =	sshll.u32 s1, $0x11  }
0xc3: {  	s0 =	sor.u32 s1, s0  }
0xc4: {  	s0 =	sadd.s32 $0x8F2B, s0  }
0xc5: {  	[sflag:s0] =	ssyncadd.remote.s32 $0x1  }
0xc6: {  	_ =	sfence.sel $0xFFFF  }
0xc7: {  	[dreg:$0x0] =	wrdreg $0xFFFFFFFF;
	(pc) =	sbr.abs _section_cstart, $3  }
0xc8: {  	[dreg:$0x1] =	wrdreg $0xFFFFFFFF  }
0xc9: {  	_ =	task.clear_ibuf [dreg:s8], $0x2FFFF;
	_ =	strace $0x9FFFFFFF  }
0xca: {  	(tm) =	ssettm $0x7FFFFFFF  }
0xcb: {  	_ =	shalt  }
tec
execute0_lowered:
.L_overlay_start_1:
0x0: {  	(tag) =	ssettag $0x1  }
0x1: {  	s0 =	rddreg [dreg:$0x0]  }
0x2: {  	s1 =	rddreg [dreg:$0x1]  }
0x3: {  	s3 =	rddreg [dreg:$0x2];
	s2 =	srdreg.scid  }
0x4: {  	s4 =	rddreg [dreg:$0x3];
	s12 =	stileid.u32;
	s7 =	simm.s32 $0x0  }
0x5: {  	s16 =	simm.s32 $0x7;
	s17 =	simm.s32 $0x13980;
	s18 =	simm.s32 $0x50  }
0x6: {  	s19 =	simm.s32 $0x13B80;
	s29 =	simm.s32 $0x13A20;
	s6 =	smul.u32 $0x2710, s12  }
0x7: {  	s30 =	simm.s32 $0x1B380;
	s31 =	simm.s32 $0x13A80;
	s8 =	smul.u32 $0x1F400, s12  }
0x8: {  	s2 =	sand.u32 $0x1, s2;
	[smem:$0x7FF] =	sst s7;
	s9 =	smul.u32 $0x7D000, s12  }
0x9: {  	s13 =	sadd.s32 $0xC200, s1;
	p0 =	sgt.u32 s12, $0x9;
	s5 =	smul.u32 $0x27100, s2  }
0xa: {  	s28 =	simm.s32 $0x1;
	s21 =	smul.u32 $0x138800, s2;
	_ =	strace $0x8000004A  }
0xb: {  	s22 =	ssub.s32 $0x2, s2;
	[dreg:$0x5] =	wrdreg s13;
	s2 =	smul.u32 $0x2710, s2  }
0xc: {  	s10 =	sshrl.u32 s22, $0x1;
	s24 =	sshrl.u32 s9, $0x2;
	s5 =	sadd.s32 s6, s5  }
0xd: {  	s6 =	sadd.s32 $0x10200, s1;
	s7 =	sadd.s32 s8, s21;
	s5 =	smulhi.u32 $0x3333334, s5  }
0xe: {  	s23 =	ssub.s32 s22, s10;
	s14 =	sadd.s32 s24, s4;
	s22 =	simm.s32 $0x2  }
0xf: {  	s24 =	simm.s32 $0x18B80;
	v0 =	vmov s2;
	s2 =	simm.s32 $0x0;
	s11 =	smul.u32 $0xF0, s5  }
0x10: {  	s7 =	sshrl.u32 s7, $0x3;
	s14 =	sshrl.u32 @!p0 s14, $0x3;
	s25 =	smul.u32 $0x1E, s5  }
.Ltmp0:
0x11: {  	s1 =	sadd.s32 s7, s1;
	s26 =	sshrl.u32 s11, $0x3;
	(pc) =	sbr.rel .LBB2_1-.Ltmp0, $4  }
0x12: {  	s8 =	sadd.s32 s0, s25;
	s11 =	sadd.s32 $0xAC600, s1;
	s1 =	sshll.u32 @!p0 s12, $0x6  }
0x13: {  	s12 =	smax.u32 s23, $0x1;
	s23 =	simm.s32 $0x13B00;
	s25 =	simm.s32 $0x6  }
0x14: {  	s10 =	sadd.s32 s0, s26;
	s13 =	sor.u32 @!p0 $0x1C07, s1;
	s26 =	simm.s32 $0x5  }
0x15: {  	s1 =	simm.s32 $0x4;
	s9 =	sadd.s32 $0x1E, s10;
	s10 =	sadd.s32 $0x2, s5  }
.LBB2_14:
0x16: {  	_ =	swait.ge [sflag:s25], $0x2800  }
0x17: {  	[sflag:s25] =	ssyncset.done $0x0  }
0x18: {  	[sflag:s25] =	ssyncadd.s32 $0xFFFFD800  }
0x19: {  	_ =	swait.ge [sflag:s26], $0x2800  }
0x1a: {  	s2 =	sadd.s32 $0x1, s2;
	[sflag:s26] =	ssyncset.done $0x0  }
0x1b: {  	p1 =	sne.s32 s2, s12;
	[sflag:s26] =	ssyncadd.s32 $0xFFFFD800  }
.Ltmp1:
0x1c: {  	s5 =	simm.s32 @!p0 $0x7;
	[bflag:$0x0] =	sbarrier.arrive $0xFFFF;
	(pc) =	sbr.rel @!p1 .LBB2_15-.Ltmp1, $4  }
0x1d: {  	[hbm:s11], [sflag:s13] =	dma.local @!p0 [spmem:s14], $0x3E80  }
0x1e: {  	_ =	swait.ge @!p0 [sflag:s5], $0x3E80  }
0x1f: {  	[sflag:s5] =	ssyncset.done @!p0 $0x0  }
0x20: {  	[sflag:s5] =	ssyncadd.s32 @!p0 $0xFFFFC180  }
.LBB2_1:
0x21: {  	s5 =	rddreg [dreg:$0x5]  }
0x22: {  	[spmem:s14], [sflag:s13] =	dma.local @!p0 [hbm:s5], $0x3E80  }
0x23: {  	s5 =	simm.s32 @!p0 $0x7  }
0x24: {  	_ =	swait.ge @!p0 [sflag:s5], $0x3E80  }
0x25: {  	[sflag:s5] =	ssyncset.done @!p0 $0x0  }
0x26: {  	s15 =	simm.s32 $0x0;
	s7 =	simm.s32 $0x13880;
	[sflag:s5] =	ssyncadd.s32 @!p0 $0xFFFFC180  }
0x27: {  	[tilespmem:s7], [sflag:$0x7] =	stream.linear.gather [hbm4b:s8+s15], $0xF0, $0x38;
	[tilespmem:$0x1DB80] =	vst v63  }
0x28: {  	_ =	swait.ge [sflag:s16], $0xF0  }
0x29: {  	[sflag:s16] =	ssyncset.done $0x0  }
0x2a: {  	[sflag:s16] =	ssyncadd.s32 $0xFFFFFF10  }
0x2b: {  	v1 =	vld [tilespmem:$0x13880]  }
0x2c: {  	v2 =	vld [tilespmem:$0x138D0]  }
0x2d: {  	v3 =	vld [tilespmem:$0x13890]  }
0x2e: {  	v4 =	vld [tilespmem:$0x138E0];
	_ =	sdelay $0x1  }
0x2f: {  	v5 =	vld [tilespmem:$0x138A0]  }
0x30: {  	v6 =	vld [tilespmem:$0x138F0]  }
0x31: {  	v58 =	vld [tilespmem:$0x13910];
	[tilespmem:$0x13A80] =	vst v2  }
0x32: {  	v1 =	vadd.s32 v0, v1;
	v2 =	vadd.s32 v0, v3;
	v3 =	vld [tilespmem:$0x13900];
	[tilespmem:$0x13A90] =	vst v4  }
0x33: {  	[tilespmem:$0x13880] =	vst v1;
	v1 =	vld [tilespmem:$0x138B0]  }
0x34: {  	[tilespmem:$0x13890] =	vst v2;
	v2 =	vld [tilespmem:$0x138C0]  }
0x35: {  	[tilespmem:$0x13AA0] =	vst v6  }
0x36: {  	v57 =	vadd.s32 v0, v5;
	[tilespmem:$0x13AC0] =	vst v58  }
0x37: {  	[tilespmem:$0x138A0] =	vst v57  }
0x38: {  	[tilespmem:$0x13AB0] =	vst v3;
	v1 =	vadd.s32 v0, v1  }
0x39: {  	[tilespmem:$0x138B0] =	vst v1;
	v1 =	vadd.s32 v0, v2  }
0x3a: {  	[tilespmem:$0x138C0] =	vst v1  }
0x3b: {  	[tilespmem:s17], [sflag:$0x7] =	stream.linear.gather [hbm4b:s9+s15], $0xF0, $0x38;
	[tilespmem:$0x1DB80] =	vst v63  }
0x3c: {  	_ =	swait.ge [sflag:s16], $0xF0  }
0x3d: {  	[sflag:s16] =	ssyncset.done $0x0  }
0x3e: {  	[sflag:s16] =	ssyncadd.s32 $0xFFFFFF10  }
0x3f: {  	v1 =	vld [tilespmem:$0x13980]  }
0x40: {  	v2 =	vld [tilespmem:$0x139D0]  }
0x41: {  	v3 =	vld [tilespmem:$0x13990]  }
0x42: {  	v59 =	vld [tilespmem:$0x139E0];
	_ =	sdelay $0x1  }
0x43: {  	v60 =	vld [tilespmem:$0x139A0]  }
0x44: {  	v61 =	vld [tilespmem:$0x139F0]  }
0x45: {  	v63 =	vld [tilespmem:$0x13A10];
	[tilespmem:$0x13B00] =	vst v2  }
0x46: {  	v1 =	vadd.s32 v0, v1;
	v2 =	vadd.s32 v0, v3;
	v3 =	vld [tilespmem:$0x13A00];
	[tilespmem:$0x13B10] =	vst v59  }
0x47: {  	[tilespmem:$0x13980] =	vst v1;
	v1 =	vld [tilespmem:$0x139B0]  }
0x48: {  	[tilespmem:$0x13990] =	vst v2;
	v2 =	vld [tilespmem:$0x139C0]  }
0x49: {  	[tilespmem:$0x13B20] =	vst v61  }
0x4a: {  	v62 =	vadd.s32 v0, v60;
	[tilespmem:$0x13B40] =	vst v63  }
0x4b: {  	[tilespmem:$0x139A0] =	vst v62  }
0x4c: {  	[tilespmem:$0x13B30] =	vst v3;
	v1 =	vadd.s32 v0, v1  }
0x4d: {  	[tilespmem:$0x139B0] =	vst v1;
	v1 =	vadd.s32 v0, v2  }
0x4e: {  	[tilespmem:$0x139C0] =	vst v1  }
.Ltmp2:
0x4f: {  	[bflag:$0x0] =	sbarrier.arrive $0xFFFF;
	(pc) =	sbr.rel .LBB2_2-.Ltmp2, $4  }
0x50: {  	[tilespmem:s19], [sflag:$0x1] =	stream.indirect.gather [hbm4b:s6+s18], $0x80, s7, s18, $0xb8;
	[tilespmem:$0x1DB80] =	vst v63  }
0x51: {  	s20 =	simm.s32 $0x13920;
	s21 =	simm.s32 $0x16380  }
0x52: {  	[tilespmem:s21], [sflag:$0x1] =	stream.indirect.gather [hbm4b:s3+s18], $0x80, s20, s18, $0xb8;
	[tilespmem:$0x1DB80] =	vst v63  }
0x53: {  	s20 =	simm.s32 $0x0  }
.LBB2_13:
0x54: {  	s20 =	sadd.s32 $0x1, s20  }
0x55: {  	p1 =	sne.s32 s20, $0x7D  }
.Ltmp3:
0x56: {  	_ = 	snop;
	(pc) =	sbr.rel @!p1 .LBB2_14-.Ltmp3, $1  }
0x57: {  	_ =	sdelay $0x3  }
.LBB2_2:
0x58: {  	s21 =	sand.u32 $0x1, s20  }
0x59: {  	p1 =	seq.s32 s21, $0x1  }
.Ltmp4:
0x5a: {  	_ = 	snop;
	(pc) =	sbr.rel @p1 .LBB2_10-.Ltmp4, $1  }
0x5b: {  	_ =	sdelay $0x3  }
0x5c: {  	_ =	swait.ge [sflag:s28], $0x2800;
	p1 =	seq.s32 s20, $0x0  }
.Ltmp5:
0x5d: {  	[sflag:s28] =	ssyncset.done $0x0;
	(pc) =	sbr.rel @p1 .LBB2_6-.Ltmp5, $4  }
0x5e: {  	[sflag:s28] =	ssyncadd.s32 $0xFFFFD800  }
0x5f: {  	_ =	swait.ge [sflag:s28], $0x2800  }
0x60: {  	[sflag:s28] =	ssyncset.done $0x0  }
0x61: {  	[sflag:s28] =	ssyncadd.s32 $0xFFFFD800  }
0x62: {  	p1 =	seq.s32 s20, $0x7C  }
.Ltmp6:
0x63: {  	_ = 	snop;
	(pc) =	sbr.rel @p1 .LBB2_7-.Ltmp6, $1  }
0x64: {  	_ =	sdelay $0x3  }
0x65: {  	_ =	swait.ge [sflag:s25], $0x2800  }
0x66: {  	[sflag:s25] =	ssyncset.done $0x0  }
0x67: {  	[sflag:s25] =	ssyncadd.s32 $0xFFFFD800  }
0x68: {  	_ =	swait.ge [sflag:s1], $0xF0  }
0x69: {  	[sflag:s1] =	ssyncset.done $0x0  }
0x6a: {  	[sflag:s1] =	ssyncadd.s32 $0xFFFFFF10  }
0x6b: {  	v1 =	vld [tilespmem:$0x13980]  }
0x6c: {  	v2 =	vld [tilespmem:$0x139D0]  }
0x6d: {  	v3 =	vld [tilespmem:$0x13990]  }
0x6e: {  	v4 =	vld [tilespmem:$0x139E0];
	_ =	sdelay $0x1  }
0x6f: {  	v5 =	vld [tilespmem:$0x139A0]  }
0x70: {  	v6 =	vld [tilespmem:$0x139F0]  }
0x71: {  	v63 =	vld [tilespmem:$0x13A10];
	[tilespmem:$0x13B00] =	vst v2  }
0x72: {  	v1 =	vadd.s32 v0, v1;
	v2 =	vadd.s32 v0, v3;
	v3 =	vld [tilespmem:$0x13A00];
	[tilespmem:$0x13B10] =	vst v4  }
0x73: {  	[tilespmem:$0x13980] =	vst v1;
	v1 =	vld [tilespmem:$0x139B0]  }
0x74: {  	[tilespmem:$0x13990] =	vst v2;
	v2 =	vld [tilespmem:$0x139C0]  }
0x75: {  	[tilespmem:$0x13B20] =	vst v6  }
0x76: {  	v62 =	vadd.s32 v0, v5;
	[tilespmem:$0x13B40] =	vst v63  }
0x77: {  	[tilespmem:$0x139A0] =	vst v62  }
0x78: {  	[tilespmem:$0x13B30] =	vst v3;
	v1 =	vadd.s32 v0, v1  }
0x79: {  	[tilespmem:$0x139B0] =	vst v1;
	v1 =	vadd.s32 v0, v2  }
0x7a: {  	[tilespmem:$0x139C0] =	vst v1  }
.LBB2_6:
0x7b: {  	[tilespmem:s24], [sflag:$0x2] =	stream.indirect.gather [hbm4b:s6+s18], $0x80, s17, s18, $0xb8;
	[tilespmem:$0x1DB80] =	vst v63  }
0x7c: {  	_ = 	snop  }
0x7d: {  	[tilespmem:s30], [sflag:$0x2] =	stream.indirect.gather [hbm4b:s3+s18], $0x80, s29, s18, $0xb8;
	[tilespmem:$0x1DB80] =	vst v63  }
.LBB2_7:
0x7e: {  	s5 =	simm.s32 $0x0  }
0x7f: {  	v7 =	vld [tilespmem:s5+$0x16380]  }
0x80: {  	v8 =	vld [tilespmem:s5+$0x16390]  }
0x81: {  	v9 =	vld [tilespmem:s5+$0x163A0]  }
0x82: {  	v10 =	vld [tilespmem:s5+$0x163B0]  }
0x83: {  	v11 =	vld [tilespmem:s5+$0x163C0]  }
0x84: {  	v12 =	vld [tilespmem:s5+$0x163D0]  }
0x85: {  	v13 =	vld [tilespmem:s5+$0x163E0]  }
0x86: {  	v14 =	vld [tilespmem:s5+$0x163F0]  }
0x87: {  	v15 =	vld [tilespmem:s5+$0x16400]  }
0x88: {  	v16 =	vld [tilespmem:s5+$0x16410]  }
0x89: {  	v17 =	vld [tilespmem:s5+$0x16420]  }
0x8a: {  	v18 =	vld [tilespmem:s5+$0x16430]  }
0x8b: {  	v19 =	vld [tilespmem:s5+$0x16440]  }
0x8c: {  	v20 =	vld [tilespmem:s5+$0x16450]  }
0x8d: {  	v21 =	vld [tilespmem:s5+$0x16460]  }
0x8e: {  	v22 =	vld [tilespmem:s5+$0x16470]  }
0x8f: {  	v23 =	vld [tilespmem:s5+$0x16480]  }
0x90: {  	v24 =	vld [tilespmem:s5+$0x16490]  }
0x91: {  	v25 =	vld [tilespmem:s5+$0x164A0]  }
0x92: {  	v26 =	vld [tilespmem:s5+$0x164B0]  }
0x93: {  	v27 =	vld [tilespmem:s5+$0x164C0]  }
0x94: {  	v28 =	vld [tilespmem:s5+$0x164D0]  }
0x95: {  	v29 =	vld [tilespmem:s5+$0x164E0]  }
0x96: {  	v30 =	vld [tilespmem:s5+$0x164F0]  }
0x97: {  	v31 =	vld [tilespmem:s5+$0x16500]  }
0x98: {  	v32 =	vld [tilespmem:s5+$0x16510]  }
0x99: {  	v6 =	vld [tilespmem:s5+$0x16520]  }
0x9a: {  	v5 =	vld [tilespmem:s5+$0x16530]  }
0x9b: {  	v4 =	vld [tilespmem:s5+$0x16540]  }
0x9c: {  	v3 =	vld [tilespmem:s5+$0x16550]  }
0x9d: {  	v2 =	vld [tilespmem:s5+$0x16560]  }
0x9e: {  	v33 =	vld [tilespmem:s5+$0x13B80]  }
0x9f: {  	v34 =	vld [tilespmem:s5+$0x13B90]  }
0xa0: {  	v35 =	vld [tilespmem:s5+$0x13BA0]  }
0xa1: {  	v36 =	vld [tilespmem:s5+$0x13BB0]  }
0xa2: {  	v37 =	vld [tilespmem:s5+$0x13BC0]  }
0xa3: {  	v63 =	vld [tilespmem:s5+$0x13BD0];
	v7 =	vmul.f32 v7, v33  }
0xa4: {  	v38 =	vld [tilespmem:s5+$0x13BE0];
	v8 =	vmul.f32 v8, v34  }
0xa5: {  	v9 =	vmul.f32 v9, v35;
	[tilespmem:s5+$0x13B80] =	vst v7;
	v7 =	vld [tilespmem:s5+$0x13BF0]  }
0xa6: {  	v10 =	vmul.f32 v10, v36;
	[tilespmem:s5+$0x13B90] =	vst v8;
	v8 =	vld [tilespmem:s5+$0x13C00]  }
0xa7: {  	v11 =	vmul.f32 v11, v37;
	[tilespmem:s5+$0x13BA0] =	vst v9;
	v9 =	vld [tilespmem:s5+$0x13C10]  }
0xa8: {  	v12 =	vmul.f32 v12, v63;
	[tilespmem:s5+$0x13BB0] =	vst v10;
	v10 =	vld [tilespmem:s5+$0x13C20]  }
0xa9: {  	v13 =	vmul.f32 v13, v38;
	[tilespmem:s5+$0x13BC0] =	vst v11;
	v11 =	vld [tilespmem:s5+$0x13C30]  }
0xaa: {  	[tilespmem:s5+$0x13BD0] =	vst v12;
	v12 =	vld [tilespmem:s5+$0x13C40];
	v7 =	vmul.f32 v14, v7  }
0xab: {  	[tilespmem:s5+$0x13BE0] =	vst v13;
	v13 =	vld [tilespmem:s5+$0x13C50];
	v8 =	vmul.f32 v15, v8  }
0xac: {  	v9 =	vmul.f32 v16, v9;
	[tilespmem:s5+$0x13BF0] =	vst v7;
	v7 =	vld [tilespmem:s5+$0x13C60]  }
0xad: {  	v10 =	vmul.f32 v17, v10;
	[tilespmem:s5+$0x13C00] =	vst v8;
	v8 =	vld [tilespmem:s5+$0x13C70]  }
0xae: {  	v11 =	vmul.f32 v18, v11;
	[tilespmem:s5+$0x13C10] =	vst v9;
	v9 =	vld [tilespmem:s5+$0x13C80]  }
0xaf: {  	v12 =	vmul.f32 v19, v12;
	[tilespmem:s5+$0x13C20] =	vst v10;
	v10 =	vld [tilespmem:s5+$0x13C90]  }
0xb0: {  	v13 =	vmul.f32 v20, v13;
	[tilespmem:s5+$0x13C30] =	vst v11;
	v11 =	vld [tilespmem:s5+$0x13CA0]  }
0xb1: {  	[tilespmem:s5+$0x13C40] =	vst v12;
	v12 =	vld [tilespmem:s5+$0x13CB0];
	v7 =	vmul.f32 v21, v7  }
0xb2: {  	[tilespmem:s5+$0x13C50] =	vst v13;
	v13 =	vld [tilespmem:s5+$0x13CC0]  }
0xb3: {  	v8 =	vmul.f32 v22, v8;
	[tilespmem:s5+$0x13C60] =	vst v7;
	v7 =	vld [tilespmem:s5+$0x13CD0]  }
0xb4: {  	v1 =	vld [tilespmem:s5+$0x16570];
	v9 =	vmul.f32 v23, v9  }
0xb5: {  	[tilespmem:s5+$0x13C70] =	vst v8;
	v8 =	vmul.f32 v24, v10;
	v10 =	vld [tilespmem:s5+$0x13CF0]  }
0xb6: {  	v14 =	vld [tilespmem:s5+$0x13CE0];
	[tilespmem:s5+$0x13C80] =	vst v9;
	v9 =	vmul.f32 v25, v11  }
0xb7: {  	v11 =	vld [tilespmem:s5+$0x13D00];
	[tilespmem:s5+$0x13C90] =	vst v8;
	v8 =	vmul.f32 v26, v12  }
0xb8: {  	[tilespmem:s5+$0x13CA0] =	vst v9;
	v12 =	vld [tilespmem:s5+$0x13D10];
	v9 =	vmul.f32 v27, v13;
	v13 =	vmul.f32 v28, v7  }
0xb9: {  	[tilespmem:s5+$0x13CB0] =	vst v8;
	v8 =	vld [tilespmem:s5+$0x13D20]  }
0xba: {  	v7 =	vld [tilespmem:s5+$0x13D30];
	[tilespmem:s5+$0x13CD0] =	vst v13;
	v13 =	vmul.f32 v30, v10  }
0xbb: {  	v14 =	vmul.f32 v29, v14;
	[tilespmem:s5+$0x13CC0] =	vst v9;
	v9 =	vld [tilespmem:s5+$0x13D40]  }
0xbc: {  	v10 =	vld [tilespmem:s5+$0x13D50];
	[tilespmem:s5+$0x13CF0] =	vst v13;
	v13 =	vmul.f32 v31, v11  }
0xbd: {  	s7 =	simm.s32 $0x800;
	[tilespmem:s5+$0x13CE0] =	vst v14;
	v12 =	vmul.f32 v32, v12;
	v11 =	vld [tilespmem:s5+$0x13D60]  }
.LBB2_8:
0xbe: {  	s15 =	sshra.s32 s7, $0x2;
	p1 =	sne.s32 s7, $0x9800;
	[tilespmem:s5+$0x13D00] =	vst v13;
	v6 =	vmul.f32 v6, v8;
	v8 =	vld [tilespmem:s5+$0x13D70]  }
0xbf: {  	v13 =	vld [tilespmem:s15+$0x16380];
	[tilespmem:s5+$0x13D10] =	vst v12;
	v5 =	vmul.f32 v5, v7  }
0xc0: {  	v7 =	vld [tilespmem:s15+$0x16390];
	[tilespmem:s5+$0x13D20] =	vst v6;
	v4 =	vmul.f32 v4, v9  }
0xc1: {  	v9 =	vld [tilespmem:s15+$0x163A0];
	[tilespmem:s5+$0x13D30] =	vst v5;
	v3 =	vmul.f32 v3, v10  }
0xc2: {  	v10 =	vld [tilespmem:s15+$0x163B0];
	[tilespmem:s5+$0x13D40] =	vst v4;
	v2 =	vmul.f32 v2, v11  }
0xc3: {  	v11 =	vld [tilespmem:s15+$0x163C0];
	[tilespmem:s5+$0x13D50] =	vst v3;
	v1 =	vmul.f32 v1, v8  }
0xc4: {  	v8 =	vld [tilespmem:s15+$0x163D0];
	[tilespmem:s5+$0x13D60] =	vst v2  }
0xc5: {  	v12 =	vld [tilespmem:s15+$0x163E0];
	[tilespmem:s5+$0x13D70] =	vst v1;
	s5 =	smov.u32 s15  }
0xc6: {  	v14 =	vld [tilespmem:s5+$0x163F0]  }
0xc7: {  	v15 =	vld [tilespmem:s5+$0x16400]  }
0xc8: {  	v16 =	vld [tilespmem:s5+$0x16410]  }
0xc9: {  	v17 =	vld [tilespmem:s5+$0x16420]  }
0xca: {  	v18 =	vld [tilespmem:s5+$0x16430]  }
0xcb: {  	v19 =	vld [tilespmem:s5+$0x16440]  }
0xcc: {  	v20 =	vld [tilespmem:s5+$0x16450]  }
0xcd: {  	v21 =	vld [tilespmem:s5+$0x16460]  }
0xce: {  	v22 =	vld [tilespmem:s5+$0x16470]  }
0xcf: {  	v23 =	vld [tilespmem:s5+$0x16480]  }
0xd0: {  	v24 =	vld [tilespmem:s5+$0x16490]  }
0xd1: {  	v25 =	vld [tilespmem:s5+$0x164A0]  }
0xd2: {  	v26 =	vld [tilespmem:s5+$0x164B0]  }
0xd3: {  	v27 =	vld [tilespmem:s5+$0x164C0]  }
0xd4: {  	v28 =	vld [tilespmem:s5+$0x164D0]  }
0xd5: {  	v29 =	vld [tilespmem:s5+$0x164E0]  }
0xd6: {  	v30 =	vld [tilespmem:s5+$0x164F0]  }
0xd7: {  	v31 =	vld [tilespmem:s5+$0x16500]  }
0xd8: {  	v32 =	vld [tilespmem:s5+$0x16510]  }
0xd9: {  	v6 =	vld [tilespmem:s5+$0x16520]  }
0xda: {  	v5 =	vld [tilespmem:s5+$0x16530]  }
0xdb: {  	v4 =	vld [tilespmem:s5+$0x16540]  }
0xdc: {  	v3 =	vld [tilespmem:s5+$0x16550]  }
0xdd: {  	v2 =	vld [tilespmem:s5+$0x16560]  }
0xde: {  	v1 =	vld [tilespmem:s5+$0x16570]  }
0xdf: {  	v33 =	vld [tilespmem:s5+$0x13B80]  }
0xe0: {  	v34 =	vld [tilespmem:s5+$0x13B90]  }
0xe1: {  	v35 =	vld [tilespmem:s5+$0x13BA0]  }
0xe2: {  	v36 =	vld [tilespmem:s5+$0x13BB0]  }
0xe3: {  	v37 =	vld [tilespmem:s5+$0x13BC0]  }
0xe4: {  	v13 =	vmul.f32 v13, v33;
	v33 =	vld [tilespmem:s5+$0x13BD0]  }
0xe5: {  	v7 =	vmul.f32 v7, v34;
	v34 =	vld [tilespmem:s5+$0x13BE0]  }
0xe6: {  	[tilespmem:s5+$0x13B80] =	vst v13;
	v9 =	vmul.f32 v9, v35;
	v13 =	vld [tilespmem:s5+$0x13BF0]  }
0xe7: {  	[tilespmem:s5+$0x13B90] =	vst v7;
	v7 =	vmul.f32 v10, v36;
	v10 =	vld [tilespmem:s5+$0x13C00]  }
0xe8: {  	[tilespmem:s5+$0x13BA0] =	vst v9;
	v9 =	vmul.f32 v11, v37;
	v11 =	vld [tilespmem:s5+$0x13C10]  }
0xe9: {  	[tilespmem:s5+$0x13BB0] =	vst v7;
	v7 =	vmul.f32 v8, v33;
	v8 =	vld [tilespmem:s5+$0x13C20]  }
0xea: {  	[tilespmem:s5+$0x13BC0] =	vst v9;
	v9 =	vmul.f32 v12, v34;
	v12 =	vld [tilespmem:s5+$0x13C30]  }
0xeb: {  	[tilespmem:s5+$0x13BD0] =	vst v7;
	v7 =	vmul.f32 v14, v13;
	v13 =	vld [tilespmem:s5+$0x13C40]  }
0xec: {  	[tilespmem:s5+$0x13BE0] =	vst v9;
	v9 =	vmul.f32 v15, v10;
	v10 =	vld [tilespmem:s5+$0x13C50]  }
0xed: {  	[tilespmem:s5+$0x13BF0] =	vst v7;
	v7 =	vmul.f32 v16, v11;
	v11 =	vld [tilespmem:s5+$0x13C60]  }
0xee: {  	[tilespmem:s5+$0x13C00] =	vst v9;
	v8 =	vmul.f32 v17, v8;
	v9 =	vld [tilespmem:s5+$0x13C70]  }
0xef: {  	[tilespmem:s5+$0x13C10] =	vst v7;
	v7 =	vmul.f32 v18, v12;
	v12 =	vld [tilespmem:s5+$0x13C80]  }
0xf0: {  	[tilespmem:s5+$0x13C20] =	vst v8;
	v8 =	vmul.f32 v19, v13;
	v13 =	vld [tilespmem:s5+$0x13C90]  }
0xf1: {  	[tilespmem:s5+$0x13C30] =	vst v7;
	v7 =	vmul.f32 v20, v10;
	v10 =	vld [tilespmem:s5+$0x13CA0]  }
0xf2: {  	[tilespmem:s5+$0x13C40] =	vst v8;
	v8 =	vmul.f32 v21, v11;
	v11 =	vld [tilespmem:s5+$0x13CB0]  }
0xf3: {  	[tilespmem:s5+$0x13C50] =	vst v7;
	v7 =	vmul.f32 v22, v9;
	v9 =	vld [tilespmem:s5+$0x13CC0]  }
0xf4: {  	[tilespmem:s5+$0x13C60] =	vst v8;
	v8 =	vmul.f32 v23, v12;
	v12 =	vld [tilespmem:s5+$0x13CD0]  }
0xf5: {  	[tilespmem:s5+$0x13C70] =	vst v7;
	v7 =	vmul.f32 v24, v13;
	v13 =	vld [tilespmem:s5+$0x13CE0]  }
0xf6: {  	[tilespmem:s5+$0x13C80] =	vst v8;
	v8 =	vmul.f32 v25, v10;
	v10 =	vld [tilespmem:s5+$0x13CF0]  }
0xf7: {  	[tilespmem:s5+$0x13C90] =	vst v7;
	v7 =	vmul.f32 v26, v11;
	v11 =	vld [tilespmem:s5+$0x13D00]  }
0xf8: {  	[tilespmem:s5+$0x13CA0] =	vst v8;
	v9 =	vmul.f32 v27, v9;
	v14 =	vld [tilespmem:s5+$0x13D10]  }
.Ltmp7:
0xf9: {  	[tilespmem:s5+$0x13CB0] =	vst v7;
	v12 =	vmul.f32 v28, v12;
	v8 =	vld [tilespmem:s5+$0x13D20];
	(pc) =	sbr.rel @p1 .LBB2_8-.Ltmp7, $4  }
0xfa: {  	[tilespmem:s5+$0x13CC0] =	vst v9;
	v13 =	vmul.f32 v29, v13;
	v7 =	vld [tilespmem:s5+$0x13D30]  }
0xfb: {  	[tilespmem:s5+$0x13CD0] =	vst v12;
	v12 =	vmul.f32 v30, v10;
	v9 =	vld [tilespmem:s5+$0x13D40]  }
0xfc: {  	[tilespmem:s5+$0x13CE0] =	vst v13;
	v13 =	vmul.f32 v31, v11;
	v10 =	vld [tilespmem:s5+$0x13D50]  }
0xfd: {  	s7 =	sadd.s32 $0x800, s7;
	[tilespmem:s5+$0x13CF0] =	vst v12;
	v12 =	vmul.f32 v32, v14;
	v11 =	vld [tilespmem:s5+$0x13D60]  }
0xfe: {  	[tilespmem:s5+$0x13D00] =	vst v13;
	v6 =	vmul.f32 v6, v8;
	v63 =	vld [tilespmem:s5+$0x13D70]  }
0xff: {  	[tilespmem:s5+$0x13D10] =	vst v12;
	v5 =	vmul.f32 v5, v7  }
0x100: {  	[tilespmem:s5+$0x13D20] =	vst v6;
	v4 =	vmul.f32 v4, v9  }
0x101: {  	[tilespmem:s5+$0x13D30] =	vst v5;
	v3 =	vmul.f32 v3, v10  }
0x102: {  	[tilespmem:s5+$0x13D40] =	vst v4;
	v2 =	vmul.f32 v2, v11  }
0x103: {  	p1 =	sgt.u32 s20, $0x7A;
	[tilespmem:s5+$0x13D50] =	vst v3;
	v1 =	vmul.f32 v1, v63  }
0x104: {  	s7 =	sadd.s32 @!p1 s20, s10;
	[tilespmem:s5+$0x13D60] =	vst v2  }
0x105: {  	[tilespmem:s5+$0x13D70] =	vst v1;
	s5 =	smul.u32 @!p1 $0x1E, s7  }
0x106: {  	[spmem:s4] =	stream.indirect.scatter.add.f32 [tilespmem:s19], [sflag:$0x5], $0x80, s31, s18, $0xb8;
	[tilespmem:$0x1DB80] =	vst v63  }
0x107: {  	s15 =	simm.s32 @!p1 $0x13880;
	s7 =	simm.s32 @!p1 $0x0;
	s5 =	sadd.s32 @!p1 s0, s5  }
0x108: {  	[tilespmem:s15], [sflag:$0x3] =	stream.linear.gather @!p1 [hbm4b:s5+s7], $0xF0, $0x38;
	[tilespmem:$0x1DB80] =	vst v63  }
0x109: {  	p1 =	seq.s32 s21, $0x0  }
.Ltmp8:
0x10a: {  	_ = 	snop;
	(pc) =	sbr.rel @p1 .LBB2_13-.Ltmp8, $1  }
0x10b: {  	_ =	sdelay $0x3  }
.LBB2_10:
0x10c: {  	_ =	swait.ge [sflag:s22], $0x2800  }
0x10d: {  	[sflag:s22] =	ssyncset.done $0x0  }
0x10e: {  	[sflag:s22] =	ssyncadd.s32 $0xFFFFD800  }
0x10f: {  	_ =	swait.ge [sflag:s22], $0x2800  }
0x110: {  	p1 =	seq.s32 s20, $0x7C;
	[sflag:s22] =	ssyncset.done $0x0  }
0x111: {  	s5 =	simm.s32 @!p1 $0x5;
	[sflag:s22] =	ssyncadd.s32 $0xFFFFD800  }
0x112: {  	_ =	swait.ge @!p1 [sflag:s5], $0x2800  }
0x113: {  	[sflag:s5] =	ssyncset.done @!p1 $0x0  }
0x114: {  	[sflag:s5] =	ssyncadd.s32 @!p1 $0xFFFFD800;
	s5 =	simm.s32 @!p1 $0x3  }
0x115: {  	_ =	swait.ge @!p1 [sflag:s5], $0xF0  }
0x116: {  	[sflag:s5] =	ssyncset.done @!p1 $0x0  }
0x117: {  	[sflag:s5] =	ssyncadd.s32 @!p1 $0xFFFFFF10  }
0x118: {  	v1 =	vld @!p1 [tilespmem:$0x13880]  }
0x119: {  	v2 =	vld @!p1 [tilespmem:$0x138D0]  }
0x11a: {  	v3 =	vld @!p1 [tilespmem:$0x13890]  }
0x11b: {  	v4 =	vld @!p1 [tilespmem:$0x138E0]  }
0x11c: {  	v5 =	vld @!p1 [tilespmem:$0x138A0];
	_ =	sdelay $0x2  }
0x11d: {  	v6 =	vld @!p1 [tilespmem:$0x138F0];
	[tilespmem:$0x13A80] =	vst @!p1 v2  }
0x11e: {  	v1 =	vadd.s32 @!p1 v0, v1;
	v2 =	vadd.s32 @!p1 v0, v3;
	v3 =	vld @!p1 [tilespmem:$0x13900];
	[tilespmem:$0x13A90] =	vst @!p1 v4  }
0x11f: {  	v4 =	vadd.s32 @!p1 v0, v5;
	[tilespmem:$0x13880] =	vst @!p1 v1;
	v1 =	vld @!p1 [tilespmem:$0x138B0]  }
0x120: {  	[tilespmem:$0x138A0] =	vst @!p1 v4;
	v4 =	vld @!p1 [tilespmem:$0x13910]  }
0x121: {  	[tilespmem:$0x13890] =	vst @!p1 v2;
	v2 =	vld @!p1 [tilespmem:$0x138C0];
	_ =	sdelay $0x1  }
0x122: {  	[tilespmem:$0x13AA0] =	vst @!p1 v6  }
0x123: {  	[tilespmem:$0x13AB0] =	vst @!p1 v3  }
0x124: {  	v1 =	vadd.s32 @!p1 v0, v1;
	[tilespmem:$0x13AC0] =	vst @!p1 v4  }
0x125: {  	[tilespmem:$0x138B0] =	vst @!p1 v1;
	v1 =	vadd.s32 @!p1 v0, v2  }
0x126: {  	s7 =	simm.s32 @!p1 $0x13880;
	s15 =	simm.s32 @!p1 $0x13B80;
	s5 =	simm.s32 @!p1 $0x50;
	[tilespmem:$0x138C0] =	vst @!p1 v1  }
0x127: {  	[tilespmem:s15], [sflag:$0x1] =	stream.indirect.gather @!p1 [hbm4b:s6+s5], $0x80, s7, s5, $0xb8;
	[tilespmem:$0x1DB80] =	vst v63  }
0x128: {  	s7 =	simm.s32 @!p1 $0x13920;
	s15 =	simm.s32 @!p1 $0x16380  }
0x129: {  	[tilespmem:s15], [sflag:$0x1] =	stream.indirect.gather @!p1 [hbm4b:s3+s5], $0x80, s7, s5, $0xb8;
	[tilespmem:$0x1DB80] =	vst v63  }
0x12a: {  	s5 =	simm.s32 $0x0  }
0x12b: {  	v7 =	vld [tilespmem:s5+$0x1B380]  }
0x12c: {  	v8 =	vld [tilespmem:s5+$0x1B390]  }
0x12d: {  	v9 =	vld [tilespmem:s5+$0x1B3A0]  }
0x12e: {  	v10 =	vld [tilespmem:s5+$0x1B3B0]  }
0x12f: {  	v11 =	vld [tilespmem:s5+$0x1B3C0]  }
0x130: {  	v12 =	vld [tilespmem:s5+$0x1B3D0]  }
0x131: {  	v13 =	vld [tilespmem:s5+$0x1B3E0]  }
0x132: {  	v14 =	vld [tilespmem:s5+$0x1B3F0]  }
0x133: {  	v15 =	vld [tilespmem:s5+$0x1B400]  }
0x134: {  	v16 =	vld [tilespmem:s5+$0x1B410]  }
0x135: {  	v17 =	vld [tilespmem:s5+$0x1B420]  }
0x136: {  	v18 =	vld [tilespmem:s5+$0x1B430]  }
0x137: {  	v19 =	vld [tilespmem:s5+$0x1B440]  }
0x138: {  	v20 =	vld [tilespmem:s5+$0x1B450]  }
0x139: {  	v21 =	vld [tilespmem:s5+$0x1B460]  }
0x13a: {  	v22 =	vld [tilespmem:s5+$0x1B470]  }
0x13b: {  	v23 =	vld [tilespmem:s5+$0x1B480]  }
0x13c: {  	v24 =	vld [tilespmem:s5+$0x1B490]  }
0x13d: {  	v25 =	vld [tilespmem:s5+$0x1B4A0]  }
0x13e: {  	v26 =	vld [tilespmem:s5+$0x1B4B0]  }
0x13f: {  	v27 =	vld [tilespmem:s5+$0x1B4C0]  }
0x140: {  	v28 =	vld [tilespmem:s5+$0x1B4D0]  }
0x141: {  	v29 =	vld [tilespmem:s5+$0x1B4E0]  }
0x142: {  	v30 =	vld [tilespmem:s5+$0x1B4F0]  }
0x143: {  	v31 =	vld [tilespmem:s5+$0x1B500]  }
0x144: {  	v32 =	vld [tilespmem:s5+$0x1B510]  }
0x145: {  	v6 =	vld [tilespmem:s5+$0x1B520]  }
0x146: {  	v5 =	vld [tilespmem:s5+$0x1B530]  }
0x147: {  	v4 =	vld [tilespmem:s5+$0x1B540]  }
0x148: {  	v3 =	vld [tilespmem:s5+$0x1B550]  }
0x149: {  	v2 =	vld [tilespmem:s5+$0x1B560]  }
0x14a: {  	v33 =	vld [tilespmem:s5+$0x18B80]  }
0x14b: {  	v34 =	vld [tilespmem:s5+$0x18B90]  }
0x14c: {  	v35 =	vld [tilespmem:s5+$0x18BA0]  }
0x14d: {  	v36 =	vld [tilespmem:s5+$0x18BB0]  }
0x14e: {  	v37 =	vld [tilespmem:s5+$0x18BC0]  }
0x14f: {  	v63 =	vld [tilespmem:s5+$0x18BD0];
	v7 =	vmul.f32 v7, v33  }
0x150: {  	v38 =	vld [tilespmem:s5+$0x18BE0];
	v8 =	vmul.f32 v8, v34  }
0x151: {  	v9 =	vmul.f32 v9, v35;
	[tilespmem:s5+$0x18B80] =	vst v7;
	v7 =	vld [tilespmem:s5+$0x18BF0]  }
0x152: {  	v10 =	vmul.f32 v10, v36;
	[tilespmem:s5+$0x18B90] =	vst v8;
	v8 =	vld [tilespmem:s5+$0x18C00]  }
0x153: {  	v11 =	vmul.f32 v11, v37;
	[tilespmem:s5+$0x18BA0] =	vst v9;
	v9 =	vld [tilespmem:s5+$0x18C10]  }
0x154: {  	v12 =	vmul.f32 v12, v63;
	[tilespmem:s5+$0x18BB0] =	vst v10;
	v10 =	vld [tilespmem:s5+$0x18C20]  }
0x155: {  	v13 =	vmul.f32 v13, v38;
	[tilespmem:s5+$0x18BC0] =	vst v11;
	v11 =	vld [tilespmem:s5+$0x18C30]  }
0x156: {  	[tilespmem:s5+$0x18BD0] =	vst v12;
	v12 =	vld [tilespmem:s5+$0x18C40];
	v7 =	vmul.f32 v14, v7  }
0x157: {  	[tilespmem:s5+$0x18BE0] =	vst v13;
	v13 =	vld [tilespmem:s5+$0x18C50];
	v8 =	vmul.f32 v15, v8  }
0x158: {  	v9 =	vmul.f32 v16, v9;
	[tilespmem:s5+$0x18BF0] =	vst v7;
	v7 =	vld [tilespmem:s5+$0x18C60]  }
0x159: {  	v10 =	vmul.f32 v17, v10;
	[tilespmem:s5+$0x18C00] =	vst v8;
	v8 =	vld [tilespmem:s5+$0x18C70]  }
0x15a: {  	v11 =	vmul.f32 v18, v11;
	[tilespmem:s5+$0x18C10] =	vst v9;
	v9 =	vld [tilespmem:s5+$0x18C80]  }
0x15b: {  	v12 =	vmul.f32 v19, v12;
	[tilespmem:s5+$0x18C20] =	vst v10;
	v10 =	vld [tilespmem:s5+$0x18C90]  }
0x15c: {  	v13 =	vmul.f32 v20, v13;
	[tilespmem:s5+$0x18C30] =	vst v11;
	v11 =	vld [tilespmem:s5+$0x18CA0]  }
0x15d: {  	[tilespmem:s5+$0x18C40] =	vst v12;
	v12 =	vld [tilespmem:s5+$0x18CB0];
	v7 =	vmul.f32 v21, v7  }
0x15e: {  	[tilespmem:s5+$0x18C50] =	vst v13;
	v13 =	vld [tilespmem:s5+$0x18CC0]  }
0x15f: {  	v8 =	vmul.f32 v22, v8;
	[tilespmem:s5+$0x18C60] =	vst v7;
	v7 =	vld [tilespmem:s5+$0x18CD0]  }
0x160: {  	v1 =	vld [tilespmem:s5+$0x1B570];
	v9 =	vmul.f32 v23, v9  }
0x161: {  	[tilespmem:s5+$0x18C70] =	vst v8;
	v8 =	vmul.f32 v24, v10;
	v10 =	vld [tilespmem:s5+$0x18CF0]  }
0x162: {  	v14 =	vld [tilespmem:s5+$0x18CE0];
	[tilespmem:s5+$0x18C80] =	vst v9;
	v9 =	vmul.f32 v25, v11  }
0x163: {  	v11 =	vld [tilespmem:s5+$0x18D00];
	[tilespmem:s5+$0x18C90] =	vst v8;
	v8 =	vmul.f32 v26, v12  }
0x164: {  	[tilespmem:s5+$0x18CA0] =	vst v9;
	v12 =	vld [tilespmem:s5+$0x18D10];
	v9 =	vmul.f32 v27, v13;
	v13 =	vmul.f32 v28, v7  }
0x165: {  	[tilespmem:s5+$0x18CB0] =	vst v8;
	v8 =	vld [tilespmem:s5+$0x18D20]  }
0x166: {  	v7 =	vld [tilespmem:s5+$0x18D30];
	[tilespmem:s5+$0x18CD0] =	vst v13;
	v13 =	vmul.f32 v30, v10  }
0x167: {  	v14 =	vmul.f32 v29, v14;
	[tilespmem:s5+$0x18CC0] =	vst v9;
	v9 =	vld [tilespmem:s5+$0x18D40]  }
0x168: {  	v10 =	vld [tilespmem:s5+$0x18D50];
	[tilespmem:s5+$0x18CF0] =	vst v13;
	v13 =	vmul.f32 v31, v11  }
0x169: {  	s7 =	simm.s32 $0x800;
	[tilespmem:s5+$0x18CE0] =	vst v14;
	v12 =	vmul.f32 v32, v12;
	v11 =	vld [tilespmem:s5+$0x18D60]  }
.LBB2_11:
0x16a: {  	s15 =	sshra.s32 s7, $0x2;
	p1 =	sne.s32 s7, $0x9800;
	[tilespmem:s5+$0x18D00] =	vst v13;
	v6 =	vmul.f32 v6, v8;
	v8 =	vld [tilespmem:s5+$0x18D70]  }
0x16b: {  	v13 =	vld [tilespmem:s15+$0x1B380];
	[tilespmem:s5+$0x18D10] =	vst v12;
	v5 =	vmul.f32 v5, v7  }
0x16c: {  	v7 =	vld [tilespmem:s15+$0x1B390];
	[tilespmem:s5+$0x18D20] =	vst v6;
	v4 =	vmul.f32 v4, v9  }
0x16d: {  	v9 =	vld [tilespmem:s15+$0x1B3A0];
	[tilespmem:s5+$0x18D30] =	vst v5;
	v3 =	vmul.f32 v3, v10  }
0x16e: {  	v10 =	vld [tilespmem:s15+$0x1B3B0];
	[tilespmem:s5+$0x18D40] =	vst v4;
	v2 =	vmul.f32 v2, v11  }
0x16f: {  	v11 =	vld [tilespmem:s15+$0x1B3C0];
	[tilespmem:s5+$0x18D50] =	vst v3;
	v1 =	vmul.f32 v1, v8  }
0x170: {  	v8 =	vld [tilespmem:s15+$0x1B3D0];
	[tilespmem:s5+$0x18D60] =	vst v2  }
0x171: {  	v12 =	vld [tilespmem:s15+$0x1B3E0];
	[tilespmem:s5+$0x18D70] =	vst v1;
	s5 =	smov.u32 s15  }
0x172: {  	v14 =	vld [tilespmem:s5+$0x1B3F0]  }
0x173: {  	v15 =	vld [tilespmem:s5+$0x1B400]  }
0x174: {  	v16 =	vld [tilespmem:s5+$0x1B410]  }
0x175: {  	v17 =	vld [tilespmem:s5+$0x1B420]  }
0x176: {  	v18 =	vld [tilespmem:s5+$0x1B430]  }
0x177: {  	v19 =	vld [tilespmem:s5+$0x1B440]  }
0x178: {  	v20 =	vld [tilespmem:s5+$0x1B450]  }
0x179: {  	v21 =	vld [tilespmem:s5+$0x1B460]  }
0x17a: {  	v22 =	vld [tilespmem:s5+$0x1B470]  }
0x17b: {  	v23 =	vld [tilespmem:s5+$0x1B480]  }
0x17c: {  	v24 =	vld [tilespmem:s5+$0x1B490]  }
0x17d: {  	v25 =	vld [tilespmem:s5+$0x1B4A0]  }
0x17e: {  	v26 =	vld [tilespmem:s5+$0x1B4B0]  }
0x17f: {  	v27 =	vld [tilespmem:s5+$0x1B4C0]  }
0x180: {  	v28 =	vld [tilespmem:s5+$0x1B4D0]  }
0x181: {  	v29 =	vld [tilespmem:s5+$0x1B4E0]  }
0x182: {  	v30 =	vld [tilespmem:s5+$0x1B4F0]  }
0x183: {  	v31 =	vld [tilespmem:s5+$0x1B500]  }
0x184: {  	v32 =	vld [tilespmem:s5+$0x1B510]  }
0x185: {  	v6 =	vld [tilespmem:s5+$0x1B520]  }
0x186: {  	v5 =	vld [tilespmem:s5+$0x1B530]  }
0x187: {  	v4 =	vld [tilespmem:s5+$0x1B540]  }
0x188: {  	v3 =	vld [tilespmem:s5+$0x1B550]  }
0x189: {  	v2 =	vld [tilespmem:s5+$0x1B560]  }
0x18a: {  	v1 =	vld [tilespmem:s5+$0x1B570]  }
0x18b: {  	v33 =	vld [tilespmem:s5+$0x18B80]  }
0x18c: {  	v34 =	vld [tilespmem:s5+$0x18B90]  }
0x18d: {  	v35 =	vld [tilespmem:s5+$0x18BA0]  }
0x18e: {  	v36 =	vld [tilespmem:s5+$0x18BB0]  }
0x18f: {  	v37 =	vld [tilespmem:s5+$0x18BC0]  }
0x190: {  	v13 =	vmul.f32 v13, v33;
	v33 =	vld [tilespmem:s5+$0x18BD0]  }
0x191: {  	v7 =	vmul.f32 v7, v34;
	v34 =	vld [tilespmem:s5+$0x18BE0]  }
0x192: {  	[tilespmem:s5+$0x18B80] =	vst v13;
	v9 =	vmul.f32 v9, v35;
	v13 =	vld [tilespmem:s5+$0x18BF0]  }
0x193: {  	[tilespmem:s5+$0x18B90] =	vst v7;
	v7 =	vmul.f32 v10, v36;
	v10 =	vld [tilespmem:s5+$0x18C00]  }
0x194: {  	[tilespmem:s5+$0x18BA0] =	vst v9;
	v9 =	vmul.f32 v11, v37;
	v11 =	vld [tilespmem:s5+$0x18C10]  }
0x195: {  	[tilespmem:s5+$0x18BB0] =	vst v7;
	v7 =	vmul.f32 v8, v33;
	v8 =	vld [tilespmem:s5+$0x18C20]  }
0x196: {  	[tilespmem:s5+$0x18BC0] =	vst v9;
	v9 =	vmul.f32 v12, v34;
	v12 =	vld [tilespmem:s5+$0x18C30]  }
0x197: {  	[tilespmem:s5+$0x18BD0] =	vst v7;
	v7 =	vmul.f32 v14, v13;
	v13 =	vld [tilespmem:s5+$0x18C40]  }
0x198: {  	[tilespmem:s5+$0x18BE0] =	vst v9;
	v9 =	vmul.f32 v15, v10;
	v10 =	vld [tilespmem:s5+$0x18C50]  }
0x199: {  	[tilespmem:s5+$0x18BF0] =	vst v7;
	v7 =	vmul.f32 v16, v11;
	v11 =	vld [tilespmem:s5+$0x18C60]  }
0x19a: {  	[tilespmem:s5+$0x18C00] =	vst v9;
	v8 =	vmul.f32 v17, v8;
	v9 =	vld [tilespmem:s5+$0x18C70]  }
0x19b: {  	[tilespmem:s5+$0x18C10] =	vst v7;
	v7 =	vmul.f32 v18, v12;
	v12 =	vld [tilespmem:s5+$0x18C80]  }
0x19c: {  	[tilespmem:s5+$0x18C20] =	vst v8;
	v8 =	vmul.f32 v19, v13;
	v13 =	vld [tilespmem:s5+$0x18C90]  }
0x19d: {  	[tilespmem:s5+$0x18C30] =	vst v7;
	v7 =	vmul.f32 v20, v10;
	v10 =	vld [tilespmem:s5+$0x18CA0]  }
0x19e: {  	[tilespmem:s5+$0x18C40] =	vst v8;
	v8 =	vmul.f32 v21, v11;
	v11 =	vld [tilespmem:s5+$0x18CB0]  }
0x19f: {  	[tilespmem:s5+$0x18C50] =	vst v7;
	v7 =	vmul.f32 v22, v9;
	v9 =	vld [tilespmem:s5+$0x18CC0]  }
0x1a0: {  	[tilespmem:s5+$0x18C60] =	vst v8;
	v8 =	vmul.f32 v23, v12;
	v12 =	vld [tilespmem:s5+$0x18CD0]  }
0x1a1: {  	[tilespmem:s5+$0x18C70] =	vst v7;
	v7 =	vmul.f32 v24, v13;
	v13 =	vld [tilespmem:s5+$0x18CE0]  }
0x1a2: {  	[tilespmem:s5+$0x18C80] =	vst v8;
	v8 =	vmul.f32 v25, v10;
	v10 =	vld [tilespmem:s5+$0x18CF0]  }
0x1a3: {  	[tilespmem:s5+$0x18C90] =	vst v7;
	v7 =	vmul.f32 v26, v11;
	v11 =	vld [tilespmem:s5+$0x18D00]  }
0x1a4: {  	[tilespmem:s5+$0x18CA0] =	vst v8;
	v9 =	vmul.f32 v27, v9;
	v14 =	vld [tilespmem:s5+$0x18D10]  }
.Ltmp9:
0x1a5: {  	[tilespmem:s5+$0x18CB0] =	vst v7;
	v12 =	vmul.f32 v28, v12;
	v8 =	vld [tilespmem:s5+$0x18D20];
	(pc) =	sbr.rel @p1 .LBB2_11-.Ltmp9, $4  }
0x1a6: {  	[tilespmem:s5+$0x18CC0] =	vst v9;
	v13 =	vmul.f32 v29, v13;
	v7 =	vld [tilespmem:s5+$0x18D30]  }
0x1a7: {  	[tilespmem:s5+$0x18CD0] =	vst v12;
	v12 =	vmul.f32 v30, v10;
	v9 =	vld [tilespmem:s5+$0x18D40]  }
0x1a8: {  	[tilespmem:s5+$0x18CE0] =	vst v13;
	v13 =	vmul.f32 v31, v11;
	v10 =	vld [tilespmem:s5+$0x18D50]  }
0x1a9: {  	s7 =	sadd.s32 $0x800, s7;
	[tilespmem:s5+$0x18CF0] =	vst v12;
	v12 =	vmul.f32 v32, v14;
	v11 =	vld [tilespmem:s5+$0x18D60]  }
0x1aa: {  	[tilespmem:s5+$0x18D00] =	vst v13;
	v6 =	vmul.f32 v6, v8;
	v63 =	vld [tilespmem:s5+$0x18D70]  }
0x1ab: {  	[tilespmem:s5+$0x18D10] =	vst v12;
	v5 =	vmul.f32 v5, v7  }
0x1ac: {  	[tilespmem:s5+$0x18D20] =	vst v6;
	v4 =	vmul.f32 v4, v9  }
0x1ad: {  	[tilespmem:s5+$0x18D30] =	vst v5;
	v3 =	vmul.f32 v3, v10  }
0x1ae: {  	[tilespmem:s5+$0x18D40] =	vst v4;
	v2 =	vmul.f32 v2, v11  }
0x1af: {  	p1 =	sgt.u32 s20, $0x7A;
	[tilespmem:s5+$0x18D50] =	vst v3;
	v1 =	vmul.f32 v1, v63  }
.Ltmp10:
0x1b0: {  	s7 =	sadd.s32 @!p1 s20, s10;
	[tilespmem:s5+$0x18D60] =	vst v2;
	(pc) =	sbr.rel .LBB2_13-.Ltmp10, $4  }
0x1b1: {  	[tilespmem:s5+$0x18D70] =	vst v1;
	s5 =	smul.u32 @!p1 $0x1E, s7  }
0x1b2: {  	[spmem:s4] =	stream.indirect.scatter.add.f32 [tilespmem:s24], [sflag:$0x6], $0x80, s23, s18, $0xb8;
	[tilespmem:$0x1DB80] =	vst v63  }
0x1b3: {  	s15 =	simm.s32 @!p1 $0x13980;
	s7 =	simm.s32 @!p1 $0x0;
	s5 =	sadd.s32 @!p1 s0, s5  }
0x1b4: {  	[tilespmem:s15], [sflag:$0x4] =	stream.linear.gather @!p1 [hbm4b:s5+s7], $0xF0, $0x38;
	[tilespmem:$0x1DB80] =	vst v63  }
.LBB2_15:
0x1b5: {  	_ =	sfence.sel $0x180000  }
0x1b6: {  	[bflag:$0x0] =	sbarrier.arrive $0xFFFF  }
0x1b7: {  	_ =	strace $0x9000004A  }
0x1b8: {  	s0 =	stileid.u32;
	[bflag:$0x2] =	sbarrier.arrive $0xFFFF  }
0x1b9: {  	p0 =	sne.s32 s0, $0x0;
	s0 =	rddreg [dreg:$0x4]  }
0x1ba: {  	s0 =	sadd.s32 @!p0 $0x100000, s0  }
0x1bb: {  	[sflag:s0] =	ssyncadd.tile.s32 @!p0 $0x1;
	_ =	shalt  }
.Lfunc_end2:
_tile_overlayer_lowered:
.L_overlay_start_2:
0x1bc: {  	(tag) =	ssettag $0x2  }
0x1bd: {  	s0 =	rddreg [dreg:$0x0];
	s2 =	stileid.u32  }
0x1be: {  	s1 =	rddreg [dreg:$0x1];
	p0 =	sne.s32 s2, $0x0  }
0x1bf: {  	s3 =	rddreg [dreg:$0x2];
	[bflag:$0x3] =	sbarrier.arrive $0xFFFF;
	s2 =	simm.s32 @!p0 $0x1C07  }
0x1c0: {  	[timem:s3], [sflag:s2] =	dma.local @!p0 [hbm:s0], s1  }
0x1c1: {  	s0 =	simm.s32 @!p0 $0x7  }
0x1c2: {  	_ =	swait.ge @!p0 [sflag:s0], s1  }
0x1c3: {  	s1 =	ssub.s32 @!p0 $0x0, s1;
	[sflag:s0] =	ssyncset.done @!p0 $0x0  }
0x1c4: {  	[sflag:s0] =	ssyncadd.s32 @!p0 s1  }
0x1c5: {  	[bflag:$0x3] =	sbarrier.arrive $0xFFFF  }
0x1c6: {  	_ =	shalt  }

</sc_bundles>
